<compile_context>
chip_gen: v7x
topology: tpu7x:2x2x1
jax: 0.10.2.dev20260603
libtpu: 0.0.44.dev20260713+nightly
codegen_flags: <defaults>
</compile_context>

<pallas_src>
import jax
import jax.numpy as jnp
from jax import lax
from jax.experimental import pallas as pl
from jax.experimental.pallas import tpu as pltpu
from jax.experimental.pallas import tpu_sc as plsc

N = 16384
D = 2048
R1 = 1024
NB1 = N // R1

NW = 32
SLICE = N // NW
L = 16
CHUNK = 16


def _pass1_body(hs_ref, ids_ref, copy_ref, fac_ref):
    i = pl.program_id(0)
    x = hs_ref[...]
    copy_ref[...] = x
    fac_ref[i, 0, :] = jnp.sum(x * x, axis=-1)

    @pl.when(i == NB1 - 1)
    def _():
        norms = jnp.sqrt(fac_ref[...])
        mean = jnp.sum(norms) / N
        dev = norms - mean
        std = jnp.sqrt(jnp.sum(dev * dev) / (N - 1))
        thr = mean + 2.0 * std
        ids = ids_ref[...]
        leak = (ids <= 60) & (norms > thr)
        fac_ref[...] = jnp.where(
            leak & (ids <= 40), jnp.float32(0.1),
            jnp.where(leak, jnp.float32(0.5), jnp.float32(1.0)))


def _sc_scatter_body(fac_hbm, hs_hbm, out_ref,
                     fac_v, idx_v, idxc_v, lidxc_v, rows_v, sem):
    wid = lax.axis_index("s") * 2 + lax.axis_index("c")
    base = wid * SLICE
    pltpu.sync_copy(fac_hbm.at[pl.ds(base, SLICE)], fac_v)

    lane = lax.iota(jnp.int32, L)
    k = jnp.int32(0)
    for c in range(SLICE // L):
        f16 = fac_v[pl.ds(c * L, L)]
        mask = f16 < 1.0
        rows16 = lane + (base + c * L)
        pos = k + plsc.cumsum(mask.astype(jnp.int32)) - 1
        plsc.store_scatter(idx_v, [pos], rows16, mask=mask)
        k = k + jnp.sum(mask.astype(jnp.int32))

    def chunk_body(j, _):
        start = j * CHUNK
        idx16 = idx_v[pl.ds(start, L)]
        rem = k - start
        first = plsc.load_gather(idx_v, [jnp.broadcast_to(start, (L,))])
        idxp = jnp.where(lane < rem, idx16, first)
        idxc_v[...] = idxp
        lidxc_v[...] = idxp - base
        pltpu.async_copy(hs_hbm.at[idxc_v], rows_v, sem).wait()
        for r in range(CHUNK):
            lr = plsc.load_gather(lidxc_v, [jnp.full((L,), r, jnp.int32)])
            fr = plsc.load_gather(fac_v, [lr])

            @plsc.parallel_loop(0, D // L, unroll=8)
            def _(t):
                rows_v[r, pl.ds(t * L, L)] = rows_v[r, pl.ds(t * L, L)] * fr
        pltpu.async_copy(rows_v, out_ref.at[idxc_v], sem).wait()
        return 0

    nchunks = lax.div(k + (CHUNK - 1), jnp.int32(CHUNK))
    lax.fori_loop(0, nchunks, chunk_body, 0)


def kernel(hidden_states, namespace_ids):
    B, S, Dh = hidden_states.shape
    hs = hidden_states.reshape(N, D)
    ids3 = namespace_ids.reshape(NB1, 1, R1)

    copy, fac = pl.pallas_call(
        _pass1_body,
        grid=(NB1,),
        compiler_params=pltpu.CompilerParams(
            vmem_limit_bytes=48 * 1024 * 1024),
        in_specs=[
            pl.BlockSpec((R1, D), lambda i: (i, 0)),
            pl.BlockSpec((NB1, 1, R1), lambda i: (0, 0, 0)),
        ],
        out_specs=[
            pl.BlockSpec((R1, D), lambda i: (i, 0)),
            pl.BlockSpec((NB1, 1, R1), lambda i: (0, 0, 0)),
        ],
        out_shape=[
            jax.ShapeDtypeStruct((N, D), jnp.float32),
            jax.ShapeDtypeStruct((NB1, 1, R1), jnp.float32),
        ],
    )(hs, ids3)

    out_ref = jax.new_ref(copy)
    sc_scatter = pl.kernel(
        _sc_scatter_body,
        out_type=(),
        compiler_params=pltpu.CompilerParams(needs_layout_passes=False),
        mesh=plsc.VectorSubcoreMesh(core_axis_name="c", subcore_axis_name="s"),
        scratch_types=[
            pltpu.VMEM((SLICE,), jnp.float32),
            pltpu.VMEM((SLICE + L,), jnp.int32),
            pltpu.VMEM((CHUNK,), jnp.int32),
            pltpu.VMEM((CHUNK,), jnp.int32),
            pltpu.VMEM((CHUNK, D), jnp.float32),
            pltpu.SemaphoreType.DMA,
        ],
    )
    sc_scatter(fac.reshape(N), hs, out_ref)
    out = jax.freeze(out_ref)
    return out.reshape(B, S, Dh)

# --- scband reference (transcript-rebuilt; emitter-appended) ---
"""Pipeline reference for scband-residual-stream-verifier-44573170598843 (READ-ONLY COPY).

The authoritative reference and input builder live on the scoring server;
editing this copy changes nothing except your own understanding.
"""

import jax, jax.numpy as jnp
import numpy as np

def setup_inputs(seed: int = 0) -> dict:
    key = jax.random.key(seed)
    k1, k2 = jax.random.split(key)
    hidden_states = jax.random.normal(k1, (4, 4096, 2048), dtype=jnp.float32)
    namespace_ids = jax.random.randint(k2, (4, 4096), 0, 101, dtype=jnp.int32)
    return {"hidden_states": hidden_states, "namespace_ids": namespace_ids}

def reference(hidden_states, namespace_ids):
    # norms per (batch, pos)
    norms = jnp.linalg.norm(hidden_states, axis=-1)
    mean_norm = jnp.mean(norms)
    # torch.std defaults to unbiased (ddof=1)
    std_norm = jnp.std(norms, ddof=1)
    threshold = mean_norm + 2.0 * std_norm
    # leak positions: trust <= 60 AND norm > mean + 2*std
    leak = (namespace_ids <= 60) & (norms > threshold)
    # cleaning: trust <= 40 -> *0.1 ; 40 < trust <= 60 -> *0.5 ; else unchanged
    factor = jnp.where(leak & (namespace_ids <= 40), 0.1,
             jnp.where(leak & (namespace_ids <= 60), 0.5, 1.0))
    cleaned = hidden_states * factor[..., None]
    return cleaned

if __name__ == "__main__":
    import jax
    _d = setup_inputs()
    print(jax.jit(kernel)(*tuple(_d.values())))

</pallas_src>

<mosaic_0001>
#map = affine_map<(d0, d1) -> (0)>
#map1 = affine_map<(d0, d1) -> (0, 0)>
module attributes {stable_mosaic.version = 14 : i64} {
  func.func @new_body(%arg0: i32, %arg1: i32, %arg2: memref<16384xf32, #tpu.memory_space<hbm>>, %arg3: memref<16384x2048xf32, #tpu.memory_space<hbm>>, %arg4: memref<16384x2048xf32, #tpu.memory_space<hbm>>, %arg5: memref<16384x2048xf32, #tpu.memory_space<hbm>>, %arg6: memref<512xf32, #tpu.memory_space<vmem>>, %arg7: memref<528xi32, #tpu.memory_space<vmem>>, %arg8: memref<16xi32, #tpu.memory_space<vmem>>, %arg9: memref<16xi32, #tpu.memory_space<vmem>>, %arg10: memref<16x2048xf32, #tpu.memory_space<vmem>>, %arg11: memref<!tpu.dma_semaphore, #tpu.memory_space<semaphore_mem>>) attributes {dimension_semantics = [#tpu.dimension_semantics<core_parallel>, #tpu.dimension_semantics<subcore_parallel>], iteration_bounds = array<i64: 2, 16>, scalar_prefetch = 0 : i64, scratch_operands = 6 : i64, tpu.core_type = #tpu.core_type<sc_vector_subcore>, window_params = [{transform_indices = #map}, {transform_indices = #map1}, {transform_indices = #map1}, {transform_indices = #map1}]} {
    %mul3A = arith.constant 2 : i32
    %mul3A_0 = arith.muli %arg1, %mul3A : i32
    %add3A = arith.addi %mul3A_0, %arg0 : i32
    %mul3A_1 = arith.constant 512 : i32
    %mul3A_2 = arith.muli %add3A, %mul3A_1 : i32
    "tpu.region"() ({
      %run_scoped3A = tpu.sem_alloc : memref<!tpu.dma_semaphore, #tpu.memory_space<semaphore_mem>>
      %dma_start3A = tpu.memref_slice %arg2[%mul3A_2] : memref<16384xf32, #tpu.memory_space<hbm>> -> memref<512xf32, #tpu.memory_space<hbm>>
      %dma_start3A_780 = tpu.memref_slice %arg2[%mul3A_2] : memref<16384xf32, #tpu.memory_space<hbm>> -> memref<512xf32, #tpu.memory_space<hbm>>
      tpu.enqueue_dma source(%dma_start3A_780 : memref<512xf32, #tpu.memory_space<hbm>>) target(%arg6 : memref<512xf32, #tpu.memory_space<vmem>>) target_semaphore(%run_scoped3A : memref<!tpu.dma_semaphore, #tpu.memory_space<semaphore_mem>>)
      %dma_wait3A = tpu.memref_slice %arg2[%mul3A_2] : memref<16384xf32, #tpu.memory_space<hbm>> -> memref<512xf32, #tpu.memory_space<hbm>>
      %dma_wait3A_781 = tpu.memref_slice %arg2[%mul3A_2] : memref<16384xf32, #tpu.memory_space<hbm>> -> memref<512xf32, #tpu.memory_space<hbm>>
      tpu.wait_dma2 semaphore(%run_scoped3A : memref<!tpu.dma_semaphore, #tpu.memory_space<semaphore_mem>>) src(%dma_wait3A_781 : memref<512xf32, #tpu.memory_space<hbm>>) dst(%arg6 : memref<512xf32, #tpu.memory_space<vmem>>)
      tpu.yield
    }) : () -> ()
    %iota3A = tpu.iota {dimensions = array<i32: 0>} : vector<16xi32>
    %get3A = arith.constant 0 : index
    %get3A_3 = tpu.vector_load %arg6[%get3A] {strides = array<i32>} : memref<512xf32, #tpu.memory_space<vmem>>, vector<16xf32>,
    %lt3A = arith.constant 1.000000e+00 : f32
    %lt3A_4 = vector.broadcast %lt3A : f32 to vector<16xf32>
    %lt3A_5 = arith.cmpf olt, %get3A_3, %lt3A_4 : vector<16xf32>
    %add3A_6 = arith.constant 0 : i32
    %add3A_7 = arith.addi %mul3A_2, %add3A_6 : i32
    %add3A_8 = vector.broadcast %add3A_7 : i32 to vector<16xi32>
    %add3A_9 = arith.addi %iota3A, %add3A_8 : vector<16xi32>
    %convert_element_type3A = arith.extui %lt3A_5 : vector<16xi1> to vector<16xi32>
    %broadcast_in_dim3A = arith.constant true
    %broadcast_in_dim3A_10 = vector.broadcast %broadcast_in_dim3A : i1 to vector<16xi1>
    %masked_cumsum3A = tpu.scan <sum>, %convert_element_type3A masked %broadcast_in_dim3A_10 : vector<16xi32>, vector<16xi1> -> vector<16xi32>
    %add3A_11 = arith.constant 0 : i32
    %add3A_12 = vector.broadcast %add3A_11 : i32 to vector<16xi32>
    %add3A_13 = arith.addi %add3A_12, %masked_cumsum3A : vector<16xi32>
    %sub3A = arith.constant 1 : i32
    %sub3A_14 = vector.broadcast %sub3A : i32 to vector<16xi32>
    %sub3A_15 = arith.subi %add3A_13, %sub3A_14 : vector<16xi32>
    tpu.vector_store_idx %arg7[%sub3A_15], %add3A_9 masked %lt3A_5 : memref<528xi32, #tpu.memory_space<vmem>>[vector<16xi32>], vector<16xi32>, vector<16xi1>
    %convert_element_type3A_16 = arith.extui %lt3A_5 : vector<16xi1> to vector<16xi32>
    %reduce_sum3A = arith.constant true
    %reduce_sum3A_17 = vector.broadcast %reduce_sum3A : i1 to vector<16xi1>
    %reduce_sum3A_18 = tpu.scan <sum>, %convert_element_type3A_16 masked %reduce_sum3A_17 : vector<16xi32>, vector<16xi1> -> vector<16xi32>
    %reduce_sum3A_19 = vector.extract %reduce_sum3A_18[15] : i32 from vector<16xi32>
    %add3A_20 = arith.constant 0 : i32
    %add3A_21 = arith.addi %add3A_20, %reduce_sum3A_19 : i32
    %get3A_22 = arith.constant 16 : index
    %get3A_23 = tpu.vector_load %arg6[%get3A_22] {strides = array<i32>} : memref<512xf32, #tpu.memory_space<vmem>>, vector<16xf32>,
    %lt3A_24 = arith.constant 1.000000e+00 : f32
    %lt3A_25 = vector.broadcast %lt3A_24 : f32 to vector<16xf32>
    %lt3A_26 = arith.cmpf olt, %get3A_23, %lt3A_25 : vector<16xf32>
    %add3A_27 = arith.constant 16 : i32
    %add3A_28 = arith.addi %mul3A_2, %add3A_27 : i32
    %add3A_29 = vector.broadcast %add3A_28 : i32 to vector<16xi32>
    %add3A_30 = arith.addi %iota3A, %add3A_29 : vector<16xi32>
    %convert_element_type3A_31 = arith.extui %lt3A_26 : vector<16xi1> to vector<16xi32>
    %broadcast_in_dim3A_32 = arith.constant true
    %broadcast_in_dim3A_33 = vector.broadcast %broadcast_in_dim3A_32 : i1 to vector<16xi1>
    %masked_cumsum3A_34 = tpu.scan <sum>, %convert_element_type3A_31 masked %broadcast_in_dim3A_33 : vector<16xi32>, vector<16xi1> -> vector<16xi32>
    %add3A_35 = vector.broadcast %add3A_21 : i32 to vector<16xi32>
    %add3A_36 = arith.addi %add3A_35, %masked_cumsum3A_34 : vector<16xi32>
    %sub3A_37 = arith.constant 1 : i32
    %sub3A_38 = vector.broadcast %sub3A_37 : i32 to vector<16xi32>
    %sub3A_39 = arith.subi %add3A_36, %sub3A_38 : vector<16xi32>
    tpu.vector_store_idx %arg7[%sub3A_39], %add3A_30 masked %lt3A_26 : memref<528xi32, #tpu.memory_space<vmem>>[vector<16xi32>], vector<16xi32>, vector<16xi1>
    %convert_element_type3A_40 = arith.extui %lt3A_26 : vector<16xi1> to vector<16xi32>
    %reduce_sum3A_41 = arith.constant true
    %reduce_sum3A_42 = vector.broadcast %reduce_sum3A_41 : i1 to vector<16xi1>
    %reduce_sum3A_43 = tpu.scan <sum>, %convert_element_type3A_40 masked %reduce_sum3A_42 : vector<16xi32>, vector<16xi1> -> vector<16xi32>
    %reduce_sum3A_44 = vector.extract %reduce_sum3A_43[15] : i32 from vector<16xi32>
    %add3A_45 = arith.addi %add3A_21, %reduce_sum3A_44 : i32
    %get3A_46 = arith.constant 32 : index
    %get3A_47 = tpu.vector_load %arg6[%get3A_46] {strides = array<i32>} : memref<512xf32, #tpu.memory_space<vmem>>, vector<16xf32>,
    %lt3A_48 = arith.constant 1.000000e+00 : f32
    %lt3A_49 = vector.broadcast %lt3A_48 : f32 to vector<16xf32>
    %lt3A_50 = arith.cmpf olt, %get3A_47, %lt3A_49 : vector<16xf32>
    %add3A_51 = arith.constant 32 : i32
    %add3A_52 = arith.addi %mul3A_2, %add3A_51 : i32
    %add3A_53 = vector.broadcast %add3A_52 : i32 to vector<16xi32>
    %add3A_54 = arith.addi %iota3A, %add3A_53 : vector<16xi32>
    %convert_element_type3A_55 = arith.extui %lt3A_50 : vector<16xi1> to vector<16xi32>
    %broadcast_in_dim3A_56 = arith.constant true
    %broadcast_in_dim3A_57 = vector.broadcast %broadcast_in_dim3A_56 : i1 to vector<16xi1>
    %masked_cumsum3A_58 = tpu.scan <sum>, %convert_element_type3A_55 masked %broadcast_in_dim3A_57 : vector<16xi32>, vector<16xi1> -> vector<16xi32>
    %add3A_59 = vector.broadcast %add3A_45 : i32 to vector<16xi32>
    %add3A_60 = arith.addi %add3A_59, %masked_cumsum3A_58 : vector<16xi32>
    %sub3A_61 = arith.constant 1 : i32
    %sub3A_62 = vector.broadcast %sub3A_61 : i32 to vector<16xi32>
    %sub3A_63 = arith.subi %add3A_60, %sub3A_62 : vector<16xi32>
    tpu.vector_store_idx %arg7[%sub3A_63], %add3A_54 masked %lt3A_50 : memref<528xi32, #tpu.memory_space<vmem>>[vector<16xi32>], vector<16xi32>, vector<16xi1>
    %convert_element_type3A_64 = arith.extui %lt3A_50 : vector<16xi1> to vector<16xi32>
    %reduce_sum3A_65 = arith.constant true
    %reduce_sum3A_66 = vector.broadcast %reduce_sum3A_65 : i1 to vector<16xi1>
    %reduce_sum3A_67 = tpu.scan <sum>, %convert_element_type3A_64 masked %reduce_sum3A_66 : vector<16xi32>, vector<16xi1> -> vector<16xi32>
    %reduce_sum3A_68 = vector.extract %reduce_sum3A_67[15] : i32 from vector<16xi32>
    %add3A_69 = arith.addi %add3A_45, %reduce_sum3A_68 : i32
    %get3A_70 = arith.constant 48 : index
    %get3A_71 = tpu.vector_load %arg6[%get3A_70] {strides = array<i32>} : memref<512xf32, #tpu.memory_space<vmem>>, vector<16xf32>,
    %lt3A_72 = arith.constant 1.000000e+00 : f32
    %lt3A_73 = vector.broadcast %lt3A_72 : f32 to vector<16xf32>
    %lt3A_74 = arith.cmpf olt, %get3A_71, %lt3A_73 : vector<16xf32>
    %add3A_75 = arith.constant 48 : i32
    %add3A_76 = arith.addi %mul3A_2, %add3A_75 : i32
    %add3A_77 = vector.broadcast %add3A_76 : i32 to vector<16xi32>
    %add3A_78 = arith.addi %iota3A, %add3A_77 : vector<16xi32>
    %convert_element_type3A_79 = arith.extui %lt3A_74 : vector<16xi1> to vector<16xi32>
    %broadcast_in_dim3A_80 = arith.constant true
    %broadcast_in_dim3A_81 = vector.broadcast %broadcast_in_dim3A_80 : i1 to vector<16xi1>
    %masked_cumsum3A_82 = tpu.scan <sum>, %convert_element_type3A_79 masked %broadcast_in_dim3A_81 : vector<16xi32>, vector<16xi1> -> vector<16xi32>
    %add3A_83 = vector.broadcast %add3A_69 : i32 to vector<16xi32>
    %add3A_84 = arith.addi %add3A_83, %masked_cumsum3A_82 : vector<16xi32>
    %sub3A_85 = arith.constant 1 : i32
    %sub3A_86 = vector.broadcast %sub3A_85 : i32 to vector<16xi32>
    %sub3A_87 = arith.subi %add3A_84, %sub3A_86 : vector<16xi32>
    tpu.vector_store_idx %arg7[%sub3A_87], %add3A_78 masked %lt3A_74 : memref<528xi32, #tpu.memory_space<vmem>>[vector<16xi32>], vector<16xi32>, vector<16xi1>
    %convert_element_type3A_88 = arith.extui %lt3A_74 : vector<16xi1> to vector<16xi32>
    %reduce_sum3A_89 = arith.constant true
    %reduce_sum3A_90 = vector.broadcast %reduce_sum3A_89 : i1 to vector<16xi1>
    %reduce_sum3A_91 = tpu.scan <sum>, %convert_element_type3A_88 masked %reduce_sum3A_90 : vector<16xi32>, vector<16xi1> -> vector<16xi32>
    %reduce_sum3A_92 = vector.extract %reduce_sum3A_91[15] : i32 from vector<16xi32>
    %add3A_93 = arith.addi %add3A_69, %reduce_sum3A_92 : i32
    %get3A_94 = arith.constant 64 : index
    %get3A_95 = tpu.vector_load %arg6[%get3A_94] {strides = array<i32>} : memref<512xf32, #tpu.memory_space<vmem>>, vector<16xf32>,
    %lt3A_96 = arith.constant 1.000000e+00 : f32
    %lt3A_97 = vector.broadcast %lt3A_96 : f32 to vector<16xf32>
    %lt3A_98 = arith.cmpf olt, %get3A_95, %lt3A_97 : vector<16xf32>
    %add3A_99 = arith.constant 64 : i32
    %add3A_100 = arith.addi %mul3A_2, %add3A_99 : i32
    %add3A_101 = vector.broadcast %add3A_100 : i32 to vector<16xi32>
    %add3A_102 = arith.addi %iota3A, %add3A_101 : vector<16xi32>
    %convert_element_type3A_103 = arith.extui %lt3A_98 : vector<16xi1> to vector<16xi32>
    %broadcast_in_dim3A_104 = arith.constant true
    %broadcast_in_dim3A_105 = vector.broadcast %broadcast_in_dim3A_104 : i1 to vector<16xi1>
    %masked_cumsum3A_106 = tpu.scan <sum>, %convert_element_type3A_103 masked %broadcast_in_dim3A_105 : vector<16xi32>, vector<16xi1> -> vector<16xi32>
    %add3A_107 = vector.broadcast %add3A_93 : i32 to vector<16xi32>
    %add3A_108 = arith.addi %add3A_107, %masked_cumsum3A_106 : vector<16xi32>
    %sub3A_109 = arith.constant 1 : i32
    %sub3A_110 = vector.broadcast %sub3A_109 : i32 to vector<16xi32>
    %sub3A_111 = arith.subi %add3A_108, %sub3A_110 : vector<16xi32>
    tpu.vector_store_idx %arg7[%sub3A_111], %add3A_102 masked %lt3A_98 : memref<528xi32, #tpu.memory_space<vmem>>[vector<16xi32>], vector<16xi32>, vector<16xi1>
    %convert_element_type3A_112 = arith.extui %lt3A_98 : vector<16xi1> to vector<16xi32>
    %reduce_sum3A_113 = arith.constant true
    %reduce_sum3A_114 = vector.broadcast %reduce_sum3A_113 : i1 to vector<16xi1>
    %reduce_sum3A_115 = tpu.scan <sum>, %convert_element_type3A_112 masked %reduce_sum3A_114 : vector<16xi32>, vector<16xi1> -> vector<16xi32>
    %reduce_sum3A_116 = vector.extract %reduce_sum3A_115[15] : i32 from vector<16xi32>
    %add3A_117 = arith.addi %add3A_93, %reduce_sum3A_116 : i32
    %get3A_118 = arith.constant 80 : index
    %get3A_119 = tpu.vector_load %arg6[%get3A_118] {strides = array<i32>} : memref<512xf32, #tpu.memory_space<vmem>>, vector<16xf32>,
    %lt3A_120 = arith.constant 1.000000e+00 : f32
    %lt3A_121 = vector.broadcast %lt3A_120 : f32 to vector<16xf32>
    %lt3A_122 = arith.cmpf olt, %get3A_119, %lt3A_121 : vector<16xf32>
    %add3A_123 = arith.constant 80 : i32
    %add3A_124 = arith.addi %mul3A_2, %add3A_123 : i32
    %add3A_125 = vector.broadcast %add3A_124 : i32 to vector<16xi32>
    %add3A_126 = arith.addi %iota3A, %add3A_125 : vector<16xi32>
    %convert_element_type3A_127 = arith.extui %lt3A_122 : vector<16xi1> to vector<16xi32>
    %broadcast_in_dim3A_128 = arith.constant true
    %broadcast_in_dim3A_129 = vector.broadcast %broadcast_in_dim3A_128 : i1 to vector<16xi1>
    %masked_cumsum3A_130 = tpu.scan <sum>, %convert_element_type3A_127 masked %broadcast_in_dim3A_129 : vector<16xi32>, vector<16xi1> -> vector<16xi32>
    %add3A_131 = vector.broadcast %add3A_117 : i32 to vector<16xi32>
    %add3A_132 = arith.addi %add3A_131, %masked_cumsum3A_130 : vector<16xi32>
    %sub3A_133 = arith.constant 1 : i32
    %sub3A_134 = vector.broadcast %sub3A_133 : i32 to vector<16xi32>
    %sub3A_135 = arith.subi %add3A_132, %sub3A_134 : vector<16xi32>
    tpu.vector_store_idx %arg7[%sub3A_135], %add3A_126 masked %lt3A_122 : memref<528xi32, #tpu.memory_space<vmem>>[vector<16xi32>], vector<16xi32>, vector<16xi1>
    %convert_element_type3A_136 = arith.extui %lt3A_122 : vector<16xi1> to vector<16xi32>
    %reduce_sum3A_137 = arith.constant true
    %reduce_sum3A_138 = vector.broadcast %reduce_sum3A_137 : i1 to vector<16xi1>
    %reduce_sum3A_139 = tpu.scan <sum>, %convert_element_type3A_136 masked %reduce_sum3A_138 : vector<16xi32>, vector<16xi1> -> vector<16xi32>
    %reduce_sum3A_140 = vector.extract %reduce_sum3A_139[15] : i32 from vector<16xi32>
    %add3A_141 = arith.addi %add3A_117, %reduce_sum3A_140 : i32
    %get3A_142 = arith.constant 96 : index
    %get3A_143 = tpu.vector_load %arg6[%get3A_142] {strides = array<i32>} : memref<512xf32, #tpu.memory_space<vmem>>, vector<16xf32>,
    %lt3A_144 = arith.constant 1.000000e+00 : f32
    %lt3A_145 = vector.broadcast %lt3A_144 : f32 to vector<16xf32>
    %lt3A_146 = arith.cmpf olt, %get3A_143, %lt3A_145 : vector<16xf32>
    %add3A_147 = arith.constant 96 : i32
    %add3A_148 = arith.addi %mul3A_2, %add3A_147 : i32
    %add3A_149 = vector.broadcast %add3A_148 : i32 to vector<16xi32>
    %add3A_150 = arith.addi %iota3A, %add3A_149 : vector<16xi32>
    %convert_element_type3A_151 = arith.extui %lt3A_146 : vector<16xi1> to vector<16xi32>
    %broadcast_in_dim3A_152 = arith.constant true
    %broadcast_in_dim3A_153 = vector.broadcast %broadcast_in_dim3A_152 : i1 to vector<16xi1>
    %masked_cumsum3A_154 = tpu.scan <sum>, %convert_element_type3A_151 masked %broadcast_in_dim3A_153 : vector<16xi32>, vector<16xi1> -> vector<16xi32>
    %add3A_155 = vector.broadcast %add3A_141 : i32 to vector<16xi32>
    %add3A_156 = arith.addi %add3A_155, %masked_cumsum3A_154 : vector<16xi32>
    %sub3A_157 = arith.constant 1 : i32
    %sub3A_158 = vector.broadcast %sub3A_157 : i32 to vector<16xi32>
    %sub3A_159 = arith.subi %add3A_156, %sub3A_158 : vector<16xi32>
    tpu.vector_store_idx %arg7[%sub3A_159], %add3A_150 masked %lt3A_146 : memref<528xi32, #tpu.memory_space<vmem>>[vector<16xi32>], vector<16xi32>, vector<16xi1>
    %convert_element_type3A_160 = arith.extui %lt3A_146 : vector<16xi1> to vector<16xi32>
    %reduce_sum3A_161 = arith.constant true
    %reduce_sum3A_162 = vector.broadcast %reduce_sum3A_161 : i1 to vector<16xi1>
    %reduce_sum3A_163 = tpu.scan <sum>, %convert_element_type3A_160 masked %reduce_sum3A_162 : vector<16xi32>, vector<16xi1> -> vector<16xi32>
    %reduce_sum3A_164 = vector.extract %reduce_sum3A_163[15] : i32 from vector<16xi32>
    %add3A_165 = arith.addi %add3A_141, %reduce_sum3A_164 : i32
    %get3A_166 = arith.constant 112 : index
    %get3A_167 = tpu.vector_load %arg6[%get3A_166] {strides = array<i32>} : memref<512xf32, #tpu.memory_space<vmem>>, vector<16xf32>,
    %lt3A_168 = arith.constant 1.000000e+00 : f32
    %lt3A_169 = vector.broadcast %lt3A_168 : f32 to vector<16xf32>
    %lt3A_170 = arith.cmpf olt, %get3A_167, %lt3A_169 : vector<16xf32>
    %add3A_171 = arith.constant 112 : i32
    %add3A_172 = arith.addi %mul3A_2, %add3A_171 : i32
    %add3A_173 = vector.broadcast %add3A_172 : i32 to vector<16xi32>
    %add3A_174 = arith.addi %iota3A, %add3A_173 : vector<16xi32>
    %convert_element_type3A_175 = arith.extui %lt3A_170 : vector<16xi1> to vector<16xi32>
    %broadcast_in_dim3A_176 = arith.constant true
    %broadcast_in_dim3A_177 = vector.broadcast %broadcast_in_dim3A_176 : i1 to vector<16xi1>
    %masked_cumsum3A_178 = tpu.scan <sum>, %convert_element_type3A_175 masked %broadcast_in_dim3A_177 : vector<16xi32>, vector<16xi1> -> vector<16xi32>
    %add3A_179 = vector.broadcast %add3A_165 : i32 to vector<16xi32>
    %add3A_180 = arith.addi %add3A_179, %masked_cumsum3A_178 : vector<16xi32>
    %sub3A_181 = arith.constant 1 : i32
    %sub3A_182 = vector.broadcast %sub3A_181 : i32 to vector<16xi32>
    %sub3A_183 = arith.subi %add3A_180, %sub3A_182 : vector<16xi32>
    tpu.vector_store_idx %arg7[%sub3A_183], %add3A_174 masked %lt3A_170 : memref<528xi32, #tpu.memory_space<vmem>>[vector<16xi32>], vector<16xi32>, vector<16xi1>
    %convert_element_type3A_184 = arith.extui %lt3A_170 : vector<16xi1> to vector<16xi32>
    %reduce_sum3A_185 = arith.constant true
    %reduce_sum3A_186 = vector.broadcast %reduce_sum3A_185 : i1 to vector<16xi1>
    %reduce_sum3A_187 = tpu.scan <sum>, %convert_element_type3A_184 masked %reduce_sum3A_186 : vector<16xi32>, vector<16xi1> -> vector<16xi32>
    %reduce_sum3A_188 = vector.extract %reduce_sum3A_187[15] : i32 from vector<16xi32>
    %add3A_189 = arith.addi %add3A_165, %reduce_sum3A_188 : i32
    %get3A_190 = arith.constant 128 : index
    %get3A_191 = tpu.vector_load %arg6[%get3A_190] {strides = array<i32>} : memref<512xf32, #tpu.memory_space<vmem>>, vector<16xf32>,
    %lt3A_192 = arith.constant 1.000000e+00 : f32
    %lt3A_193 = vector.broadcast %lt3A_192 : f32 to vector<16xf32>
    %lt3A_194 = arith.cmpf olt, %get3A_191, %lt3A_193 : vector<16xf32>
    %add3A_195 = arith.constant 128 : i32
    %add3A_196 = arith.addi %mul3A_2, %add3A_195 : i32
    %add3A_197 = vector.broadcast %add3A_196 : i32 to vector<16xi32>
    %add3A_198 = arith.addi %iota3A, %add3A_197 : vector<16xi32>
    %convert_element_type3A_199 = arith.extui %lt3A_194 : vector<16xi1> to vector<16xi32>
    %broadcast_in_dim3A_200 = arith.constant true
    %broadcast_in_dim3A_201 = vector.broadcast %broadcast_in_dim3A_200 : i1 to vector<16xi1>
    %masked_cumsum3A_202 = tpu.scan <sum>, %convert_element_type3A_199 masked %broadcast_in_dim3A_201 : vector<16xi32>, vector<16xi1> -> vector<16xi32>
    %add3A_203 = vector.broadcast %add3A_189 : i32 to vector<16xi32>
    %add3A_204 = arith.addi %add3A_203, %masked_cumsum3A_202 : vector<16xi32>
    %sub3A_205 = arith.constant 1 : i32
    %sub3A_206 = vector.broadcast %sub3A_205 : i32 to vector<16xi32>
    %sub3A_207 = arith.subi %add3A_204, %sub3A_206 : vector<16xi32>
    tpu.vector_store_idx %arg7[%sub3A_207], %add3A_198 masked %lt3A_194 : memref<528xi32, #tpu.memory_space<vmem>>[vector<16xi32>], vector<16xi32>, vector<16xi1>
    %convert_element_type3A_208 = arith.extui %lt3A_194 : vector<16xi1> to vector<16xi32>
    %reduce_sum3A_209 = arith.constant true
    %reduce_sum3A_210 = vector.broadcast %reduce_sum3A_209 : i1 to vector<16xi1>
    %reduce_sum3A_211 = tpu.scan <sum>, %convert_element_type3A_208 masked %reduce_sum3A_210 : vector<16xi32>, vector<16xi1> -> vector<16xi32>
    %reduce_sum3A_212 = vector.extract %reduce_sum3A_211[15] : i32 from vector<16xi32>
    %add3A_213 = arith.addi %add3A_189, %reduce_sum3A_212 : i32
    %get3A_214 = arith.constant 144 : index
    %get3A_215 = tpu.vector_load %arg6[%get3A_214] {strides = array<i32>} : memref<512xf32, #tpu.memory_space<vmem>>, vector<16xf32>,
    %lt3A_216 = arith.constant 1.000000e+00 : f32
    %lt3A_217 = vector.broadcast %lt3A_216 : f32 to vector<16xf32>
    %lt3A_218 = arith.cmpf olt, %get3A_215, %lt3A_217 : vector<16xf32>
    %add3A_219 = arith.constant 144 : i32
    %add3A_220 = arith.addi %mul3A_2, %add3A_219 : i32
    %add3A_221 = vector.broadcast %add3A_220 : i32 to vector<16xi32>
    %add3A_222 = arith.addi %iota3A, %add3A_221 : vector<16xi32>
    %convert_element_type3A_223 = arith.extui %lt3A_218 : vector<16xi1> to vector<16xi32>
    %broadcast_in_dim3A_224 = arith.constant true
    %broadcast_in_dim3A_225 = vector.broadcast %broadcast_in_dim3A_224 : i1 to vector<16xi1>
    %masked_cumsum3A_226 = tpu.scan <sum>, %convert_element_type3A_223 masked %broadcast_in_dim3A_225 : vector<16xi32>, vector<16xi1> -> vector<16xi32>
    %add3A_227 = vector.broadcast %add3A_213 : i32 to vector<16xi32>
    %add3A_228 = arith.addi %add3A_227, %masked_cumsum3A_226 : vector<16xi32>
    %sub3A_229 = arith.constant 1 : i32
    %sub3A_230 = vector.broadcast %sub3A_229 : i32 to vector<16xi32>
    %sub3A_231 = arith.subi %add3A_228, %sub3A_230 : vector<16xi32>
    tpu.vector_store_idx %arg7[%sub3A_231], %add3A_222 masked %lt3A_218 : memref<528xi32, #tpu.memory_space<vmem>>[vector<16xi32>], vector<16xi32>, vector<16xi1>
    %convert_element_type3A_232 = arith.extui %lt3A_218 : vector<16xi1> to vector<16xi32>
    %reduce_sum3A_233 = arith.constant true
    %reduce_sum3A_234 = vector.broadcast %reduce_sum3A_233 : i1 to vector<16xi1>
    %reduce_sum3A_235 = tpu.scan <sum>, %convert_element_type3A_232 masked %reduce_sum3A_234 : vector<16xi32>, vector<16xi1> -> vector<16xi32>
    %reduce_sum3A_236 = vector.extract %reduce_sum3A_235[15] : i32 from vector<16xi32>
    %add3A_237 = arith.addi %add3A_213, %reduce_sum3A_236 : i32
    %get3A_238 = arith.constant 160 : index
    %get3A_239 = tpu.vector_load %arg6[%get3A_238] {strides = array<i32>} : memref<512xf32, #tpu.memory_space<vmem>>, vector<16xf32>,
    %lt3A_240 = arith.constant 1.000000e+00 : f32
    %lt3A_241 = vector.broadcast %lt3A_240 : f32 to vector<16xf32>
    %lt3A_242 = arith.cmpf olt, %get3A_239, %lt3A_241 : vector<16xf32>
    %add3A_243 = arith.constant 160 : i32
    %add3A_244 = arith.addi %mul3A_2, %add3A_243 : i32
    %add3A_245 = vector.broadcast %add3A_244 : i32 to vector<16xi32>
    %add3A_246 = arith.addi %iota3A, %add3A_245 : vector<16xi32>
    %convert_element_type3A_247 = arith.extui %lt3A_242 : vector<16xi1> to vector<16xi32>
    %broadcast_in_dim3A_248 = arith.constant true
    %broadcast_in_dim3A_249 = vector.broadcast %broadcast_in_dim3A_248 : i1 to vector<16xi1>
    %masked_cumsum3A_250 = tpu.scan <sum>, %convert_element_type3A_247 masked %broadcast_in_dim3A_249 : vector<16xi32>, vector<16xi1> -> vector<16xi32>
    %add3A_251 = vector.broadcast %add3A_237 : i32 to vector<16xi32>
    %add3A_252 = arith.addi %add3A_251, %masked_cumsum3A_250 : vector<16xi32>
    %sub3A_253 = arith.constant 1 : i32
    %sub3A_254 = vector.broadcast %sub3A_253 : i32 to vector<16xi32>
    %sub3A_255 = arith.subi %add3A_252, %sub3A_254 : vector<16xi32>
    tpu.vector_store_idx %arg7[%sub3A_255], %add3A_246 masked %lt3A_242 : memref<528xi32, #tpu.memory_space<vmem>>[vector<16xi32>], vector<16xi32>, vector<16xi1>
    %convert_element_type3A_256 = arith.extui %lt3A_242 : vector<16xi1> to vector<16xi32>
    %reduce_sum3A_257 = arith.constant true
    %reduce_sum3A_258 = vector.broadcast %reduce_sum3A_257 : i1 to vector<16xi1>
    %reduce_sum3A_259 = tpu.scan <sum>, %convert_element_type3A_256 masked %reduce_sum3A_258 : vector<16xi32>, vector<16xi1> -> vector<16xi32>
    %reduce_sum3A_260 = vector.extract %reduce_sum3A_259[15] : i32 from vector<16xi32>
    %add3A_261 = arith.addi %add3A_237, %reduce_sum3A_260 : i32
    %get3A_262 = arith.constant 176 : index
    %get3A_263 = tpu.vector_load %arg6[%get3A_262] {strides = array<i32>} : memref<512xf32, #tpu.memory_space<vmem>>, vector<16xf32>,
    %lt3A_264 = arith.constant 1.000000e+00 : f32
    %lt3A_265 = vector.broadcast %lt3A_264 : f32 to vector<16xf32>
    %lt3A_266 = arith.cmpf olt, %get3A_263, %lt3A_265 : vector<16xf32>
    %add3A_267 = arith.constant 176 : i32
    %add3A_268 = arith.addi %mul3A_2, %add3A_267 : i32
    %add3A_269 = vector.broadcast %add3A_268 : i32 to vector<16xi32>
    %add3A_270 = arith.addi %iota3A, %add3A_269 : vector<16xi32>
    %convert_element_type3A_271 = arith.extui %lt3A_266 : vector<16xi1> to vector<16xi32>
    %broadcast_in_dim3A_272 = arith.constant true
    %broadcast_in_dim3A_273 = vector.broadcast %broadcast_in_dim3A_272 : i1 to vector<16xi1>
    %masked_cumsum3A_274 = tpu.scan <sum>, %convert_element_type3A_271 masked %broadcast_in_dim3A_273 : vector<16xi32>, vector<16xi1> -> vector<16xi32>
    %add3A_275 = vector.broadcast %add3A_261 : i32 to vector<16xi32>
    %add3A_276 = arith.addi %add3A_275, %masked_cumsum3A_274 : vector<16xi32>
    %sub3A_277 = arith.constant 1 : i32
    %sub3A_278 = vector.broadcast %sub3A_277 : i32 to vector<16xi32>
    %sub3A_279 = arith.subi %add3A_276, %sub3A_278 : vector<16xi32>
    tpu.vector_store_idx %arg7[%sub3A_279], %add3A_270 masked %lt3A_266 : memref<528xi32, #tpu.memory_space<vmem>>[vector<16xi32>], vector<16xi32>, vector<16xi1>
    %convert_element_type3A_280 = arith.extui %lt3A_266 : vector<16xi1> to vector<16xi32>
    %reduce_sum3A_281 = arith.constant true
    %reduce_sum3A_282 = vector.broadcast %reduce_sum3A_281 : i1 to vector<16xi1>
    %reduce_sum3A_283 = tpu.scan <sum>, %convert_element_type3A_280 masked %reduce_sum3A_282 : vector<16xi32>, vector<16xi1> -> vector<16xi32>
    %reduce_sum3A_284 = vector.extract %reduce_sum3A_283[15] : i32 from vector<16xi32>
    %add3A_285 = arith.addi %add3A_261, %reduce_sum3A_284 : i32
    %get3A_286 = arith.constant 192 : index
    %get3A_287 = tpu.vector_load %arg6[%get3A_286] {strides = array<i32>} : memref<512xf32, #tpu.memory_space<vmem>>, vector<16xf32>,
    %lt3A_288 = arith.constant 1.000000e+00 : f32
    %lt3A_289 = vector.broadcast %lt3A_288 : f32 to vector<16xf32>
    %lt3A_290 = arith.cmpf olt, %get3A_287, %lt3A_289 : vector<16xf32>
    %add3A_291 = arith.constant 192 : i32
    %add3A_292 = arith.addi %mul3A_2, %add3A_291 : i32
    %add3A_293 = vector.broadcast %add3A_292 : i32 to vector<16xi32>
    %add3A_294 = arith.addi %iota3A, %add3A_293 : vector<16xi32>
    %convert_element_type3A_295 = arith.extui %lt3A_290 : vector<16xi1> to vector<16xi32>
    %broadcast_in_dim3A_296 = arith.constant true
    %broadcast_in_dim3A_297 = vector.broadcast %broadcast_in_dim3A_296 : i1 to vector<16xi1>
    %masked_cumsum3A_298 = tpu.scan <sum>, %convert_element_type3A_295 masked %broadcast_in_dim3A_297 : vector<16xi32>, vector<16xi1> -> vector<16xi32>
    %add3A_299 = vector.broadcast %add3A_285 : i32 to vector<16xi32>
    %add3A_300 = arith.addi %add3A_299, %masked_cumsum3A_298 : vector<16xi32>
    %sub3A_301 = arith.constant 1 : i32
    %sub3A_302 = vector.broadcast %sub3A_301 : i32 to vector<16xi32>
    %sub3A_303 = arith.subi %add3A_300, %sub3A_302 : vector<16xi32>
    tpu.vector_store_idx %arg7[%sub3A_303], %add3A_294 masked %lt3A_290 : memref<528xi32, #tpu.memory_space<vmem>>[vector<16xi32>], vector<16xi32>, vector<16xi1>
    %convert_element_type3A_304 = arith.extui %lt3A_290 : vector<16xi1> to vector<16xi32>
    %reduce_sum3A_305 = arith.constant true
    %reduce_sum3A_306 = vector.broadcast %reduce_sum3A_305 : i1 to vector<16xi1>
    %reduce_sum3A_307 = tpu.scan <sum>, %convert_element_type3A_304 masked %reduce_sum3A_306 : vector<16xi32>, vector<16xi1> -> vector<16xi32>
    %reduce_sum3A_308 = vector.extract %reduce_sum3A_307[15] : i32 from vector<16xi32>
    %add3A_309 = arith.addi %add3A_285, %reduce_sum3A_308 : i32
    %get3A_310 = arith.constant 208 : index
    %get3A_311 = tpu.vector_load %arg6[%get3A_310] {strides = array<i32>} : memref<512xf32, #tpu.memory_space<vmem>>, vector<16xf32>,
    %lt3A_312 = arith.constant 1.000000e+00 : f32
    %lt3A_313 = vector.broadcast %lt3A_312 : f32 to vector<16xf32>
    %lt3A_314 = arith.cmpf olt, %get3A_311, %lt3A_313 : vector<16xf32>
    %add3A_315 = arith.constant 208 : i32
    %add3A_316 = arith.addi %mul3A_2, %add3A_315 : i32
    %add3A_317 = vector.broadcast %add3A_316 : i32 to vector<16xi32>
    %add3A_318 = arith.addi %iota3A, %add3A_317 : vector<16xi32>
    %convert_element_type3A_319 = arith.extui %lt3A_314 : vector<16xi1> to vector<16xi32>
    %broadcast_in_dim3A_320 = arith.constant true
    %broadcast_in_dim3A_321 = vector.broadcast %broadcast_in_dim3A_320 : i1 to vector<16xi1>
    %masked_cumsum3A_322 = tpu.scan <sum>, %convert_element_type3A_319 masked %broadcast_in_dim3A_321 : vector<16xi32>, vector<16xi1> -> vector<16xi32>
    %add3A_323 = vector.broadcast %add3A_309 : i32 to vector<16xi32>
    %add3A_324 = arith.addi %add3A_323, %masked_cumsum3A_322 : vector<16xi32>
    %sub3A_325 = arith.constant 1 : i32
    %sub3A_326 = vector.broadcast %sub3A_325 : i32 to vector<16xi32>
    %sub3A_327 = arith.subi %add3A_324, %sub3A_326 : vector<16xi32>
    tpu.vector_store_idx %arg7[%sub3A_327], %add3A_318 masked %lt3A_314 : memref<528xi32, #tpu.memory_space<vmem>>[vector<16xi32>], vector<16xi32>, vector<16xi1>
    %convert_element_type3A_328 = arith.extui %lt3A_314 : vector<16xi1> to vector<16xi32>
    %reduce_sum3A_329 = arith.constant true
    %reduce_sum3A_330 = vector.broadcast %reduce_sum3A_329 : i1 to vector<16xi1>
    %reduce_sum3A_331 = tpu.scan <sum>, %convert_element_type3A_328 masked %reduce_sum3A_330 : vector<16xi32>, vector<16xi1> -> vector<16xi32>
    %reduce_sum3A_332 = vector.extract %reduce_sum3A_331[15] : i32 from vector<16xi32>
    %add3A_333 = arith.addi %add3A_309, %reduce_sum3A_332 : i32
    %get3A_334 = arith.constant 224 : index
    %get3A_335 = tpu.vector_load %arg6[%get3A_334] {strides = array<i32>} : memref<512xf32, #tpu.memory_space<vmem>>, vector<16xf32>,
    %lt3A_336 = arith.constant 1.000000e+00 : f32
    %lt3A_337 = vector.broadcast %lt3A_336 : f32 to vector<16xf32>
    %lt3A_338 = arith.cmpf olt, %get3A_335, %lt3A_337 : vector<16xf32>
    %add3A_339 = arith.constant 224 : i32
    %add3A_340 = arith.addi %mul3A_2, %add3A_339 : i32
    %add3A_341 = vector.broadcast %add3A_340 : i32 to vector<16xi32>
    %add3A_342 = arith.addi %iota3A, %add3A_341 : vector<16xi32>
    %convert_element_type3A_343 = arith.extui %lt3A_338 : vector<16xi1> to vector<16xi32>
    %broadcast_in_dim3A_344 = arith.constant true
    %broadcast_in_dim3A_345 = vector.broadcast %broadcast_in_dim3A_344 : i1 to vector<16xi1>
    %masked_cumsum3A_346 = tpu.scan <sum>, %convert_element_type3A_343 masked %broadcast_in_dim3A_345 : vector<16xi32>, vector<16xi1> -> vector<16xi32>
    %add3A_347 = vector.broadcast %add3A_333 : i32 to vector<16xi32>
    %add3A_348 = arith.addi %add3A_347, %masked_cumsum3A_346 : vector<16xi32>
    %sub3A_349 = arith.constant 1 : i32
    %sub3A_350 = vector.broadcast %sub3A_349 : i32 to vector<16xi32>
    %sub3A_351 = arith.subi %add3A_348, %sub3A_350 : vector<16xi32>
    tpu.vector_store_idx %arg7[%sub3A_351], %add3A_342 masked %lt3A_338 : memref<528xi32, #tpu.memory_space<vmem>>[vector<16xi32>], vector<16xi32>, vector<16xi1>
    %convert_element_type3A_352 = arith.extui %lt3A_338 : vector<16xi1> to vector<16xi32>
    %reduce_sum3A_353 = arith.constant true
    %reduce_sum3A_354 = vector.broadcast %reduce_sum3A_353 : i1 to vector<16xi1>
    %reduce_sum3A_355 = tpu.scan <sum>, %convert_element_type3A_352 masked %reduce_sum3A_354 : vector<16xi32>, vector<16xi1> -> vector<16xi32>
    %reduce_sum3A_356 = vector.extract %reduce_sum3A_355[15] : i32 from vector<16xi32>
    %add3A_357 = arith.addi %add3A_333, %reduce_sum3A_356 : i32
    %get3A_358 = arith.constant 240 : index
    %get3A_359 = tpu.vector_load %arg6[%get3A_358] {strides = array<i32>} : memref<512xf32, #tpu.memory_space<vmem>>, vector<16xf32>,
    %lt3A_360 = arith.constant 1.000000e+00 : f32
    %lt3A_361 = vector.broadcast %lt3A_360 : f32 to vector<16xf32>
    %lt3A_362 = arith.cmpf olt, %get3A_359, %lt3A_361 : vector<16xf32>
    %add3A_363 = arith.constant 240 : i32
    %add3A_364 = arith.addi %mul3A_2, %add3A_363 : i32
    %add3A_365 = vector.broadcast %add3A_364 : i32 to vector<16xi32>
    %add3A_366 = arith.addi %iota3A, %add3A_365 : vector<16xi32>
    %convert_element_type3A_367 = arith.extui %lt3A_362 : vector<16xi1> to vector<16xi32>
    %broadcast_in_dim3A_368 = arith.constant true
    %broadcast_in_dim3A_369 = vector.broadcast %broadcast_in_dim3A_368 : i1 to vector<16xi1>
    %masked_cumsum3A_370 = tpu.scan <sum>, %convert_element_type3A_367 masked %broadcast_in_dim3A_369 : vector<16xi32>, vector<16xi1> -> vector<16xi32>
    %add3A_371 = vector.broadcast %add3A_357 : i32 to vector<16xi32>
    %add3A_372 = arith.addi %add3A_371, %masked_cumsum3A_370 : vector<16xi32>
    %sub3A_373 = arith.constant 1 : i32
    %sub3A_374 = vector.broadcast %sub3A_373 : i32 to vector<16xi32>
    %sub3A_375 = arith.subi %add3A_372, %sub3A_374 : vector<16xi32>
    tpu.vector_store_idx %arg7[%sub3A_375], %add3A_366 masked %lt3A_362 : memref<528xi32, #tpu.memory_space<vmem>>[vector<16xi32>], vector<16xi32>, vector<16xi1>
    %convert_element_type3A_376 = arith.extui %lt3A_362 : vector<16xi1> to vector<16xi32>
    %reduce_sum3A_377 = arith.constant true
    %reduce_sum3A_378 = vector.broadcast %reduce_sum3A_377 : i1 to vector<16xi1>
    %reduce_sum3A_379 = tpu.scan <sum>, %convert_element_type3A_376 masked %reduce_sum3A_378 : vector<16xi32>, vector<16xi1> -> vector<16xi32>
    %reduce_sum3A_380 = vector.extract %reduce_sum3A_379[15] : i32 from vector<16xi32>
    %add3A_381 = arith.addi %add3A_357, %reduce_sum3A_380 : i32
    %get3A_382 = arith.constant 256 : index
    %get3A_383 = tpu.vector_load %arg6[%get3A_382] {strides = array<i32>} : memref<512xf32, #tpu.memory_space<vmem>>, vector<16xf32>,
    %lt3A_384 = arith.constant 1.000000e+00 : f32
    %lt3A_385 = vector.broadcast %lt3A_384 : f32 to vector<16xf32>
    %lt3A_386 = arith.cmpf olt, %get3A_383, %lt3A_385 : vector<16xf32>
    %add3A_387 = arith.constant 256 : i32
    %add3A_388 = arith.addi %mul3A_2, %add3A_387 : i32
    %add3A_389 = vector.broadcast %add3A_388 : i32 to vector<16xi32>
    %add3A_390 = arith.addi %iota3A, %add3A_389 : vector<16xi32>
    %convert_element_type3A_391 = arith.extui %lt3A_386 : vector<16xi1> to vector<16xi32>
    %broadcast_in_dim3A_392 = arith.constant true
    %broadcast_in_dim3A_393 = vector.broadcast %broadcast_in_dim3A_392 : i1 to vector<16xi1>
    %masked_cumsum3A_394 = tpu.scan <sum>, %convert_element_type3A_391 masked %broadcast_in_dim3A_393 : vector<16xi32>, vector<16xi1> -> vector<16xi32>
    %add3A_395 = vector.broadcast %add3A_381 : i32 to vector<16xi32>
    %add3A_396 = arith.addi %add3A_395, %masked_cumsum3A_394 : vector<16xi32>
    %sub3A_397 = arith.constant 1 : i32
    %sub3A_398 = vector.broadcast %sub3A_397 : i32 to vector<16xi32>
    %sub3A_399 = arith.subi %add3A_396, %sub3A_398 : vector<16xi32>
    tpu.vector_store_idx %arg7[%sub3A_399], %add3A_390 masked %lt3A_386 : memref<528xi32, #tpu.memory_space<vmem>>[vector<16xi32>], vector<16xi32>, vector<16xi1>
    %convert_element_type3A_400 = arith.extui %lt3A_386 : vector<16xi1> to vector<16xi32>
    %reduce_sum3A_401 = arith.constant true
    %reduce_sum3A_402 = vector.broadcast %reduce_sum3A_401 : i1 to vector<16xi1>
    %reduce_sum3A_403 = tpu.scan <sum>, %convert_element_type3A_400 masked %reduce_sum3A_402 : vector<16xi32>, vector<16xi1> -> vector<16xi32>
    %reduce_sum3A_404 = vector.extract %reduce_sum3A_403[15] : i32 from vector<16xi32>
    %add3A_405 = arith.addi %add3A_381, %reduce_sum3A_404 : i32
    %get3A_406 = arith.constant 272 : index
    %get3A_407 = tpu.vector_load %arg6[%get3A_406] {strides = array<i32>} : memref<512xf32, #tpu.memory_space<vmem>>, vector<16xf32>,
    %lt3A_408 = arith.constant 1.000000e+00 : f32
    %lt3A_409 = vector.broadcast %lt3A_408 : f32 to vector<16xf32>
    %lt3A_410 = arith.cmpf olt, %get3A_407, %lt3A_409 : vector<16xf32>
    %add3A_411 = arith.constant 272 : i32
    %add3A_412 = arith.addi %mul3A_2, %add3A_411 : i32
    %add3A_413 = vector.broadcast %add3A_412 : i32 to vector<16xi32>
    %add3A_414 = arith.addi %iota3A, %add3A_413 : vector<16xi32>
    %convert_element_type3A_415 = arith.extui %lt3A_410 : vector<16xi1> to vector<16xi32>
    %broadcast_in_dim3A_416 = arith.constant true
    %broadcast_in_dim3A_417 = vector.broadcast %broadcast_in_dim3A_416 : i1 to vector<16xi1>
    %masked_cumsum3A_418 = tpu.scan <sum>, %convert_element_type3A_415 masked %broadcast_in_dim3A_417 : vector<16xi32>, vector<16xi1> -> vector<16xi32>
    %add3A_419 = vector.broadcast %add3A_405 : i32 to vector<16xi32>
    %add3A_420 = arith.addi %add3A_419, %masked_cumsum3A_418 : vector<16xi32>
    %sub3A_421 = arith.constant 1 : i32
    %sub3A_422 = vector.broadcast %sub3A_421 : i32 to vector<16xi32>
    %sub3A_423 = arith.subi %add3A_420, %sub3A_422 : vector<16xi32>
    tpu.vector_store_idx %arg7[%sub3A_423], %add3A_414 masked %lt3A_410 : memref<528xi32, #tpu.memory_space<vmem>>[vector<16xi32>], vector<16xi32>, vector<16xi1>
    %convert_element_type3A_424 = arith.extui %lt3A_410 : vector<16xi1> to vector<16xi32>
    %reduce_sum3A_425 = arith.constant true
    %reduce_sum3A_426 = vector.broadcast %reduce_sum3A_425 : i1 to vector<16xi1>
    %reduce_sum3A_427 = tpu.scan <sum>, %convert_element_type3A_424 masked %reduce_sum3A_426 : vector<16xi32>, vector<16xi1> -> vector<16xi32>
    %reduce_sum3A_428 = vector.extract %reduce_sum3A_427[15] : i32 from vector<16xi32>
    %add3A_429 = arith.addi %add3A_405, %reduce_sum3A_428 : i32
    %get3A_430 = arith.constant 288 : index
    %get3A_431 = tpu.vector_load %arg6[%get3A_430] {strides = array<i32>} : memref<512xf32, #tpu.memory_space<vmem>>, vector<16xf32>,
    %lt3A_432 = arith.constant 1.000000e+00 : f32
    %lt3A_433 = vector.broadcast %lt3A_432 : f32 to vector<16xf32>
    %lt3A_434 = arith.cmpf olt, %get3A_431, %lt3A_433 : vector<16xf32>
    %add3A_435 = arith.constant 288 : i32
    %add3A_436 = arith.addi %mul3A_2, %add3A_435 : i32
    %add3A_437 = vector.broadcast %add3A_436 : i32 to vector<16xi32>
    %add3A_438 = arith.addi %iota3A, %add3A_437 : vector<16xi32>
    %convert_element_type3A_439 = arith.extui %lt3A_434 : vector<16xi1> to vector<16xi32>
    %broadcast_in_dim3A_440 = arith.constant true
    %broadcast_in_dim3A_441 = vector.broadcast %broadcast_in_dim3A_440 : i1 to vector<16xi1>
    %masked_cumsum3A_442 = tpu.scan <sum>, %convert_element_type3A_439 masked %broadcast_in_dim3A_441 : vector<16xi32>, vector<16xi1> -> vector<16xi32>
    %add3A_443 = vector.broadcast %add3A_429 : i32 to vector<16xi32>
    %add3A_444 = arith.addi %add3A_443, %masked_cumsum3A_442 : vector<16xi32>
    %sub3A_445 = arith.constant 1 : i32
    %sub3A_446 = vector.broadcast %sub3A_445 : i32 to vector<16xi32>
    %sub3A_447 = arith.subi %add3A_444, %sub3A_446 : vector<16xi32>
    tpu.vector_store_idx %arg7[%sub3A_447], %add3A_438 masked %lt3A_434 : memref<528xi32, #tpu.memory_space<vmem>>[vector<16xi32>], vector<16xi32>, vector<16xi1>
    %convert_element_type3A_448 = arith.extui %lt3A_434 : vector<16xi1> to vector<16xi32>
    %reduce_sum3A_449 = arith.constant true
    %reduce_sum3A_450 = vector.broadcast %reduce_sum3A_449 : i1 to vector<16xi1>
    %reduce_sum3A_451 = tpu.scan <sum>, %convert_element_type3A_448 masked %reduce_sum3A_450 : vector<16xi32>, vector<16xi1> -> vector<16xi32>
    %reduce_sum3A_452 = vector.extract %reduce_sum3A_451[15] : i32 from vector<16xi32>
    %add3A_453 = arith.addi %add3A_429, %reduce_sum3A_452 : i32
    %get3A_454 = arith.constant 304 : index
    %get3A_455 = tpu.vector_load %arg6[%get3A_454] {strides = array<i32>} : memref<512xf32, #tpu.memory_space<vmem>>, vector<16xf32>,
    %lt3A_456 = arith.constant 1.000000e+00 : f32
    %lt3A_457 = vector.broadcast %lt3A_456 : f32 to vector<16xf32>
    %lt3A_458 = arith.cmpf olt, %get3A_455, %lt3A_457 : vector<16xf32>
    %add3A_459 = arith.constant 304 : i32
    %add3A_460 = arith.addi %mul3A_2, %add3A_459 : i32
    %add3A_461 = vector.broadcast %add3A_460 : i32 to vector<16xi32>
    %add3A_462 = arith.addi %iota3A, %add3A_461 : vector<16xi32>
    %convert_element_type3A_463 = arith.extui %lt3A_458 : vector<16xi1> to vector<16xi32>
    %broadcast_in_dim3A_464 = arith.constant true
    %broadcast_in_dim3A_465 = vector.broadcast %broadcast_in_dim3A_464 : i1 to vector<16xi1>
    %masked_cumsum3A_466 = tpu.scan <sum>, %convert_element_type3A_463 masked %broadcast_in_dim3A_465 : vector<16xi32>, vector<16xi1> -> vector<16xi32>
    %add3A_467 = vector.broadcast %add3A_453 : i32 to vector<16xi32>
    %add3A_468 = arith.addi %add3A_467, %masked_cumsum3A_466 : vector<16xi32>
    %sub3A_469 = arith.constant 1 : i32
    %sub3A_470 = vector.broadcast %sub3A_469 : i32 to vector<16xi32>
    %sub3A_471 = arith.subi %add3A_468, %sub3A_470 : vector<16xi32>
    tpu.vector_store_idx %arg7[%sub3A_471], %add3A_462 masked %lt3A_458 : memref<528xi32, #tpu.memory_space<vmem>>[vector<16xi32>], vector<16xi32>, vector<16xi1>
    %convert_element_type3A_472 = arith.extui %lt3A_458 : vector<16xi1> to vector<16xi32>
    %reduce_sum3A_473 = arith.constant true
    %reduce_sum3A_474 = vector.broadcast %reduce_sum3A_473 : i1 to vector<16xi1>
    %reduce_sum3A_475 = tpu.scan <sum>, %convert_element_type3A_472 masked %reduce_sum3A_474 : vector<16xi32>, vector<16xi1> -> vector<16xi32>
    %reduce_sum3A_476 = vector.extract %reduce_sum3A_475[15] : i32 from vector<16xi32>
    %add3A_477 = arith.addi %add3A_453, %reduce_sum3A_476 : i32
    %get3A_478 = arith.constant 320 : index
    %get3A_479 = tpu.vector_load %arg6[%get3A_478] {strides = array<i32>} : memref<512xf32, #tpu.memory_space<vmem>>, vector<16xf32>,
    %lt3A_480 = arith.constant 1.000000e+00 : f32
    %lt3A_481 = vector.broadcast %lt3A_480 : f32 to vector<16xf32>
    %lt3A_482 = arith.cmpf olt, %get3A_479, %lt3A_481 : vector<16xf32>
    %add3A_483 = arith.constant 320 : i32
    %add3A_484 = arith.addi %mul3A_2, %add3A_483 : i32
    %add3A_485 = vector.broadcast %add3A_484 : i32 to vector<16xi32>
    %add3A_486 = arith.addi %iota3A, %add3A_485 : vector<16xi32>
    %convert_element_type3A_487 = arith.extui %lt3A_482 : vector<16xi1> to vector<16xi32>
    %broadcast_in_dim3A_488 = arith.constant true
    %broadcast_in_dim3A_489 = vector.broadcast %broadcast_in_dim3A_488 : i1 to vector<16xi1>
    %masked_cumsum3A_490 = tpu.scan <sum>, %convert_element_type3A_487 masked %broadcast_in_dim3A_489 : vector<16xi32>, vector<16xi1> -> vector<16xi32>
    %add3A_491 = vector.broadcast %add3A_477 : i32 to vector<16xi32>
    %add3A_492 = arith.addi %add3A_491, %masked_cumsum3A_490 : vector<16xi32>
    %sub3A_493 = arith.constant 1 : i32
    %sub3A_494 = vector.broadcast %sub3A_493 : i32 to vector<16xi32>
    %sub3A_495 = arith.subi %add3A_492, %sub3A_494 : vector<16xi32>
    tpu.vector_store_idx %arg7[%sub3A_495], %add3A_486 masked %lt3A_482 : memref<528xi32, #tpu.memory_space<vmem>>[vector<16xi32>], vector<16xi32>, vector<16xi1>
    %convert_element_type3A_496 = arith.extui %lt3A_482 : vector<16xi1> to vector<16xi32>
    %reduce_sum3A_497 = arith.constant true
    %reduce_sum3A_498 = vector.broadcast %reduce_sum3A_497 : i1 to vector<16xi1>
    %reduce_sum3A_499 = tpu.scan <sum>, %convert_element_type3A_496 masked %reduce_sum3A_498 : vector<16xi32>, vector<16xi1> -> vector<16xi32>
    %reduce_sum3A_500 = vector.extract %reduce_sum3A_499[15] : i32 from vector<16xi32>
    %add3A_501 = arith.addi %add3A_477, %reduce_sum3A_500 : i32
    %get3A_502 = arith.constant 336 : index
    %get3A_503 = tpu.vector_load %arg6[%get3A_502] {strides = array<i32>} : memref<512xf32, #tpu.memory_space<vmem>>, vector<16xf32>,
    %lt3A_504 = arith.constant 1.000000e+00 : f32
    %lt3A_505 = vector.broadcast %lt3A_504 : f32 to vector<16xf32>
    %lt3A_506 = arith.cmpf olt, %get3A_503, %lt3A_505 : vector<16xf32>
    %add3A_507 = arith.constant 336 : i32
    %add3A_508 = arith.addi %mul3A_2, %add3A_507 : i32
    %add3A_509 = vector.broadcast %add3A_508 : i32 to vector<16xi32>
    %add3A_510 = arith.addi %iota3A, %add3A_509 : vector<16xi32>
    %convert_element_type3A_511 = arith.extui %lt3A_506 : vector<16xi1> to vector<16xi32>
    %broadcast_in_dim3A_512 = arith.constant true
    %broadcast_in_dim3A_513 = vector.broadcast %broadcast_in_dim3A_512 : i1 to vector<16xi1>
    %masked_cumsum3A_514 = tpu.scan <sum>, %convert_element_type3A_511 masked %broadcast_in_dim3A_513 : vector<16xi32>, vector<16xi1> -> vector<16xi32>
    %add3A_515 = vector.broadcast %add3A_501 : i32 to vector<16xi32>
    %add3A_516 = arith.addi %add3A_515, %masked_cumsum3A_514 : vector<16xi32>
    %sub3A_517 = arith.constant 1 : i32
    %sub3A_518 = vector.broadcast %sub3A_517 : i32 to vector<16xi32>
    %sub3A_519 = arith.subi %add3A_516, %sub3A_518 : vector<16xi32>
    tpu.vector_store_idx %arg7[%sub3A_519], %add3A_510 masked %lt3A_506 : memref<528xi32, #tpu.memory_space<vmem>>[vector<16xi32>], vector<16xi32>, vector<16xi1>
    %convert_element_type3A_520 = arith.extui %lt3A_506 : vector<16xi1> to vector<16xi32>
    %reduce_sum3A_521 = arith.constant true
    %reduce_sum3A_522 = vector.broadcast %reduce_sum3A_521 : i1 to vector<16xi1>
    %reduce_sum3A_523 = tpu.scan <sum>, %convert_element_type3A_520 masked %reduce_sum3A_522 : vector<16xi32>, vector<16xi1> -> vector<16xi32>
    %reduce_sum3A_524 = vector.extract %reduce_sum3A_523[15] : i32 from vector<16xi32>
    %add3A_525 = arith.addi %add3A_501, %reduce_sum3A_524 : i32
    %get3A_526 = arith.constant 352 : index
    %get3A_527 = tpu.vector_load %arg6[%get3A_526] {strides = array<i32>} : memref<512xf32, #tpu.memory_space<vmem>>, vector<16xf32>,
    %lt3A_528 = arith.constant 1.000000e+00 : f32
    %lt3A_529 = vector.broadcast %lt3A_528 : f32 to vector<16xf32>
    %lt3A_530 = arith.cmpf olt, %get3A_527, %lt3A_529 : vector<16xf32>
    %add3A_531 = arith.constant 352 : i32
    %add3A_532 = arith.addi %mul3A_2, %add3A_531 : i32
    %add3A_533 = vector.broadcast %add3A_532 : i32 to vector<16xi32>
    %add3A_534 = arith.addi %iota3A, %add3A_533 : vector<16xi32>
    %convert_element_type3A_535 = arith.extui %lt3A_530 : vector<16xi1> to vector<16xi32>
    %broadcast_in_dim3A_536 = arith.constant true
    %broadcast_in_dim3A_537 = vector.broadcast %broadcast_in_dim3A_536 : i1 to vector<16xi1>
    %masked_cumsum3A_538 = tpu.scan <sum>, %convert_element_type3A_535 masked %broadcast_in_dim3A_537 : vector<16xi32>, vector<16xi1> -> vector<16xi32>
    %add3A_539 = vector.broadcast %add3A_525 : i32 to vector<16xi32>
    %add3A_540 = arith.addi %add3A_539, %masked_cumsum3A_538 : vector<16xi32>
    %sub3A_541 = arith.constant 1 : i32
    %sub3A_542 = vector.broadcast %sub3A_541 : i32 to vector<16xi32>
    %sub3A_543 = arith.subi %add3A_540, %sub3A_542 : vector<16xi32>
    tpu.vector_store_idx %arg7[%sub3A_543], %add3A_534 masked %lt3A_530 : memref<528xi32, #tpu.memory_space<vmem>>[vector<16xi32>], vector<16xi32>, vector<16xi1>
    %convert_element_type3A_544 = arith.extui %lt3A_530 : vector<16xi1> to vector<16xi32>
    %reduce_sum3A_545 = arith.constant true
    %reduce_sum3A_546 = vector.broadcast %reduce_sum3A_545 : i1 to vector<16xi1>
    %reduce_sum3A_547 = tpu.scan <sum>, %convert_element_type3A_544 masked %reduce_sum3A_546 : vector<16xi32>, vector<16xi1> -> vector<16xi32>
    %reduce_sum3A_548 = vector.extract %reduce_sum3A_547[15] : i32 from vector<16xi32>
    %add3A_549 = arith.addi %add3A_525, %reduce_sum3A_548 : i32
    %get3A_550 = arith.constant 368 : index
    %get3A_551 = tpu.vector_load %arg6[%get3A_550] {strides = array<i32>} : memref<512xf32, #tpu.memory_space<vmem>>, vector<16xf32>,
    %lt3A_552 = arith.constant 1.000000e+00 : f32
    %lt3A_553 = vector.broadcast %lt3A_552 : f32 to vector<16xf32>
    %lt3A_554 = arith.cmpf olt, %get3A_551, %lt3A_553 : vector<16xf32>
    %add3A_555 = arith.constant 368 : i32
    %add3A_556 = arith.addi %mul3A_2, %add3A_555 : i32
    %add3A_557 = vector.broadcast %add3A_556 : i32 to vector<16xi32>
    %add3A_558 = arith.addi %iota3A, %add3A_557 : vector<16xi32>
    %convert_element_type3A_559 = arith.extui %lt3A_554 : vector<16xi1> to vector<16xi32>
    %broadcast_in_dim3A_560 = arith.constant true
    %broadcast_in_dim3A_561 = vector.broadcast %broadcast_in_dim3A_560 : i1 to vector<16xi1>
    %masked_cumsum3A_562 = tpu.scan <sum>, %convert_element_type3A_559 masked %broadcast_in_dim3A_561 : vector<16xi32>, vector<16xi1> -> vector<16xi32>
    %add3A_563 = vector.broadcast %add3A_549 : i32 to vector<16xi32>
    %add3A_564 = arith.addi %add3A_563, %masked_cumsum3A_562 : vector<16xi32>
    %sub3A_565 = arith.constant 1 : i32
    %sub3A_566 = vector.broadcast %sub3A_565 : i32 to vector<16xi32>
    %sub3A_567 = arith.subi %add3A_564, %sub3A_566 : vector<16xi32>
    tpu.vector_store_idx %arg7[%sub3A_567], %add3A_558 masked %lt3A_554 : memref<528xi32, #tpu.memory_space<vmem>>[vector<16xi32>], vector<16xi32>, vector<16xi1>
    %convert_element_type3A_568 = arith.extui %lt3A_554 : vector<16xi1> to vector<16xi32>
    %reduce_sum3A_569 = arith.constant true
    %reduce_sum3A_570 = vector.broadcast %reduce_sum3A_569 : i1 to vector<16xi1>
    %reduce_sum3A_571 = tpu.scan <sum>, %convert_element_type3A_568 masked %reduce_sum3A_570 : vector<16xi32>, vector<16xi1> -> vector<16xi32>
    %reduce_sum3A_572 = vector.extract %reduce_sum3A_571[15] : i32 from vector<16xi32>
    %add3A_573 = arith.addi %add3A_549, %reduce_sum3A_572 : i32
    %get3A_574 = arith.constant 384 : index
    %get3A_575 = tpu.vector_load %arg6[%get3A_574] {strides = array<i32>} : memref<512xf32, #tpu.memory_space<vmem>>, vector<16xf32>,
    %lt3A_576 = arith.constant 1.000000e+00 : f32
    %lt3A_577 = vector.broadcast %lt3A_576 : f32 to vector<16xf32>
    %lt3A_578 = arith.cmpf olt, %get3A_575, %lt3A_577 : vector<16xf32>
    %add3A_579 = arith.constant 384 : i32
    %add3A_580 = arith.addi %mul3A_2, %add3A_579 : i32
    %add3A_581 = vector.broadcast %add3A_580 : i32 to vector<16xi32>
    %add3A_582 = arith.addi %iota3A, %add3A_581 : vector<16xi32>
    %convert_element_type3A_583 = arith.extui %lt3A_578 : vector<16xi1> to vector<16xi32>
    %broadcast_in_dim3A_584 = arith.constant true
    %broadcast_in_dim3A_585 = vector.broadcast %broadcast_in_dim3A_584 : i1 to vector<16xi1>
    %masked_cumsum3A_586 = tpu.scan <sum>, %convert_element_type3A_583 masked %broadcast_in_dim3A_585 : vector<16xi32>, vector<16xi1> -> vector<16xi32>
    %add3A_587 = vector.broadcast %add3A_573 : i32 to vector<16xi32>
    %add3A_588 = arith.addi %add3A_587, %masked_cumsum3A_586 : vector<16xi32>
    %sub3A_589 = arith.constant 1 : i32
    %sub3A_590 = vector.broadcast %sub3A_589 : i32 to vector<16xi32>
    %sub3A_591 = arith.subi %add3A_588, %sub3A_590 : vector<16xi32>
    tpu.vector_store_idx %arg7[%sub3A_591], %add3A_582 masked %lt3A_578 : memref<528xi32, #tpu.memory_space<vmem>>[vector<16xi32>], vector<16xi32>, vector<16xi1>
    %convert_element_type3A_592 = arith.extui %lt3A_578 : vector<16xi1> to vector<16xi32>
    %reduce_sum3A_593 = arith.constant true
    %reduce_sum3A_594 = vector.broadcast %reduce_sum3A_593 : i1 to vector<16xi1>
    %reduce_sum3A_595 = tpu.scan <sum>, %convert_element_type3A_592 masked %reduce_sum3A_594 : vector<16xi32>, vector<16xi1> -> vector<16xi32>
    %reduce_sum3A_596 = vector.extract %reduce_sum3A_595[15] : i32 from vector<16xi32>
    %add3A_597 = arith.addi %add3A_573, %reduce_sum3A_596 : i32
    %get3A_598 = arith.constant 400 : index
    %get3A_599 = tpu.vector_load %arg6[%get3A_598] {strides = array<i32>} : memref<512xf32, #tpu.memory_space<vmem>>, vector<16xf32>,
    %lt3A_600 = arith.constant 1.000000e+00 : f32
    %lt3A_601 = vector.broadcast %lt3A_600 : f32 to vector<16xf32>
    %lt3A_602 = arith.cmpf olt, %get3A_599, %lt3A_601 : vector<16xf32>
    %add3A_603 = arith.constant 400 : i32
    %add3A_604 = arith.addi %mul3A_2, %add3A_603 : i32
    %add3A_605 = vector.broadcast %add3A_604 : i32 to vector<16xi32>
    %add3A_606 = arith.addi %iota3A, %add3A_605 : vector<16xi32>
    %convert_element_type3A_607 = arith.extui %lt3A_602 : vector<16xi1> to vector<16xi32>
    %broadcast_in_dim3A_608 = arith.constant true
    %broadcast_in_dim3A_609 = vector.broadcast %broadcast_in_dim3A_608 : i1 to vector<16xi1>
    %masked_cumsum3A_610 = tpu.scan <sum>, %convert_element_type3A_607 masked %broadcast_in_dim3A_609 : vector<16xi32>, vector<16xi1> -> vector<16xi32>
    %add3A_611 = vector.broadcast %add3A_597 : i32 to vector<16xi32>
    %add3A_612 = arith.addi %add3A_611, %masked_cumsum3A_610 : vector<16xi32>
    %sub3A_613 = arith.constant 1 : i32
    %sub3A_614 = vector.broadcast %sub3A_613 : i32 to vector<16xi32>
    %sub3A_615 = arith.subi %add3A_612, %sub3A_614 : vector<16xi32>
    tpu.vector_store_idx %arg7[%sub3A_615], %add3A_606 masked %lt3A_602 : memref<528xi32, #tpu.memory_space<vmem>>[vector<16xi32>], vector<16xi32>, vector<16xi1>
    %convert_element_type3A_616 = arith.extui %lt3A_602 : vector<16xi1> to vector<16xi32>
    %reduce_sum3A_617 = arith.constant true
    %reduce_sum3A_618 = vector.broadcast %reduce_sum3A_617 : i1 to vector<16xi1>
    %reduce_sum3A_619 = tpu.scan <sum>, %convert_element_type3A_616 masked %reduce_sum3A_618 : vector<16xi32>, vector<16xi1> -> vector<16xi32>
    %reduce_sum3A_620 = vector.extract %reduce_sum3A_619[15] : i32 from vector<16xi32>
    %add3A_621 = arith.addi %add3A_597, %reduce_sum3A_620 : i32
    %get3A_622 = arith.constant 416 : index
    %get3A_623 = tpu.vector_load %arg6[%get3A_622] {strides = array<i32>} : memref<512xf32, #tpu.memory_space<vmem>>, vector<16xf32>,
    %lt3A_624 = arith.constant 1.000000e+00 : f32
    %lt3A_625 = vector.broadcast %lt3A_624 : f32 to vector<16xf32>
    %lt3A_626 = arith.cmpf olt, %get3A_623, %lt3A_625 : vector<16xf32>
    %add3A_627 = arith.constant 416 : i32
    %add3A_628 = arith.addi %mul3A_2, %add3A_627 : i32
    %add3A_629 = vector.broadcast %add3A_628 : i32 to vector<16xi32>
    %add3A_630 = arith.addi %iota3A, %add3A_629 : vector<16xi32>
    %convert_element_type3A_631 = arith.extui %lt3A_626 : vector<16xi1> to vector<16xi32>
    %broadcast_in_dim3A_632 = arith.constant true
    %broadcast_in_dim3A_633 = vector.broadcast %broadcast_in_dim3A_632 : i1 to vector<16xi1>
    %masked_cumsum3A_634 = tpu.scan <sum>, %convert_element_type3A_631 masked %broadcast_in_dim3A_633 : vector<16xi32>, vector<16xi1> -> vector<16xi32>
    %add3A_635 = vector.broadcast %add3A_621 : i32 to vector<16xi32>
    %add3A_636 = arith.addi %add3A_635, %masked_cumsum3A_634 : vector<16xi32>
    %sub3A_637 = arith.constant 1 : i32
    %sub3A_638 = vector.broadcast %sub3A_637 : i32 to vector<16xi32>
    %sub3A_639 = arith.subi %add3A_636, %sub3A_638 : vector<16xi32>
    tpu.vector_store_idx %arg7[%sub3A_639], %add3A_630 masked %lt3A_626 : memref<528xi32, #tpu.memory_space<vmem>>[vector<16xi32>], vector<16xi32>, vector<16xi1>
    %convert_element_type3A_640 = arith.extui %lt3A_626 : vector<16xi1> to vector<16xi32>
    %reduce_sum3A_641 = arith.constant true
    %reduce_sum3A_642 = vector.broadcast %reduce_sum3A_641 : i1 to vector<16xi1>
    %reduce_sum3A_643 = tpu.scan <sum>, %convert_element_type3A_640 masked %reduce_sum3A_642 : vector<16xi32>, vector<16xi1> -> vector<16xi32>
    %reduce_sum3A_644 = vector.extract %reduce_sum3A_643[15] : i32 from vector<16xi32>
    %add3A_645 = arith.addi %add3A_621, %reduce_sum3A_644 : i32
    %get3A_646 = arith.constant 432 : index
    %get3A_647 = tpu.vector_load %arg6[%get3A_646] {strides = array<i32>} : memref<512xf32, #tpu.memory_space<vmem>>, vector<16xf32>,
    %lt3A_648 = arith.constant 1.000000e+00 : f32
    %lt3A_649 = vector.broadcast %lt3A_648 : f32 to vector<16xf32>
    %lt3A_650 = arith.cmpf olt, %get3A_647, %lt3A_649 : vector<16xf32>
    %add3A_651 = arith.constant 432 : i32
    %add3A_652 = arith.addi %mul3A_2, %add3A_651 : i32
    %add3A_653 = vector.broadcast %add3A_652 : i32 to vector<16xi32>
    %add3A_654 = arith.addi %iota3A, %add3A_653 : vector<16xi32>
    %convert_element_type3A_655 = arith.extui %lt3A_650 : vector<16xi1> to vector<16xi32>
    %broadcast_in_dim3A_656 = arith.constant true
    %broadcast_in_dim3A_657 = vector.broadcast %broadcast_in_dim3A_656 : i1 to vector<16xi1>
    %masked_cumsum3A_658 = tpu.scan <sum>, %convert_element_type3A_655 masked %broadcast_in_dim3A_657 : vector<16xi32>, vector<16xi1> -> vector<16xi32>
    %add3A_659 = vector.broadcast %add3A_645 : i32 to vector<16xi32>
    %add3A_660 = arith.addi %add3A_659, %masked_cumsum3A_658 : vector<16xi32>
    %sub3A_661 = arith.constant 1 : i32
    %sub3A_662 = vector.broadcast %sub3A_661 : i32 to vector<16xi32>
    %sub3A_663 = arith.subi %add3A_660, %sub3A_662 : vector<16xi32>
    tpu.vector_store_idx %arg7[%sub3A_663], %add3A_654 masked %lt3A_650 : memref<528xi32, #tpu.memory_space<vmem>>[vector<16xi32>], vector<16xi32>, vector<16xi1>
    %convert_element_type3A_664 = arith.extui %lt3A_650 : vector<16xi1> to vector<16xi32>
    %reduce_sum3A_665 = arith.constant true
    %reduce_sum3A_666 = vector.broadcast %reduce_sum3A_665 : i1 to vector<16xi1>
    %reduce_sum3A_667 = tpu.scan <sum>, %convert_element_type3A_664 masked %reduce_sum3A_666 : vector<16xi32>, vector<16xi1> -> vector<16xi32>
    %reduce_sum3A_668 = vector.extract %reduce_sum3A_667[15] : i32 from vector<16xi32>
    %add3A_669 = arith.addi %add3A_645, %reduce_sum3A_668 : i32
    %get3A_670 = arith.constant 448 : index
    %get3A_671 = tpu.vector_load %arg6[%get3A_670] {strides = array<i32>} : memref<512xf32, #tpu.memory_space<vmem>>, vector<16xf32>,
    %lt3A_672 = arith.constant 1.000000e+00 : f32
    %lt3A_673 = vector.broadcast %lt3A_672 : f32 to vector<16xf32>
    %lt3A_674 = arith.cmpf olt, %get3A_671, %lt3A_673 : vector<16xf32>
    %add3A_675 = arith.constant 448 : i32
    %add3A_676 = arith.addi %mul3A_2, %add3A_675 : i32
    %add3A_677 = vector.broadcast %add3A_676 : i32 to vector<16xi32>
    %add3A_678 = arith.addi %iota3A, %add3A_677 : vector<16xi32>
    %convert_element_type3A_679 = arith.extui %lt3A_674 : vector<16xi1> to vector<16xi32>
    %broadcast_in_dim3A_680 = arith.constant true
    %broadcast_in_dim3A_681 = vector.broadcast %broadcast_in_dim3A_680 : i1 to vector<16xi1>
    %masked_cumsum3A_682 = tpu.scan <sum>, %convert_element_type3A_679 masked %broadcast_in_dim3A_681 : vector<16xi32>, vector<16xi1> -> vector<16xi32>
    %add3A_683 = vector.broadcast %add3A_669 : i32 to vector<16xi32>
    %add3A_684 = arith.addi %add3A_683, %masked_cumsum3A_682 : vector<16xi32>
    %sub3A_685 = arith.constant 1 : i32
    %sub3A_686 = vector.broadcast %sub3A_685 : i32 to vector<16xi32>
    %sub3A_687 = arith.subi %add3A_684, %sub3A_686 : vector<16xi32>
    tpu.vector_store_idx %arg7[%sub3A_687], %add3A_678 masked %lt3A_674 : memref<528xi32, #tpu.memory_space<vmem>>[vector<16xi32>], vector<16xi32>, vector<16xi1>
    %convert_element_type3A_688 = arith.extui %lt3A_674 : vector<16xi1> to vector<16xi32>
    %reduce_sum3A_689 = arith.constant true
    %reduce_sum3A_690 = vector.broadcast %reduce_sum3A_689 : i1 to vector<16xi1>
    %reduce_sum3A_691 = tpu.scan <sum>, %convert_element_type3A_688 masked %reduce_sum3A_690 : vector<16xi32>, vector<16xi1> -> vector<16xi32>
    %reduce_sum3A_692 = vector.extract %reduce_sum3A_691[15] : i32 from vector<16xi32>
    %add3A_693 = arith.addi %add3A_669, %reduce_sum3A_692 : i32
    %get3A_694 = arith.constant 464 : index
    %get3A_695 = tpu.vector_load %arg6[%get3A_694] {strides = array<i32>} : memref<512xf32, #tpu.memory_space<vmem>>, vector<16xf32>,
    %lt3A_696 = arith.constant 1.000000e+00 : f32
    %lt3A_697 = vector.broadcast %lt3A_696 : f32 to vector<16xf32>
    %lt3A_698 = arith.cmpf olt, %get3A_695, %lt3A_697 : vector<16xf32>
    %add3A_699 = arith.constant 464 : i32
    %add3A_700 = arith.addi %mul3A_2, %add3A_699 : i32
    %add3A_701 = vector.broadcast %add3A_700 : i32 to vector<16xi32>
    %add3A_702 = arith.addi %iota3A, %add3A_701 : vector<16xi32>
    %convert_element_type3A_703 = arith.extui %lt3A_698 : vector<16xi1> to vector<16xi32>
    %broadcast_in_dim3A_704 = arith.constant true
    %broadcast_in_dim3A_705 = vector.broadcast %broadcast_in_dim3A_704 : i1 to vector<16xi1>
    %masked_cumsum3A_706 = tpu.scan <sum>, %convert_element_type3A_703 masked %broadcast_in_dim3A_705 : vector<16xi32>, vector<16xi1> -> vector<16xi32>
    %add3A_707 = vector.broadcast %add3A_693 : i32 to vector<16xi32>
    %add3A_708 = arith.addi %add3A_707, %masked_cumsum3A_706 : vector<16xi32>
    %sub3A_709 = arith.constant 1 : i32
    %sub3A_710 = vector.broadcast %sub3A_709 : i32 to vector<16xi32>
    %sub3A_711 = arith.subi %add3A_708, %sub3A_710 : vector<16xi32>
    tpu.vector_store_idx %arg7[%sub3A_711], %add3A_702 masked %lt3A_698 : memref<528xi32, #tpu.memory_space<vmem>>[vector<16xi32>], vector<16xi32>, vector<16xi1>
    %convert_element_type3A_712 = arith.extui %lt3A_698 : vector<16xi1> to vector<16xi32>
    %reduce_sum3A_713 = arith.constant true
    %reduce_sum3A_714 = vector.broadcast %reduce_sum3A_713 : i1 to vector<16xi1>
    %reduce_sum3A_715 = tpu.scan <sum>, %convert_element_type3A_712 masked %reduce_sum3A_714 : vector<16xi32>, vector<16xi1> -> vector<16xi32>
    %reduce_sum3A_716 = vector.extract %reduce_sum3A_715[15] : i32 from vector<16xi32>
    %add3A_717 = arith.addi %add3A_693, %reduce_sum3A_716 : i32
    %get3A_718 = arith.constant 480 : index
    %get3A_719 = tpu.vector_load %arg6[%get3A_718] {strides = array<i32>} : memref<512xf32, #tpu.memory_space<vmem>>, vector<16xf32>,
    %lt3A_720 = arith.constant 1.000000e+00 : f32
    %lt3A_721 = vector.broadcast %lt3A_720 : f32 to vector<16xf32>
    %lt3A_722 = arith.cmpf olt, %get3A_719, %lt3A_721 : vector<16xf32>
    %add3A_723 = arith.constant 480 : i32
    %add3A_724 = arith.addi %mul3A_2, %add3A_723 : i32
    %add3A_725 = vector.broadcast %add3A_724 : i32 to vector<16xi32>
    %add3A_726 = arith.addi %iota3A, %add3A_725 : vector<16xi32>
    %convert_element_type3A_727 = arith.extui %lt3A_722 : vector<16xi1> to vector<16xi32>
    %broadcast_in_dim3A_728 = arith.constant true
    %broadcast_in_dim3A_729 = vector.broadcast %broadcast_in_dim3A_728 : i1 to vector<16xi1>
    %masked_cumsum3A_730 = tpu.scan <sum>, %convert_element_type3A_727 masked %broadcast_in_dim3A_729 : vector<16xi32>, vector<16xi1> -> vector<16xi32>
    %add3A_731 = vector.broadcast %add3A_717 : i32 to vector<16xi32>
    %add3A_732 = arith.addi %add3A_731, %masked_cumsum3A_730 : vector<16xi32>
    %sub3A_733 = arith.constant 1 : i32
    %sub3A_734 = vector.broadcast %sub3A_733 : i32 to vector<16xi32>
    %sub3A_735 = arith.subi %add3A_732, %sub3A_734 : vector<16xi32>
    tpu.vector_store_idx %arg7[%sub3A_735], %add3A_726 masked %lt3A_722 : memref<528xi32, #tpu.memory_space<vmem>>[vector<16xi32>], vector<16xi32>, vector<16xi1>
    %convert_element_type3A_736 = arith.extui %lt3A_722 : vector<16xi1> to vector<16xi32>
    %reduce_sum3A_737 = arith.constant true
    %reduce_sum3A_738 = vector.broadcast %reduce_sum3A_737 : i1 to vector<16xi1>
    %reduce_sum3A_739 = tpu.scan <sum>, %convert_element_type3A_736 masked %reduce_sum3A_738 : vector<16xi32>, vector<16xi1> -> vector<16xi32>
    %reduce_sum3A_740 = vector.extract %reduce_sum3A_739[15] : i32 from vector<16xi32>
    %add3A_741 = arith.addi %add3A_717, %reduce_sum3A_740 : i32
    %get3A_742 = arith.constant 496 : index
    %get3A_743 = tpu.vector_load %arg6[%get3A_742] {strides = array<i32>} : memref<512xf32, #tpu.memory_space<vmem>>, vector<16xf32>,
    %lt3A_744 = arith.constant 1.000000e+00 : f32
    %lt3A_745 = vector.broadcast %lt3A_744 : f32 to vector<16xf32>
    %lt3A_746 = arith.cmpf olt, %get3A_743, %lt3A_745 : vector<16xf32>
    %add3A_747 = arith.constant 496 : i32
    %add3A_748 = arith.addi %mul3A_2, %add3A_747 : i32
    %add3A_749 = vector.broadcast %add3A_748 : i32 to vector<16xi32>
    %add3A_750 = arith.addi %iota3A, %add3A_749 : vector<16xi32>
    %convert_element_type3A_751 = arith.extui %lt3A_746 : vector<16xi1> to vector<16xi32>
    %broadcast_in_dim3A_752 = arith.constant true
    %broadcast_in_dim3A_753 = vector.broadcast %broadcast_in_dim3A_752 : i1 to vector<16xi1>
    %masked_cumsum3A_754 = tpu.scan <sum>, %convert_element_type3A_751 masked %broadcast_in_dim3A_753 : vector<16xi32>, vector<16xi1> -> vector<16xi32>
    %add3A_755 = vector.broadcast %add3A_741 : i32 to vector<16xi32>
    %add3A_756 = arith.addi %add3A_755, %masked_cumsum3A_754 : vector<16xi32>
    %sub3A_757 = arith.constant 1 : i32
    %sub3A_758 = vector.broadcast %sub3A_757 : i32 to vector<16xi32>
    %sub3A_759 = arith.subi %add3A_756, %sub3A_758 : vector<16xi32>
    tpu.vector_store_idx %arg7[%sub3A_759], %add3A_750 masked %lt3A_746 : memref<528xi32, #tpu.memory_space<vmem>>[vector<16xi32>], vector<16xi32>, vector<16xi1>
    %convert_element_type3A_760 = arith.extui %lt3A_746 : vector<16xi1> to vector<16xi32>
    %reduce_sum3A_761 = arith.constant true
    %reduce_sum3A_762 = vector.broadcast %reduce_sum3A_761 : i1 to vector<16xi1>
    %reduce_sum3A_763 = tpu.scan <sum>, %convert_element_type3A_760 masked %reduce_sum3A_762 : vector<16xi32>, vector<16xi1> -> vector<16xi32>
    %reduce_sum3A_764 = vector.extract %reduce_sum3A_763[15] : i32 from vector<16xi32>
    %add3A_765 = arith.addi %add3A_741, %reduce_sum3A_764 : i32
    %add3A_766 = arith.constant 15 : i32
    %add3A_767 = arith.addi %add3A_765, %add3A_766 : i32
    %div3A = arith.constant 16 : i32
    %div3A_768 = arith.divsi %add3A_767, %div3A : i32
    %while3A = arith.constant 0 : i32
    %while3A_769 = arith.constant 0 : i32
    %while3A_770 = arith.subi %div3A_768, %while3A : i32
    %while3A_771 = arith.addi %while3A, %while3A_770 : i32
    %while3A_772 = arith.constant 1 : i32
    %while3A_773 = arith.divsi %while3A_770, %while3A_772 : i32
    %while3A_774 = arith.muli %while3A_773, %while3A_772 : i32
    %while3A_775 = arith.addi %while3A, %while3A_774 : i32
    %while3A_776 = arith.constant 1 : i32
    %while3A_777 = scf.for %while3A_780 = %while3A to %while3A_775 step %while3A_776 iter_args(%while3A_781 = %while3A_769) -> (i32)  : i32 {
      %mul3A_782 = arith.constant 16 : i32
      %mul3A_783 = arith.muli %while3A_780, %mul3A_782 : i32
      %get3A_784 = arith.index_cast %mul3A_783 : i32 to index
      %get3A_785 = tpu.vector_load %arg7[%get3A_784] {strides = array<i32>} : memref<528xi32, #tpu.memory_space<vmem>>, vector<16xi32>,
      %sub3A_786 = arith.subi %add3A_765, %mul3A_783 : i32
      %broadcast_in_dim3A_787 = vector.broadcast %mul3A_783 : i32 to vector<16xi32>
      %gather3A = tpu.vector_load_idx %arg7[%broadcast_in_dim3A_787] : memref<528xi32, #tpu.memory_space<vmem>>[vector<16xi32>], vector<16xi32>,
      %lt3A_788 = vector.broadcast %sub3A_786 : i32 to vector<16xi32>
      %lt3A_789 = arith.cmpi slt, %iota3A, %lt3A_788 : vector<16xi32>
      %select_n3A = arith.select %lt3A_789, %get3A_785, %gather3A : vector<16xi1>, vector<16xi32>
      %swap3A = arith.constant 0 : index
      %swap3A_790 = tpu.vector_load %arg8[%swap3A] {strides = array<i32>} : memref<16xi32, #tpu.memory_space<vmem>>, vector<16xi32>,
      tpu.vector_store %arg8[%swap3A], %select_n3A {strides = array<i32>} : memref<16xi32, #tpu.memory_space<vmem>>, vector<16xi32>,
      %sub3A_791 = vector.broadcast %mul3A_2 : i32 to vector<16xi32>
      %sub3A_792 = arith.subi %select_n3A, %sub3A_791 : vector<16xi32>
      %swap3A_793 = arith.constant 0 : index
      %swap3A_794 = tpu.vector_load %arg9[%swap3A_793] {strides = array<i32>} : memref<16xi32, #tpu.memory_space<vmem>>, vector<16xi32>,
      tpu.vector_store %arg9[%swap3A_793], %sub3A_792 {strides = array<i32>} : memref<16xi32, #tpu.memory_space<vmem>>, vector<16xi32>,
      %dma_start3A = arith.constant 0 : i32
      %dma_start3A_795 = arith.constant 0 : i32
      %dma_start3A_796 = tpu.memref_slice %arg3[%dma_start3A, %dma_start3A_795] : memref<16384x2048xf32, #tpu.memory_space<hbm>> -> memref<16384x2048xf32, #tpu.memory_space<hbm>>
      tpu.enqueue_indirect_dma source(%dma_start3A_796 : memref<16384x2048xf32, #tpu.memory_space<hbm>>) target(%arg10 : memref<16x2048xf32, #tpu.memory_space<vmem>>) offsets(%arg8 : memref<16xi32, #tpu.memory_space<vmem>>) semaphore(%arg11 : memref<!tpu.dma_semaphore, #tpu.memory_space<semaphore_mem>>)
      %dma_wait3A = arith.constant 0 : i32
      %dma_wait3A_797 = arith.constant 0 : i32
      %dma_wait3A_798 = tpu.memref_slice %arg3[%dma_wait3A, %dma_wait3A_797] : memref<16384x2048xf32, #tpu.memory_space<hbm>> -> memref<16384x2048xf32, #tpu.memory_space<hbm>>
      tpu.wait_indirect_dma semaphore(%arg11 : memref<!tpu.dma_semaphore, #tpu.memory_space<semaphore_mem>>) src(%dma_wait3A_798 : memref<16384x2048xf32, #tpu.memory_space<hbm>>) dst(%arg10 : memref<16x2048xf32, #tpu.memory_space<vmem>>)
      %broadcast_in_dim3A_799 = arith.constant 0 : i32
      %broadcast_in_dim3A_800 = vector.broadcast %broadcast_in_dim3A_799 : i32 to vector<16xi32>
      %gather3A_801 = tpu.vector_load_idx %arg9[%broadcast_in_dim3A_800] : memref<16xi32, #tpu.memory_space<vmem>>[vector<16xi32>], vector<16xi32>,
      %gather3A_802 = tpu.vector_load_idx %arg6[%gather3A_801] : memref<512xf32, #tpu.memory_space<vmem>>[vector<16xi32>], vector<16xf32>,
      %parallel_loop3A = arith.constant 0 : i32
      %parallel_loop3A_803 = arith.constant 128 : i32
      %parallel_loop3A_804 = arith.constant 1 : i32
      scf.for %parallel_loop3A_917 = %parallel_loop3A to %parallel_loop3A_803 step %parallel_loop3A_804  : i32 {
        %parallel_loop3A_918 = arith.constant 16 : i32
        %parallel_loop3A_919 = arith.muli %parallel_loop3A_917, %parallel_loop3A_918 : i32
        %parallel_loop3A_920 = arith.constant 0 : i32
        %parallel_loop3A_921 = arith.index_cast %parallel_loop3A_920 : i32 to index
        %parallel_loop3A_922 = arith.index_cast %parallel_loop3A_919 : i32 to index
        %parallel_loop3A_923 = tpu.vector_load %arg10[%parallel_loop3A_921, %parallel_loop3A_922] {strides = array<i32>} : memref<16x2048xf32, #tpu.memory_space<vmem>>, vector<16xf32>,
        %parallel_loop3A_924 = arith.mulf %parallel_loop3A_923, %gather3A_802 : vector<16xf32>
        %parallel_loop3A_925 = arith.constant 16 : i32
        %parallel_loop3A_926 = arith.muli %parallel_loop3A_917, %parallel_loop3A_925 : i32
        %parallel_loop3A_927 = arith.constant 0 : i32
        %parallel_loop3A_928 = arith.index_cast %parallel_loop3A_927 : i32 to index
        %parallel_loop3A_929 = arith.index_cast %parallel_loop3A_926 : i32 to index
        %parallel_loop3A_930 = tpu.vector_load %arg10[%parallel_loop3A_928, %parallel_loop3A_929] {strides = array<i32>} : memref<16x2048xf32, #tpu.memory_space<vmem>>, vector<16xf32>,
        tpu.vector_store %arg10[%parallel_loop3A_928, %parallel_loop3A_929], %parallel_loop3A_924 {strides = array<i32>} : memref<16x2048xf32, #tpu.memory_space<vmem>>, vector<16xf32>,
      } {sc.loop_unroll_factor = 8 : i64, sc.parallel_access}
      %broadcast_in_dim3A_805 = arith.constant 1 : i32
      %broadcast_in_dim3A_806 = vector.broadcast %broadcast_in_dim3A_805 : i32 to vector<16xi32>
      %gather3A_807 = tpu.vector_load_idx %arg9[%broadcast_in_dim3A_806] : memref<16xi32, #tpu.memory_space<vmem>>[vector<16xi32>], vector<16xi32>,
      %gather3A_808 = tpu.vector_load_idx %arg6[%gather3A_807] : memref<512xf32, #tpu.memory_space<vmem>>[vector<16xi32>], vector<16xf32>,
      %parallel_loop3A_809 = arith.constant 0 : i32
      %parallel_loop3A_810 = arith.constant 128 : i32
      %parallel_loop3A_811 = arith.constant 1 : i32
      scf.for %parallel_loop3A_917 = %parallel_loop3A_809 to %parallel_loop3A_810 step %parallel_loop3A_811  : i32 {
        %parallel_loop3A_918 = arith.constant 16 : i32
        %parallel_loop3A_919 = arith.muli %parallel_loop3A_917, %parallel_loop3A_918 : i32
        %parallel_loop3A_920 = arith.constant 1 : i32
        %parallel_loop3A_921 = arith.index_cast %parallel_loop3A_920 : i32 to index
        %parallel_loop3A_922 = arith.index_cast %parallel_loop3A_919 : i32 to index
        %parallel_loop3A_923 = tpu.vector_load %arg10[%parallel_loop3A_921, %parallel_loop3A_922] {strides = array<i32>} : memref<16x2048xf32, #tpu.memory_space<vmem>>, vector<16xf32>,
        %parallel_loop3A_924 = arith.mulf %parallel_loop3A_923, %gather3A_808 : vector<16xf32>
        %parallel_loop3A_925 = arith.constant 16 : i32
        %parallel_loop3A_926 = arith.muli %parallel_loop3A_917, %parallel_loop3A_925 : i32
        %parallel_loop3A_927 = arith.constant 1 : i32
        %parallel_loop3A_928 = arith.index_cast %parallel_loop3A_927 : i32 to index
        %parallel_loop3A_929 = arith.index_cast %parallel_loop3A_926 : i32 to index
        %parallel_loop3A_930 = tpu.vector_load %arg10[%parallel_loop3A_928, %parallel_loop3A_929] {strides = array<i32>} : memref<16x2048xf32, #tpu.memory_space<vmem>>, vector<16xf32>,
        tpu.vector_store %arg10[%parallel_loop3A_928, %parallel_loop3A_929], %parallel_loop3A_924 {strides = array<i32>} : memref<16x2048xf32, #tpu.memory_space<vmem>>, vector<16xf32>,
      } {sc.loop_unroll_factor = 8 : i64, sc.parallel_access}
      %broadcast_in_dim3A_812 = arith.constant 2 : i32
      %broadcast_in_dim3A_813 = vector.broadcast %broadcast_in_dim3A_812 : i32 to vector<16xi32>
      %gather3A_814 = tpu.vector_load_idx %arg9[%broadcast_in_dim3A_813] : memref<16xi32, #tpu.memory_space<vmem>>[vector<16xi32>], vector<16xi32>,
      %gather3A_815 = tpu.vector_load_idx %arg6[%gather3A_814] : memref<512xf32, #tpu.memory_space<vmem>>[vector<16xi32>], vector<16xf32>,
      %parallel_loop3A_816 = arith.constant 0 : i32
      %parallel_loop3A_817 = arith.constant 128 : i32
      %parallel_loop3A_818 = arith.constant 1 : i32
      scf.for %parallel_loop3A_917 = %parallel_loop3A_816 to %parallel_loop3A_817 step %parallel_loop3A_818  : i32 {
        %parallel_loop3A_918 = arith.constant 16 : i32
        %parallel_loop3A_919 = arith.muli %parallel_loop3A_917, %parallel_loop3A_918 : i32
        %parallel_loop3A_920 = arith.constant 2 : i32
        %parallel_loop3A_921 = arith.index_cast %parallel_loop3A_920 : i32 to index
        %parallel_loop3A_922 = arith.index_cast %parallel_loop3A_919 : i32 to index
        %parallel_loop3A_923 = tpu.vector_load %arg10[%parallel_loop3A_921, %parallel_loop3A_922] {strides = array<i32>} : memref<16x2048xf32, #tpu.memory_space<vmem>>, vector<16xf32>,
        %parallel_loop3A_924 = arith.mulf %parallel_loop3A_923, %gather3A_815 : vector<16xf32>
        %parallel_loop3A_925 = arith.constant 16 : i32
        %parallel_loop3A_926 = arith.muli %parallel_loop3A_917, %parallel_loop3A_925 : i32
        %parallel_loop3A_927 = arith.constant 2 : i32
        %parallel_loop3A_928 = arith.index_cast %parallel_loop3A_927 : i32 to index
        %parallel_loop3A_929 = arith.index_cast %parallel_loop3A_926 : i32 to index
        %parallel_loop3A_930 = tpu.vector_load %arg10[%parallel_loop3A_928, %parallel_loop3A_929] {strides = array<i32>} : memref<16x2048xf32, #tpu.memory_space<vmem>>, vector<16xf32>,
        tpu.vector_store %arg10[%parallel_loop3A_928, %parallel_loop3A_929], %parallel_loop3A_924 {strides = array<i32>} : memref<16x2048xf32, #tpu.memory_space<vmem>>, vector<16xf32>,
      } {sc.loop_unroll_factor = 8 : i64, sc.parallel_access}
      %broadcast_in_dim3A_819 = arith.constant 3 : i32
      %broadcast_in_dim3A_820 = vector.broadcast %broadcast_in_dim3A_819 : i32 to vector<16xi32>
      %gather3A_821 = tpu.vector_load_idx %arg9[%broadcast_in_dim3A_820] : memref<16xi32, #tpu.memory_space<vmem>>[vector<16xi32>], vector<16xi32>,
      %gather3A_822 = tpu.vector_load_idx %arg6[%gather3A_821] : memref<512xf32, #tpu.memory_space<vmem>>[vector<16xi32>], vector<16xf32>,
      %parallel_loop3A_823 = arith.constant 0 : i32
      %parallel_loop3A_824 = arith.constant 128 : i32
      %parallel_loop3A_825 = arith.constant 1 : i32
      scf.for %parallel_loop3A_917 = %parallel_loop3A_823 to %parallel_loop3A_824 step %parallel_loop3A_825  : i32 {
        %parallel_loop3A_918 = arith.constant 16 : i32
        %parallel_loop3A_919 = arith.muli %parallel_loop3A_917, %parallel_loop3A_918 : i32
        %parallel_loop3A_920 = arith.constant 3 : i32
        %parallel_loop3A_921 = arith.index_cast %parallel_loop3A_920 : i32 to index
        %parallel_loop3A_922 = arith.index_cast %parallel_loop3A_919 : i32 to index
        %parallel_loop3A_923 = tpu.vector_load %arg10[%parallel_loop3A_921, %parallel_loop3A_922] {strides = array<i32>} : memref<16x2048xf32, #tpu.memory_space<vmem>>, vector<16xf32>,
        %parallel_loop3A_924 = arith.mulf %parallel_loop3A_923, %gather3A_822 : vector<16xf32>
        %parallel_loop3A_925 = arith.constant 16 : i32
        %parallel_loop3A_926 = arith.muli %parallel_loop3A_917, %parallel_loop3A_925 : i32
        %parallel_loop3A_927 = arith.constant 3 : i32
        %parallel_loop3A_928 = arith.index_cast %parallel_loop3A_927 : i32 to index
        %parallel_loop3A_929 = arith.index_cast %parallel_loop3A_926 : i32 to index
        %parallel_loop3A_930 = tpu.vector_load %arg10[%parallel_loop3A_928, %parallel_loop3A_929] {strides = array<i32>} : memref<16x2048xf32, #tpu.memory_space<vmem>>, vector<16xf32>,
        tpu.vector_store %arg10[%parallel_loop3A_928, %parallel_loop3A_929], %parallel_loop3A_924 {strides = array<i32>} : memref<16x2048xf32, #tpu.memory_space<vmem>>, vector<16xf32>,
      } {sc.loop_unroll_factor = 8 : i64, sc.parallel_access}
      %broadcast_in_dim3A_826 = arith.constant 4 : i32
      %broadcast_in_dim3A_827 = vector.broadcast %broadcast_in_dim3A_826 : i32 to vector<16xi32>
      %gather3A_828 = tpu.vector_load_idx %arg9[%broadcast_in_dim3A_827] : memref<16xi32, #tpu.memory_space<vmem>>[vector<16xi32>], vector<16xi32>,
      %gather3A_829 = tpu.vector_load_idx %arg6[%gather3A_828] : memref<512xf32, #tpu.memory_space<vmem>>[vector<16xi32>], vector<16xf32>,
      %parallel_loop3A_830 = arith.constant 0 : i32
      %parallel_loop3A_831 = arith.constant 128 : i32
      %parallel_loop3A_832 = arith.constant 1 : i32
      scf.for %parallel_loop3A_917 = %parallel_loop3A_830 to %parallel_loop3A_831 step %parallel_loop3A_832  : i32 {
        %parallel_loop3A_918 = arith.constant 16 : i32
        %parallel_loop3A_919 = arith.muli %parallel_loop3A_917, %parallel_loop3A_918 : i32
        %parallel_loop3A_920 = arith.constant 4 : i32
        %parallel_loop3A_921 = arith.index_cast %parallel_loop3A_920 : i32 to index
        %parallel_loop3A_922 = arith.index_cast %parallel_loop3A_919 : i32 to index
        %parallel_loop3A_923 = tpu.vector_load %arg10[%parallel_loop3A_921, %parallel_loop3A_922] {strides = array<i32>} : memref<16x2048xf32, #tpu.memory_space<vmem>>, vector<16xf32>,
        %parallel_loop3A_924 = arith.mulf %parallel_loop3A_923, %gather3A_829 : vector<16xf32>
        %parallel_loop3A_925 = arith.constant 16 : i32
        %parallel_loop3A_926 = arith.muli %parallel_loop3A_917, %parallel_loop3A_925 : i32
        %parallel_loop3A_927 = arith.constant 4 : i32
        %parallel_loop3A_928 = arith.index_cast %parallel_loop3A_927 : i32 to index
        %parallel_loop3A_929 = arith.index_cast %parallel_loop3A_926 : i32 to index
        %parallel_loop3A_930 = tpu.vector_load %arg10[%parallel_loop3A_928, %parallel_loop3A_929] {strides = array<i32>} : memref<16x2048xf32, #tpu.memory_space<vmem>>, vector<16xf32>,
        tpu.vector_store %arg10[%parallel_loop3A_928, %parallel_loop3A_929], %parallel_loop3A_924 {strides = array<i32>} : memref<16x2048xf32, #tpu.memory_space<vmem>>, vector<16xf32>,
      } {sc.loop_unroll_factor = 8 : i64, sc.parallel_access}
      %broadcast_in_dim3A_833 = arith.constant 5 : i32
      %broadcast_in_dim3A_834 = vector.broadcast %broadcast_in_dim3A_833 : i32 to vector<16xi32>
      %gather3A_835 = tpu.vector_load_idx %arg9[%broadcast_in_dim3A_834] : memref<16xi32, #tpu.memory_space<vmem>>[vector<16xi32>], vector<16xi32>,
      %gather3A_836 = tpu.vector_load_idx %arg6[%gather3A_835] : memref<512xf32, #tpu.memory_space<vmem>>[vector<16xi32>], vector<16xf32>,
      %parallel_loop3A_837 = arith.constant 0 : i32
      %parallel_loop3A_838 = arith.constant 128 : i32
      %parallel_loop3A_839 = arith.constant 1 : i32
      scf.for %parallel_loop3A_917 = %parallel_loop3A_837 to %parallel_loop3A_838 step %parallel_loop3A_839  : i32 {
        %parallel_loop3A_918 = arith.constant 16 : i32
        %parallel_loop3A_919 = arith.muli %parallel_loop3A_917, %parallel_loop3A_918 : i32
        %parallel_loop3A_920 = arith.constant 5 : i32
        %parallel_loop3A_921 = arith.index_cast %parallel_loop3A_920 : i32 to index
        %parallel_loop3A_922 = arith.index_cast %parallel_loop3A_919 : i32 to index
        %parallel_loop3A_923 = tpu.vector_load %arg10[%parallel_loop3A_921, %parallel_loop3A_922] {strides = array<i32>} : memref<16x2048xf32, #tpu.memory_space<vmem>>, vector<16xf32>,
        %parallel_loop3A_924 = arith.mulf %parallel_loop3A_923, %gather3A_836 : vector<16xf32>
        %parallel_loop3A_925 = arith.constant 16 : i32
        %parallel_loop3A_926 = arith.muli %parallel_loop3A_917, %parallel_loop3A_925 : i32
        %parallel_loop3A_927 = arith.constant 5 : i32
        %parallel_loop3A_928 = arith.index_cast %parallel_loop3A_927 : i32 to index
        %parallel_loop3A_929 = arith.index_cast %parallel_loop3A_926 : i32 to index
        %parallel_loop3A_930 = tpu.vector_load %arg10[%parallel_loop3A_928, %parallel_loop3A_929] {strides = array<i32>} : memref<16x2048xf32, #tpu.memory_space<vmem>>, vector<16xf32>,
        tpu.vector_store %arg10[%parallel_loop3A_928, %parallel_loop3A_929], %parallel_loop3A_924 {strides = array<i32>} : memref<16x2048xf32, #tpu.memory_space<vmem>>, vector<16xf32>,
      } {sc.loop_unroll_factor = 8 : i64, sc.parallel_access}
      %broadcast_in_dim3A_840 = arith.constant 6 : i32
      %broadcast_in_dim3A_841 = vector.broadcast %broadcast_in_dim3A_840 : i32 to vector<16xi32>
      %gather3A_842 = tpu.vector_load_idx %arg9[%broadcast_in_dim3A_841] : memref<16xi32, #tpu.memory_space<vmem>>[vector<16xi32>], vector<16xi32>,
      %gather3A_843 = tpu.vector_load_idx %arg6[%gather3A_842] : memref<512xf32, #tpu.memory_space<vmem>>[vector<16xi32>], vector<16xf32>,
      %parallel_loop3A_844 = arith.constant 0 : i32
      %parallel_loop3A_845 = arith.constant 128 : i32
      %parallel_loop3A_846 = arith.constant 1 : i32
      scf.for %parallel_loop3A_917 = %parallel_loop3A_844 to %parallel_loop3A_845 step %parallel_loop3A_846  : i32 {
        %parallel_loop3A_918 = arith.constant 16 : i32
        %parallel_loop3A_919 = arith.muli %parallel_loop3A_917, %parallel_loop3A_918 : i32
        %parallel_loop3A_920 = arith.constant 6 : i32
        %parallel_loop3A_921 = arith.index_cast %parallel_loop3A_920 : i32 to index
        %parallel_loop3A_922 = arith.index_cast %parallel_loop3A_919 : i32 to index
        %parallel_loop3A_923 = tpu.vector_load %arg10[%parallel_loop3A_921, %parallel_loop3A_922] {strides = array<i32>} : memref<16x2048xf32, #tpu.memory_space<vmem>>, vector<16xf32>,
        %parallel_loop3A_924 = arith.mulf %parallel_loop3A_923, %gather3A_843 : vector<16xf32>
        %parallel_loop3A_925 = arith.constant 16 : i32
        %parallel_loop3A_926 = arith.muli %parallel_loop3A_917, %parallel_loop3A_925 : i32
        %parallel_loop3A_927 = arith.constant 6 : i32
        %parallel_loop3A_928 = arith.index_cast %parallel_loop3A_927 : i32 to index
        %parallel_loop3A_929 = arith.index_cast %parallel_loop3A_926 : i32 to index
        %parallel_loop3A_930 = tpu.vector_load %arg10[%parallel_loop3A_928, %parallel_loop3A_929] {strides = array<i32>} : memref<16x2048xf32, #tpu.memory_space<vmem>>, vector<16xf32>,
        tpu.vector_store %arg10[%parallel_loop3A_928, %parallel_loop3A_929], %parallel_loop3A_924 {strides = array<i32>} : memref<16x2048xf32, #tpu.memory_space<vmem>>, vector<16xf32>,
      } {sc.loop_unroll_factor = 8 : i64, sc.parallel_access}
      %broadcast_in_dim3A_847 = arith.constant 7 : i32
      %broadcast_in_dim3A_848 = vector.broadcast %broadcast_in_dim3A_847 : i32 to vector<16xi32>
      %gather3A_849 = tpu.vector_load_idx %arg9[%broadcast_in_dim3A_848] : memref<16xi32, #tpu.memory_space<vmem>>[vector<16xi32>], vector<16xi32>,
      %gather3A_850 = tpu.vector_load_idx %arg6[%gather3A_849] : memref<512xf32, #tpu.memory_space<vmem>>[vector<16xi32>], vector<16xf32>,
      %parallel_loop3A_851 = arith.constant 0 : i32
      %parallel_loop3A_852 = arith.constant 128 : i32
      %parallel_loop3A_853 = arith.constant 1 : i32
      scf.for %parallel_loop3A_917 = %parallel_loop3A_851 to %parallel_loop3A_852 step %parallel_loop3A_853  : i32 {
        %parallel_loop3A_918 = arith.constant 16 : i32
        %parallel_loop3A_919 = arith.muli %parallel_loop3A_917, %parallel_loop3A_918 : i32
        %parallel_loop3A_920 = arith.constant 7 : i32
        %parallel_loop3A_921 = arith.index_cast %parallel_loop3A_920 : i32 to index
        %parallel_loop3A_922 = arith.index_cast %parallel_loop3A_919 : i32 to index
        %parallel_loop3A_923 = tpu.vector_load %arg10[%parallel_loop3A_921, %parallel_loop3A_922] {strides = array<i32>} : memref<16x2048xf32, #tpu.memory_space<vmem>>, vector<16xf32>,
        %parallel_loop3A_924 = arith.mulf %parallel_loop3A_923, %gather3A_850 : vector<16xf32>
        %parallel_loop3A_925 = arith.constant 16 : i32
        %parallel_loop3A_926 = arith.muli %parallel_loop3A_917, %parallel_loop3A_925 : i32
        %parallel_loop3A_927 = arith.constant 7 : i32
        %parallel_loop3A_928 = arith.index_cast %parallel_loop3A_927 : i32 to index
        %parallel_loop3A_929 = arith.index_cast %parallel_loop3A_926 : i32 to index
        %parallel_loop3A_930 = tpu.vector_load %arg10[%parallel_loop3A_928, %parallel_loop3A_929] {strides = array<i32>} : memref<16x2048xf32, #tpu.memory_space<vmem>>, vector<16xf32>,
        tpu.vector_store %arg10[%parallel_loop3A_928, %parallel_loop3A_929], %parallel_loop3A_924 {strides = array<i32>} : memref<16x2048xf32, #tpu.memory_space<vmem>>, vector<16xf32>,
      } {sc.loop_unroll_factor = 8 : i64, sc.parallel_access}
      %broadcast_in_dim3A_854 = arith.constant 8 : i32
      %broadcast_in_dim3A_855 = vector.broadcast %broadcast_in_dim3A_854 : i32 to vector<16xi32>
      %gather3A_856 = tpu.vector_load_idx %arg9[%broadcast_in_dim3A_855] : memref<16xi32, #tpu.memory_space<vmem>>[vector<16xi32>], vector<16xi32>,
      %gather3A_857 = tpu.vector_load_idx %arg6[%gather3A_856] : memref<512xf32, #tpu.memory_space<vmem>>[vector<16xi32>], vector<16xf32>,
      %parallel_loop3A_858 = arith.constant 0 : i32
      %parallel_loop3A_859 = arith.constant 128 : i32
      %parallel_loop3A_860 = arith.constant 1 : i32
      scf.for %parallel_loop3A_917 = %parallel_loop3A_858 to %parallel_loop3A_859 step %parallel_loop3A_860  : i32 {
        %parallel_loop3A_918 = arith.constant 16 : i32
        %parallel_loop3A_919 = arith.muli %parallel_loop3A_917, %parallel_loop3A_918 : i32
        %parallel_loop3A_920 = arith.constant 8 : i32
        %parallel_loop3A_921 = arith.index_cast %parallel_loop3A_920 : i32 to index
        %parallel_loop3A_922 = arith.index_cast %parallel_loop3A_919 : i32 to index
        %parallel_loop3A_923 = tpu.vector_load %arg10[%parallel_loop3A_921, %parallel_loop3A_922] {strides = array<i32>} : memref<16x2048xf32, #tpu.memory_space<vmem>>, vector<16xf32>,
        %parallel_loop3A_924 = arith.mulf %parallel_loop3A_923, %gather3A_857 : vector<16xf32>
        %parallel_loop3A_925 = arith.constant 16 : i32
        %parallel_loop3A_926 = arith.muli %parallel_loop3A_917, %parallel_loop3A_925 : i32
        %parallel_loop3A_927 = arith.constant 8 : i32
        %parallel_loop3A_928 = arith.index_cast %parallel_loop3A_927 : i32 to index
        %parallel_loop3A_929 = arith.index_cast %parallel_loop3A_926 : i32 to index
        %parallel_loop3A_930 = tpu.vector_load %arg10[%parallel_loop3A_928, %parallel_loop3A_929] {strides = array<i32>} : memref<16x2048xf32, #tpu.memory_space<vmem>>, vector<16xf32>,
        tpu.vector_store %arg10[%parallel_loop3A_928, %parallel_loop3A_929], %parallel_loop3A_924 {strides = array<i32>} : memref<16x2048xf32, #tpu.memory_space<vmem>>, vector<16xf32>,
      } {sc.loop_unroll_factor = 8 : i64, sc.parallel_access}
      %broadcast_in_dim3A_861 = arith.constant 9 : i32
      %broadcast_in_dim3A_862 = vector.broadcast %broadcast_in_dim3A_861 : i32 to vector<16xi32>
      %gather3A_863 = tpu.vector_load_idx %arg9[%broadcast_in_dim3A_862] : memref<16xi32, #tpu.memory_space<vmem>>[vector<16xi32>], vector<16xi32>,
      %gather3A_864 = tpu.vector_load_idx %arg6[%gather3A_863] : memref<512xf32, #tpu.memory_space<vmem>>[vector<16xi32>], vector<16xf32>,
      %parallel_loop3A_865 = arith.constant 0 : i32
      %parallel_loop3A_866 = arith.constant 128 : i32
      %parallel_loop3A_867 = arith.constant 1 : i32
      scf.for %parallel_loop3A_917 = %parallel_loop3A_865 to %parallel_loop3A_866 step %parallel_loop3A_867  : i32 {
        %parallel_loop3A_918 = arith.constant 16 : i32
        %parallel_loop3A_919 = arith.muli %parallel_loop3A_917, %parallel_loop3A_918 : i32
        %parallel_loop3A_920 = arith.constant 9 : i32
        %parallel_loop3A_921 = arith.index_cast %parallel_loop3A_920 : i32 to index
        %parallel_loop3A_922 = arith.index_cast %parallel_loop3A_919 : i32 to index
        %parallel_loop3A_923 = tpu.vector_load %arg10[%parallel_loop3A_921, %parallel_loop3A_922] {strides = array<i32>} : memref<16x2048xf32, #tpu.memory_space<vmem>>, vector<16xf32>,
        %parallel_loop3A_924 = arith.mulf %parallel_loop3A_923, %gather3A_864 : vector<16xf32>
        %parallel_loop3A_925 = arith.constant 16 : i32
        %parallel_loop3A_926 = arith.muli %parallel_loop3A_917, %parallel_loop3A_925 : i32
        %parallel_loop3A_927 = arith.constant 9 : i32
        %parallel_loop3A_928 = arith.index_cast %parallel_loop3A_927 : i32 to index
        %parallel_loop3A_929 = arith.index_cast %parallel_loop3A_926 : i32 to index
        %parallel_loop3A_930 = tpu.vector_load %arg10[%parallel_loop3A_928, %parallel_loop3A_929] {strides = array<i32>} : memref<16x2048xf32, #tpu.memory_space<vmem>>, vector<16xf32>,
        tpu.vector_store %arg10[%parallel_loop3A_928, %parallel_loop3A_929], %parallel_loop3A_924 {strides = array<i32>} : memref<16x2048xf32, #tpu.memory_space<vmem>>, vector<16xf32>,
      } {sc.loop_unroll_factor = 8 : i64, sc.parallel_access}
      %broadcast_in_dim3A_868 = arith.constant 10 : i32
      %broadcast_in_dim3A_869 = vector.broadcast %broadcast_in_dim3A_868 : i32 to vector<16xi32>
      %gather3A_870 = tpu.vector_load_idx %arg9[%broadcast_in_dim3A_869] : memref<16xi32, #tpu.memory_space<vmem>>[vector<16xi32>], vector<16xi32>,
      %gather3A_871 = tpu.vector_load_idx %arg6[%gather3A_870] : memref<512xf32, #tpu.memory_space<vmem>>[vector<16xi32>], vector<16xf32>,
      %parallel_loop3A_872 = arith.constant 0 : i32
      %parallel_loop3A_873 = arith.constant 128 : i32
      %parallel_loop3A_874 = arith.constant 1 : i32
      scf.for %parallel_loop3A_917 = %parallel_loop3A_872 to %parallel_loop3A_873 step %parallel_loop3A_874  : i32 {
        %parallel_loop3A_918 = arith.constant 16 : i32
        %parallel_loop3A_919 = arith.muli %parallel_loop3A_917, %parallel_loop3A_918 : i32
        %parallel_loop3A_920 = arith.constant 10 : i32
        %parallel_loop3A_921 = arith.index_cast %parallel_loop3A_920 : i32 to index
        %parallel_loop3A_922 = arith.index_cast %parallel_loop3A_919 : i32 to index
        %parallel_loop3A_923 = tpu.vector_load %arg10[%parallel_loop3A_921, %parallel_loop3A_922] {strides = array<i32>} : memref<16x2048xf32, #tpu.memory_space<vmem>>, vector<16xf32>,
        %parallel_loop3A_924 = arith.mulf %parallel_loop3A_923, %gather3A_871 : vector<16xf32>
        %parallel_loop3A_925 = arith.constant 16 : i32
        %parallel_loop3A_926 = arith.muli %parallel_loop3A_917, %parallel_loop3A_925 : i32
        %parallel_loop3A_927 = arith.constant 10 : i32
        %parallel_loop3A_928 = arith.index_cast %parallel_loop3A_927 : i32 to index
        %parallel_loop3A_929 = arith.index_cast %parallel_loop3A_926 : i32 to index
        %parallel_loop3A_930 = tpu.vector_load %arg10[%parallel_loop3A_928, %parallel_loop3A_929] {strides = array<i32>} : memref<16x2048xf32, #tpu.memory_space<vmem>>, vector<16xf32>,
        tpu.vector_store %arg10[%parallel_loop3A_928, %parallel_loop3A_929], %parallel_loop3A_924 {strides = array<i32>} : memref<16x2048xf32, #tpu.memory_space<vmem>>, vector<16xf32>,
      } {sc.loop_unroll_factor = 8 : i64, sc.parallel_access}
      %broadcast_in_dim3A_875 = arith.constant 11 : i32
      %broadcast_in_dim3A_876 = vector.broadcast %broadcast_in_dim3A_875 : i32 to vector<16xi32>
      %gather3A_877 = tpu.vector_load_idx %arg9[%broadcast_in_dim3A_876] : memref<16xi32, #tpu.memory_space<vmem>>[vector<16xi32>], vector<16xi32>,
      %gather3A_878 = tpu.vector_load_idx %arg6[%gather3A_877] : memref<512xf32, #tpu.memory_space<vmem>>[vector<16xi32>], vector<16xf32>,
      %parallel_loop3A_879 = arith.constant 0 : i32
      %parallel_loop3A_880 = arith.constant 128 : i32
      %parallel_loop3A_881 = arith.constant 1 : i32
      scf.for %parallel_loop3A_917 = %parallel_loop3A_879 to %parallel_loop3A_880 step %parallel_loop3A_881  : i32 {
        %parallel_loop3A_918 = arith.constant 16 : i32
        %parallel_loop3A_919 = arith.muli %parallel_loop3A_917, %parallel_loop3A_918 : i32
        %parallel_loop3A_920 = arith.constant 11 : i32
        %parallel_loop3A_921 = arith.index_cast %parallel_loop3A_920 : i32 to index
        %parallel_loop3A_922 = arith.index_cast %parallel_loop3A_919 : i32 to index
        %parallel_loop3A_923 = tpu.vector_load %arg10[%parallel_loop3A_921, %parallel_loop3A_922] {strides = array<i32>} : memref<16x2048xf32, #tpu.memory_space<vmem>>, vector<16xf32>,
        %parallel_loop3A_924 = arith.mulf %parallel_loop3A_923, %gather3A_878 : vector<16xf32>
        %parallel_loop3A_925 = arith.constant 16 : i32
        %parallel_loop3A_926 = arith.muli %parallel_loop3A_917, %parallel_loop3A_925 : i32
        %parallel_loop3A_927 = arith.constant 11 : i32
        %parallel_loop3A_928 = arith.index_cast %parallel_loop3A_927 : i32 to index
        %parallel_loop3A_929 = arith.index_cast %parallel_loop3A_926 : i32 to index
        %parallel_loop3A_930 = tpu.vector_load %arg10[%parallel_loop3A_928, %parallel_loop3A_929] {strides = array<i32>} : memref<16x2048xf32, #tpu.memory_space<vmem>>, vector<16xf32>,
        tpu.vector_store %arg10[%parallel_loop3A_928, %parallel_loop3A_929], %parallel_loop3A_924 {strides = array<i32>} : memref<16x2048xf32, #tpu.memory_space<vmem>>, vector<16xf32>,
      } {sc.loop_unroll_factor = 8 : i64, sc.parallel_access}
      %broadcast_in_dim3A_882 = arith.constant 12 : i32
      %broadcast_in_dim3A_883 = vector.broadcast %broadcast_in_dim3A_882 : i32 to vector<16xi32>
      %gather3A_884 = tpu.vector_load_idx %arg9[%broadcast_in_dim3A_883] : memref<16xi32, #tpu.memory_space<vmem>>[vector<16xi32>], vector<16xi32>,
      %gather3A_885 = tpu.vector_load_idx %arg6[%gather3A_884] : memref<512xf32, #tpu.memory_space<vmem>>[vector<16xi32>], vector<16xf32>,
      %parallel_loop3A_886 = arith.constant 0 : i32
      %parallel_loop3A_887 = arith.constant 128 : i32
      %parallel_loop3A_888 = arith.constant 1 : i32
      scf.for %parallel_loop3A_917 = %parallel_loop3A_886 to %parallel_loop3A_887 step %parallel_loop3A_888  : i32 {
        %parallel_loop3A_918 = arith.constant 16 : i32
        %parallel_loop3A_919 = arith.muli %parallel_loop3A_917, %parallel_loop3A_918 : i32
        %parallel_loop3A_920 = arith.constant 12 : i32
        %parallel_loop3A_921 = arith.index_cast %parallel_loop3A_920 : i32 to index
        %parallel_loop3A_922 = arith.index_cast %parallel_loop3A_919 : i32 to index
        %parallel_loop3A_923 = tpu.vector_load %arg10[%parallel_loop3A_921, %parallel_loop3A_922] {strides = array<i32>} : memref<16x2048xf32, #tpu.memory_space<vmem>>, vector<16xf32>,
        %parallel_loop3A_924 = arith.mulf %parallel_loop3A_923, %gather3A_885 : vector<16xf32>
        %parallel_loop3A_925 = arith.constant 16 : i32
        %parallel_loop3A_926 = arith.muli %parallel_loop3A_917, %parallel_loop3A_925 : i32
        %parallel_loop3A_927 = arith.constant 12 : i32
        %parallel_loop3A_928 = arith.index_cast %parallel_loop3A_927 : i32 to index
        %parallel_loop3A_929 = arith.index_cast %parallel_loop3A_926 : i32 to index
        %parallel_loop3A_930 = tpu.vector_load %arg10[%parallel_loop3A_928, %parallel_loop3A_929] {strides = array<i32>} : memref<16x2048xf32, #tpu.memory_space<vmem>>, vector<16xf32>,
        tpu.vector_store %arg10[%parallel_loop3A_928, %parallel_loop3A_929], %parallel_loop3A_924 {strides = array<i32>} : memref<16x2048xf32, #tpu.memory_space<vmem>>, vector<16xf32>,
      } {sc.loop_unroll_factor = 8 : i64, sc.parallel_access}
      %broadcast_in_dim3A_889 = arith.constant 13 : i32
      %broadcast_in_dim3A_890 = vector.broadcast %broadcast_in_dim3A_889 : i32 to vector<16xi32>
      %gather3A_891 = tpu.vector_load_idx %arg9[%broadcast_in_dim3A_890] : memref<16xi32, #tpu.memory_space<vmem>>[vector<16xi32>], vector<16xi32>,
      %gather3A_892 = tpu.vector_load_idx %arg6[%gather3A_891] : memref<512xf32, #tpu.memory_space<vmem>>[vector<16xi32>], vector<16xf32>,
      %parallel_loop3A_893 = arith.constant 0 : i32
      %parallel_loop3A_894 = arith.constant 128 : i32
      %parallel_loop3A_895 = arith.constant 1 : i32
      scf.for %parallel_loop3A_917 = %parallel_loop3A_893 to %parallel_loop3A_894 step %parallel_loop3A_895  : i32 {
        %parallel_loop3A_918 = arith.constant 16 : i32
        %parallel_loop3A_919 = arith.muli %parallel_loop3A_917, %parallel_loop3A_918 : i32
        %parallel_loop3A_920 = arith.constant 13 : i32
        %parallel_loop3A_921 = arith.index_cast %parallel_loop3A_920 : i32 to index
        %parallel_loop3A_922 = arith.index_cast %parallel_loop3A_919 : i32 to index
        %parallel_loop3A_923 = tpu.vector_load %arg10[%parallel_loop3A_921, %parallel_loop3A_922] {strides = array<i32>} : memref<16x2048xf32, #tpu.memory_space<vmem>>, vector<16xf32>,
        %parallel_loop3A_924 = arith.mulf %parallel_loop3A_923, %gather3A_892 : vector<16xf32>
        %parallel_loop3A_925 = arith.constant 16 : i32
        %parallel_loop3A_926 = arith.muli %parallel_loop3A_917, %parallel_loop3A_925 : i32
        %parallel_loop3A_927 = arith.constant 13 : i32
        %parallel_loop3A_928 = arith.index_cast %parallel_loop3A_927 : i32 to index
        %parallel_loop3A_929 = arith.index_cast %parallel_loop3A_926 : i32 to index
        %parallel_loop3A_930 = tpu.vector_load %arg10[%parallel_loop3A_928, %parallel_loop3A_929] {strides = array<i32>} : memref<16x2048xf32, #tpu.memory_space<vmem>>, vector<16xf32>,
        tpu.vector_store %arg10[%parallel_loop3A_928, %parallel_loop3A_929], %parallel_loop3A_924 {strides = array<i32>} : memref<16x2048xf32, #tpu.memory_space<vmem>>, vector<16xf32>,
      } {sc.loop_unroll_factor = 8 : i64, sc.parallel_access}
      %broadcast_in_dim3A_896 = arith.constant 14 : i32
      %broadcast_in_dim3A_897 = vector.broadcast %broadcast_in_dim3A_896 : i32 to vector<16xi32>
      %gather3A_898 = tpu.vector_load_idx %arg9[%broadcast_in_dim3A_897] : memref<16xi32, #tpu.memory_space<vmem>>[vector<16xi32>], vector<16xi32>,
      %gather3A_899 = tpu.vector_load_idx %arg6[%gather3A_898] : memref<512xf32, #tpu.memory_space<vmem>>[vector<16xi32>], vector<16xf32>,
      %parallel_loop3A_900 = arith.constant 0 : i32
      %parallel_loop3A_901 = arith.constant 128 : i32
      %parallel_loop3A_902 = arith.constant 1 : i32
      scf.for %parallel_loop3A_917 = %parallel_loop3A_900 to %parallel_loop3A_901 step %parallel_loop3A_902  : i32 {
        %parallel_loop3A_918 = arith.constant 16 : i32
        %parallel_loop3A_919 = arith.muli %parallel_loop3A_917, %parallel_loop3A_918 : i32
        %parallel_loop3A_920 = arith.constant 14 : i32
        %parallel_loop3A_921 = arith.index_cast %parallel_loop3A_920 : i32 to index
        %parallel_loop3A_922 = arith.index_cast %parallel_loop3A_919 : i32 to index
        %parallel_loop3A_923 = tpu.vector_load %arg10[%parallel_loop3A_921, %parallel_loop3A_922] {strides = array<i32>} : memref<16x2048xf32, #tpu.memory_space<vmem>>, vector<16xf32>,
        %parallel_loop3A_924 = arith.mulf %parallel_loop3A_923, %gather3A_899 : vector<16xf32>
        %parallel_loop3A_925 = arith.constant 16 : i32
        %parallel_loop3A_926 = arith.muli %parallel_loop3A_917, %parallel_loop3A_925 : i32
        %parallel_loop3A_927 = arith.constant 14 : i32
        %parallel_loop3A_928 = arith.index_cast %parallel_loop3A_927 : i32 to index
        %parallel_loop3A_929 = arith.index_cast %parallel_loop3A_926 : i32 to index
        %parallel_loop3A_930 = tpu.vector_load %arg10[%parallel_loop3A_928, %parallel_loop3A_929] {strides = array<i32>} : memref<16x2048xf32, #tpu.memory_space<vmem>>, vector<16xf32>,
        tpu.vector_store %arg10[%parallel_loop3A_928, %parallel_loop3A_929], %parallel_loop3A_924 {strides = array<i32>} : memref<16x2048xf32, #tpu.memory_space<vmem>>, vector<16xf32>,
      } {sc.loop_unroll_factor = 8 : i64, sc.parallel_access}
      %broadcast_in_dim3A_903 = arith.constant 15 : i32
      %broadcast_in_dim3A_904 = vector.broadcast %broadcast_in_dim3A_903 : i32 to vector<16xi32>
      %gather3A_905 = tpu.vector_load_idx %arg9[%broadcast_in_dim3A_904] : memref<16xi32, #tpu.memory_space<vmem>>[vector<16xi32>], vector<16xi32>,
      %gather3A_906 = tpu.vector_load_idx %arg6[%gather3A_905] : memref<512xf32, #tpu.memory_space<vmem>>[vector<16xi32>], vector<16xf32>,
      %parallel_loop3A_907 = arith.constant 0 : i32
      %parallel_loop3A_908 = arith.constant 128 : i32
      %parallel_loop3A_909 = arith.constant 1 : i32
      scf.for %parallel_loop3A_917 = %parallel_loop3A_907 to %parallel_loop3A_908 step %parallel_loop3A_909  : i32 {
        %parallel_loop3A_918 = arith.constant 16 : i32
        %parallel_loop3A_919 = arith.muli %parallel_loop3A_917, %parallel_loop3A_918 : i32
        %parallel_loop3A_920 = arith.constant 15 : i32
        %parallel_loop3A_921 = arith.index_cast %parallel_loop3A_920 : i32 to index
        %parallel_loop3A_922 = arith.index_cast %parallel_loop3A_919 : i32 to index
        %parallel_loop3A_923 = tpu.vector_load %arg10[%parallel_loop3A_921, %parallel_loop3A_922] {strides = array<i32>} : memref<16x2048xf32, #tpu.memory_space<vmem>>, vector<16xf32>,
        %parallel_loop3A_924 = arith.mulf %parallel_loop3A_923, %gather3A_906 : vector<16xf32>
        %parallel_loop3A_925 = arith.constant 16 : i32
        %parallel_loop3A_926 = arith.muli %parallel_loop3A_917, %parallel_loop3A_925 : i32
        %parallel_loop3A_927 = arith.constant 15 : i32
        %parallel_loop3A_928 = arith.index_cast %parallel_loop3A_927 : i32 to index
        %parallel_loop3A_929 = arith.index_cast %parallel_loop3A_926 : i32 to index
        %parallel_loop3A_930 = tpu.vector_load %arg10[%parallel_loop3A_928, %parallel_loop3A_929] {strides = array<i32>} : memref<16x2048xf32, #tpu.memory_space<vmem>>, vector<16xf32>,
        tpu.vector_store %arg10[%parallel_loop3A_928, %parallel_loop3A_929], %parallel_loop3A_924 {strides = array<i32>} : memref<16x2048xf32, #tpu.memory_space<vmem>>, vector<16xf32>,
      } {sc.loop_unroll_factor = 8 : i64, sc.parallel_access}
      %dma_start3A_910 = arith.constant 0 : i32
      %dma_start3A_911 = arith.constant 0 : i32
      %dma_start3A_912 = tpu.memref_slice %arg4[%dma_start3A_910, %dma_start3A_911] : memref<16384x2048xf32, #tpu.memory_space<hbm>> -> memref<16384x2048xf32, #tpu.memory_space<hbm>>
      tpu.enqueue_indirect_dma source(%arg10 : memref<16x2048xf32, #tpu.memory_space<vmem>>) target(%dma_start3A_912 : memref<16384x2048xf32, #tpu.memory_space<hbm>>) offsets(%arg8 : memref<16xi32, #tpu.memory_space<vmem>>) semaphore(%arg11 : memref<!tpu.dma_semaphore, #tpu.memory_space<semaphore_mem>>)
      %dma_wait3A_913 = arith.constant 0 : i32
      %dma_wait3A_914 = arith.constant 0 : i32
      %dma_wait3A_915 = tpu.memref_slice %arg4[%dma_wait3A_913, %dma_wait3A_914] : memref<16384x2048xf32, #tpu.memory_space<hbm>> -> memref<16384x2048xf32, #tpu.memory_space<hbm>>
      tpu.wait_indirect_dma semaphore(%arg11 : memref<!tpu.dma_semaphore, #tpu.memory_space<semaphore_mem>>) src(%arg10 : memref<16x2048xf32, #tpu.memory_space<vmem>>) dst(%dma_wait3A_915 : memref<16384x2048xf32, #tpu.memory_space<hbm>>)
      %while3A_916 = arith.constant 0 : i32
      scf.yield %while3A_916 : i32
    }
    %while3A_778 = arith.constant 1 : i32
    %while3A_779 = scf.for %while3A_780 = %while3A_775 to %while3A_771 step %while3A_778 iter_args(%while3A_781 = %while3A_777) -> (i32)  : i32 {
      %mul3A_782 = arith.constant 16 : i32
      %mul3A_783 = arith.muli %while3A_780, %mul3A_782 : i32
      %get3A_784 = arith.index_cast %mul3A_783 : i32 to index
      %get3A_785 = tpu.vector_load %arg7[%get3A_784] {strides = array<i32>} : memref<528xi32, #tpu.memory_space<vmem>>, vector<16xi32>,
      %sub3A_786 = arith.subi %add3A_765, %mul3A_783 : i32
      %broadcast_in_dim3A_787 = vector.broadcast %mul3A_783 : i32 to vector<16xi32>
      %gather3A = tpu.vector_load_idx %arg7[%broadcast_in_dim3A_787] : memref<528xi32, #tpu.memory_space<vmem>>[vector<16xi32>], vector<16xi32>,
      %lt3A_788 = vector.broadcast %sub3A_786 : i32 to vector<16xi32>
      %lt3A_789 = arith.cmpi slt, %iota3A, %lt3A_788 : vector<16xi32>
      %select_n3A = arith.select %lt3A_789, %get3A_785, %gather3A : vector<16xi1>, vector<16xi32>
      %swap3A = arith.constant 0 : index
      %swap3A_790 = tpu.vector_load %arg8[%swap3A] {strides = array<i32>} : memref<16xi32, #tpu.memory_space<vmem>>, vector<16xi32>,
      tpu.vector_store %arg8[%swap3A], %select_n3A {strides = array<i32>} : memref<16xi32, #tpu.memory_space<vmem>>, vector<16xi32>,
      %sub3A_791 = vector.broadcast %mul3A_2 : i32 to vector<16xi32>
      %sub3A_792 = arith.subi %select_n3A, %sub3A_791 : vector<16xi32>
      %swap3A_793 = arith.constant 0 : index
      %swap3A_794 = tpu.vector_load %arg9[%swap3A_793] {strides = array<i32>} : memref<16xi32, #tpu.memory_space<vmem>>, vector<16xi32>,
      tpu.vector_store %arg9[%swap3A_793], %sub3A_792 {strides = array<i32>} : memref<16xi32, #tpu.memory_space<vmem>>, vector<16xi32>,
      %dma_start3A = arith.constant 0 : i32
      %dma_start3A_795 = arith.constant 0 : i32
      %dma_start3A_796 = tpu.memref_slice %arg3[%dma_start3A, %dma_start3A_795] : memref<16384x2048xf32, #tpu.memory_space<hbm>> -> memref<16384x2048xf32, #tpu.memory_space<hbm>>
      tpu.enqueue_indirect_dma source(%dma_start3A_796 : memref<16384x2048xf32, #tpu.memory_space<hbm>>) target(%arg10 : memref<16x2048xf32, #tpu.memory_space<vmem>>) offsets(%arg8 : memref<16xi32, #tpu.memory_space<vmem>>) semaphore(%arg11 : memref<!tpu.dma_semaphore, #tpu.memory_space<semaphore_mem>>)
      %dma_wait3A = arith.constant 0 : i32
      %dma_wait3A_797 = arith.constant 0 : i32
      %dma_wait3A_798 = tpu.memref_slice %arg3[%dma_wait3A, %dma_wait3A_797] : memref<16384x2048xf32, #tpu.memory_space<hbm>> -> memref<16384x2048xf32, #tpu.memory_space<hbm>>
      tpu.wait_indirect_dma semaphore(%arg11 : memref<!tpu.dma_semaphore, #tpu.memory_space<semaphore_mem>>) src(%dma_wait3A_798 : memref<16384x2048xf32, #tpu.memory_space<hbm>>) dst(%arg10 : memref<16x2048xf32, #tpu.memory_space<vmem>>)
      %broadcast_in_dim3A_799 = arith.constant 0 : i32
      %broadcast_in_dim3A_800 = vector.broadcast %broadcast_in_dim3A_799 : i32 to vector<16xi32>
      %gather3A_801 = tpu.vector_load_idx %arg9[%broadcast_in_dim3A_800] : memref<16xi32, #tpu.memory_space<vmem>>[vector<16xi32>], vector<16xi32>,
      %gather3A_802 = tpu.vector_load_idx %arg6[%gather3A_801] : memref<512xf32, #tpu.memory_space<vmem>>[vector<16xi32>], vector<16xf32>,
      %parallel_loop3A = arith.constant 0 : i32
      %parallel_loop3A_803 = arith.constant 128 : i32
      %parallel_loop3A_804 = arith.constant 1 : i32
      scf.for %parallel_loop3A_917 = %parallel_loop3A to %parallel_loop3A_803 step %parallel_loop3A_804  : i32 {
        %parallel_loop3A_918 = arith.constant 16 : i32
        %parallel_loop3A_919 = arith.muli %parallel_loop3A_917, %parallel_loop3A_918 : i32
        %parallel_loop3A_920 = arith.constant 0 : i32
        %parallel_loop3A_921 = arith.index_cast %parallel_loop3A_920 : i32 to index
        %parallel_loop3A_922 = arith.index_cast %parallel_loop3A_919 : i32 to index
        %parallel_loop3A_923 = tpu.vector_load %arg10[%parallel_loop3A_921, %parallel_loop3A_922] {strides = array<i32>} : memref<16x2048xf32, #tpu.memory_space<vmem>>, vector<16xf32>,
        %parallel_loop3A_924 = arith.mulf %parallel_loop3A_923, %gather3A_802 : vector<16xf32>
        %parallel_loop3A_925 = arith.constant 16 : i32
        %parallel_loop3A_926 = arith.muli %parallel_loop3A_917, %parallel_loop3A_925 : i32
        %parallel_loop3A_927 = arith.constant 0 : i32
        %parallel_loop3A_928 = arith.index_cast %parallel_loop3A_927 : i32 to index
        %parallel_loop3A_929 = arith.index_cast %parallel_loop3A_926 : i32 to index
        %parallel_loop3A_930 = tpu.vector_load %arg10[%parallel_loop3A_928, %parallel_loop3A_929] {strides = array<i32>} : memref<16x2048xf32, #tpu.memory_space<vmem>>, vector<16xf32>,
        tpu.vector_store %arg10[%parallel_loop3A_928, %parallel_loop3A_929], %parallel_loop3A_924 {strides = array<i32>} : memref<16x2048xf32, #tpu.memory_space<vmem>>, vector<16xf32>,
      } {sc.loop_unroll_factor = 8 : i64, sc.parallel_access}
      %broadcast_in_dim3A_805 = arith.constant 1 : i32
      %broadcast_in_dim3A_806 = vector.broadcast %broadcast_in_dim3A_805 : i32 to vector<16xi32>
      %gather3A_807 = tpu.vector_load_idx %arg9[%broadcast_in_dim3A_806] : memref<16xi32, #tpu.memory_space<vmem>>[vector<16xi32>], vector<16xi32>,
      %gather3A_808 = tpu.vector_load_idx %arg6[%gather3A_807] : memref<512xf32, #tpu.memory_space<vmem>>[vector<16xi32>], vector<16xf32>,
      %parallel_loop3A_809 = arith.constant 0 : i32
      %parallel_loop3A_810 = arith.constant 128 : i32
      %parallel_loop3A_811 = arith.constant 1 : i32
      scf.for %parallel_loop3A_917 = %parallel_loop3A_809 to %parallel_loop3A_810 step %parallel_loop3A_811  : i32 {
        %parallel_loop3A_918 = arith.constant 16 : i32
        %parallel_loop3A_919 = arith.muli %parallel_loop3A_917, %parallel_loop3A_918 : i32
        %parallel_loop3A_920 = arith.constant 1 : i32
        %parallel_loop3A_921 = arith.index_cast %parallel_loop3A_920 : i32 to index
        %parallel_loop3A_922 = arith.index_cast %parallel_loop3A_919 : i32 to index
        %parallel_loop3A_923 = tpu.vector_load %arg10[%parallel_loop3A_921, %parallel_loop3A_922] {strides = array<i32>} : memref<16x2048xf32, #tpu.memory_space<vmem>>, vector<16xf32>,
        %parallel_loop3A_924 = arith.mulf %parallel_loop3A_923, %gather3A_808 : vector<16xf32>
        %parallel_loop3A_925 = arith.constant 16 : i32
        %parallel_loop3A_926 = arith.muli %parallel_loop3A_917, %parallel_loop3A_925 : i32
        %parallel_loop3A_927 = arith.constant 1 : i32
        %parallel_loop3A_928 = arith.index_cast %parallel_loop3A_927 : i32 to index
        %parallel_loop3A_929 = arith.index_cast %parallel_loop3A_926 : i32 to index
        %parallel_loop3A_930 = tpu.vector_load %arg10[%parallel_loop3A_928, %parallel_loop3A_929] {strides = array<i32>} : memref<16x2048xf32, #tpu.memory_space<vmem>>, vector<16xf32>,
        tpu.vector_store %arg10[%parallel_loop3A_928, %parallel_loop3A_929], %parallel_loop3A_924 {strides = array<i32>} : memref<16x2048xf32, #tpu.memory_space<vmem>>, vector<16xf32>,
      } {sc.loop_unroll_factor = 8 : i64, sc.parallel_access}
      %broadcast_in_dim3A_812 = arith.constant 2 : i32
      %broadcast_in_dim3A_813 = vector.broadcast %broadcast_in_dim3A_812 : i32 to vector<16xi32>
      %gather3A_814 = tpu.vector_load_idx %arg9[%broadcast_in_dim3A_813] : memref<16xi32, #tpu.memory_space<vmem>>[vector<16xi32>], vector<16xi32>,
      %gather3A_815 = tpu.vector_load_idx %arg6[%gather3A_814] : memref<512xf32, #tpu.memory_space<vmem>>[vector<16xi32>], vector<16xf32>,
      %parallel_loop3A_816 = arith.constant 0 : i32
      %parallel_loop3A_817 = arith.constant 128 : i32
      %parallel_loop3A_818 = arith.constant 1 : i32
      scf.for %parallel_loop3A_917 = %parallel_loop3A_816 to %parallel_loop3A_817 step %parallel_loop3A_818  : i32 {
        %parallel_loop3A_918 = arith.constant 16 : i32
        %parallel_loop3A_919 = arith.muli %parallel_loop3A_917, %parallel_loop3A_918 : i32
        %parallel_loop3A_920 = arith.constant 2 : i32
        %parallel_loop3A_921 = arith.index_cast %parallel_loop3A_920 : i32 to index
        %parallel_loop3A_922 = arith.index_cast %parallel_loop3A_919 : i32 to index
        %parallel_loop3A_923 = tpu.vector_load %arg10[%parallel_loop3A_921, %parallel_loop3A_922] {strides = array<i32>} : memref<16x2048xf32, #tpu.memory_space<vmem>>, vector<16xf32>,
        %parallel_loop3A_924 = arith.mulf %parallel_loop3A_923, %gather3A_815 : vector<16xf32>
        %parallel_loop3A_925 = arith.constant 16 : i32
        %parallel_loop3A_926 = arith.muli %parallel_loop3A_917, %parallel_loop3A_925 : i32
        %parallel_loop3A_927 = arith.constant 2 : i32
        %parallel_loop3A_928 = arith.index_cast %parallel_loop3A_927 : i32 to index
        %parallel_loop3A_929 = arith.index_cast %parallel_loop3A_926 : i32 to index
        %parallel_loop3A_930 = tpu.vector_load %arg10[%parallel_loop3A_928, %parallel_loop3A_929] {strides = array<i32>} : memref<16x2048xf32, #tpu.memory_space<vmem>>, vector<16xf32>,
        tpu.vector_store %arg10[%parallel_loop3A_928, %parallel_loop3A_929], %parallel_loop3A_924 {strides = array<i32>} : memref<16x2048xf32, #tpu.memory_space<vmem>>, vector<16xf32>,
      } {sc.loop_unroll_factor = 8 : i64, sc.parallel_access}
      %broadcast_in_dim3A_819 = arith.constant 3 : i32
      %broadcast_in_dim3A_820 = vector.broadcast %broadcast_in_dim3A_819 : i32 to vector<16xi32>
      %gather3A_821 = tpu.vector_load_idx %arg9[%broadcast_in_dim3A_820] : memref<16xi32, #tpu.memory_space<vmem>>[vector<16xi32>], vector<16xi32>,
      %gather3A_822 = tpu.vector_load_idx %arg6[%gather3A_821] : memref<512xf32, #tpu.memory_space<vmem>>[vector<16xi32>], vector<16xf32>,
      %parallel_loop3A_823 = arith.constant 0 : i32
      %parallel_loop3A_824 = arith.constant 128 : i32
      %parallel_loop3A_825 = arith.constant 1 : i32
      scf.for %parallel_loop3A_917 = %parallel_loop3A_823 to %parallel_loop3A_824 step %parallel_loop3A_825  : i32 {
        %parallel_loop3A_918 = arith.constant 16 : i32
        %parallel_loop3A_919 = arith.muli %parallel_loop3A_917, %parallel_loop3A_918 : i32
        %parallel_loop3A_920 = arith.constant 3 : i32
        %parallel_loop3A_921 = arith.index_cast %parallel_loop3A_920 : i32 to index
        %parallel_loop3A_922 = arith.index_cast %parallel_loop3A_919 : i32 to index
        %parallel_loop3A_923 = tpu.vector_load %arg10[%parallel_loop3A_921, %parallel_loop3A_922] {strides = array<i32>} : memref<16x2048xf32, #tpu.memory_space<vmem>>, vector<16xf32>,
        %parallel_loop3A_924 = arith.mulf %parallel_loop3A_923, %gather3A_822 : vector<16xf32>
        %parallel_loop3A_925 = arith.constant 16 : i32
        %parallel_loop3A_926 = arith.muli %parallel_loop3A_917, %parallel_loop3A_925 : i32
        %parallel_loop3A_927 = arith.constant 3 : i32
        %parallel_loop3A_928 = arith.index_cast %parallel_loop3A_927 : i32 to index
        %parallel_loop3A_929 = arith.index_cast %parallel_loop3A_926 : i32 to index
        %parallel_loop3A_930 = tpu.vector_load %arg10[%parallel_loop3A_928, %parallel_loop3A_929] {strides = array<i32>} : memref<16x2048xf32, #tpu.memory_space<vmem>>, vector<16xf32>,
        tpu.vector_store %arg10[%parallel_loop3A_928, %parallel_loop3A_929], %parallel_loop3A_924 {strides = array<i32>} : memref<16x2048xf32, #tpu.memory_space<vmem>>, vector<16xf32>,
      } {sc.loop_unroll_factor = 8 : i64, sc.parallel_access}
      %broadcast_in_dim3A_826 = arith.constant 4 : i32
      %broadcast_in_dim3A_827 = vector.broadcast %broadcast_in_dim3A_826 : i32 to vector<16xi32>
      %gather3A_828 = tpu.vector_load_idx %arg9[%broadcast_in_dim3A_827] : memref<16xi32, #tpu.memory_space<vmem>>[vector<16xi32>], vector<16xi32>,
      %gather3A_829 = tpu.vector_load_idx %arg6[%gather3A_828] : memref<512xf32, #tpu.memory_space<vmem>>[vector<16xi32>], vector<16xf32>,
      %parallel_loop3A_830 = arith.constant 0 : i32
      %parallel_loop3A_831 = arith.constant 128 : i32
      %parallel_loop3A_832 = arith.constant 1 : i32
      scf.for %parallel_loop3A_917 = %parallel_loop3A_830 to %parallel_loop3A_831 step %parallel_loop3A_832  : i32 {
        %parallel_loop3A_918 = arith.constant 16 : i32
        %parallel_loop3A_919 = arith.muli %parallel_loop3A_917, %parallel_loop3A_918 : i32
        %parallel_loop3A_920 = arith.constant 4 : i32
        %parallel_loop3A_921 = arith.index_cast %parallel_loop3A_920 : i32 to index
        %parallel_loop3A_922 = arith.index_cast %parallel_loop3A_919 : i32 to index
        %parallel_loop3A_923 = tpu.vector_load %arg10[%parallel_loop3A_921, %parallel_loop3A_922] {strides = array<i32>} : memref<16x2048xf32, #tpu.memory_space<vmem>>, vector<16xf32>,
        %parallel_loop3A_924 = arith.mulf %parallel_loop3A_923, %gather3A_829 : vector<16xf32>
        %parallel_loop3A_925 = arith.constant 16 : i32
        %parallel_loop3A_926 = arith.muli %parallel_loop3A_917, %parallel_loop3A_925 : i32
        %parallel_loop3A_927 = arith.constant 4 : i32
        %parallel_loop3A_928 = arith.index_cast %parallel_loop3A_927 : i32 to index
        %parallel_loop3A_929 = arith.index_cast %parallel_loop3A_926 : i32 to index
        %parallel_loop3A_930 = tpu.vector_load %arg10[%parallel_loop3A_928, %parallel_loop3A_929] {strides = array<i32>} : memref<16x2048xf32, #tpu.memory_space<vmem>>, vector<16xf32>,
        tpu.vector_store %arg10[%parallel_loop3A_928, %parallel_loop3A_929], %parallel_loop3A_924 {strides = array<i32>} : memref<16x2048xf32, #tpu.memory_space<vmem>>, vector<16xf32>,
      } {sc.loop_unroll_factor = 8 : i64, sc.parallel_access}
      %broadcast_in_dim3A_833 = arith.constant 5 : i32
      %broadcast_in_dim3A_834 = vector.broadcast %broadcast_in_dim3A_833 : i32 to vector<16xi32>
      %gather3A_835 = tpu.vector_load_idx %arg9[%broadcast_in_dim3A_834] : memref<16xi32, #tpu.memory_space<vmem>>[vector<16xi32>], vector<16xi32>,
      %gather3A_836 = tpu.vector_load_idx %arg6[%gather3A_835] : memref<512xf32, #tpu.memory_space<vmem>>[vector<16xi32>], vector<16xf32>,
      %parallel_loop3A_837 = arith.constant 0 : i32
      %parallel_loop3A_838 = arith.constant 128 : i32
      %parallel_loop3A_839 = arith.constant 1 : i32
      scf.for %parallel_loop3A_917 = %parallel_loop3A_837 to %parallel_loop3A_838 step %parallel_loop3A_839  : i32 {
        %parallel_loop3A_918 = arith.constant 16 : i32
        %parallel_loop3A_919 = arith.muli %parallel_loop3A_917, %parallel_loop3A_918 : i32
        %parallel_loop3A_920 = arith.constant 5 : i32
        %parallel_loop3A_921 = arith.index_cast %parallel_loop3A_920 : i32 to index
        %parallel_loop3A_922 = arith.index_cast %parallel_loop3A_919 : i32 to index
        %parallel_loop3A_923 = tpu.vector_load %arg10[%parallel_loop3A_921, %parallel_loop3A_922] {strides = array<i32>} : memref<16x2048xf32, #tpu.memory_space<vmem>>, vector<16xf32>,
        %parallel_loop3A_924 = arith.mulf %parallel_loop3A_923, %gather3A_836 : vector<16xf32>
        %parallel_loop3A_925 = arith.constant 16 : i32
        %parallel_loop3A_926 = arith.muli %parallel_loop3A_917, %parallel_loop3A_925 : i32
        %parallel_loop3A_927 = arith.constant 5 : i32
        %parallel_loop3A_928 = arith.index_cast %parallel_loop3A_927 : i32 to index
        %parallel_loop3A_929 = arith.index_cast %parallel_loop3A_926 : i32 to index
        %parallel_loop3A_930 = tpu.vector_load %arg10[%parallel_loop3A_928, %parallel_loop3A_929] {strides = array<i32>} : memref<16x2048xf32, #tpu.memory_space<vmem>>, vector<16xf32>,
        tpu.vector_store %arg10[%parallel_loop3A_928, %parallel_loop3A_929], %parallel_loop3A_924 {strides = array<i32>} : memref<16x2048xf32, #tpu.memory_space<vmem>>, vector<16xf32>,
      } {sc.loop_unroll_factor = 8 : i64, sc.parallel_access}
      %broadcast_in_dim3A_840 = arith.constant 6 : i32
      %broadcast_in_dim3A_841 = vector.broadcast %broadcast_in_dim3A_840 : i32 to vector<16xi32>
      %gather3A_842 = tpu.vector_load_idx %arg9[%broadcast_in_dim3A_841] : memref<16xi32, #tpu.memory_space<vmem>>[vector<16xi32>], vector<16xi32>,
      %gather3A_843 = tpu.vector_load_idx %arg6[%gather3A_842] : memref<512xf32, #tpu.memory_space<vmem>>[vector<16xi32>], vector<16xf32>,
      %parallel_loop3A_844 = arith.constant 0 : i32
      %parallel_loop3A_845 = arith.constant 128 : i32
      %parallel_loop3A_846 = arith.constant 1 : i32
      scf.for %parallel_loop3A_917 = %parallel_loop3A_844 to %parallel_loop3A_845 step %parallel_loop3A_846  : i32 {
        %parallel_loop3A_918 = arith.constant 16 : i32
        %parallel_loop3A_919 = arith.muli %parallel_loop3A_917, %parallel_loop3A_918 : i32
        %parallel_loop3A_920 = arith.constant 6 : i32
        %parallel_loop3A_921 = arith.index_cast %parallel_loop3A_920 : i32 to index
        %parallel_loop3A_922 = arith.index_cast %parallel_loop3A_919 : i32 to index
        %parallel_loop3A_923 = tpu.vector_load %arg10[%parallel_loop3A_921, %parallel_loop3A_922] {strides = array<i32>} : memref<16x2048xf32, #tpu.memory_space<vmem>>, vector<16xf32>,
        %parallel_loop3A_924 = arith.mulf %parallel_loop3A_923, %gather3A_843 : vector<16xf32>
        %parallel_loop3A_925 = arith.constant 16 : i32
        %parallel_loop3A_926 = arith.muli %parallel_loop3A_917, %parallel_loop3A_925 : i32
        %parallel_loop3A_927 = arith.constant 6 : i32
        %parallel_loop3A_928 = arith.index_cast %parallel_loop3A_927 : i32 to index
        %parallel_loop3A_929 = arith.index_cast %parallel_loop3A_926 : i32 to index
        %parallel_loop3A_930 = tpu.vector_load %arg10[%parallel_loop3A_928, %parallel_loop3A_929] {strides = array<i32>} : memref<16x2048xf32, #tpu.memory_space<vmem>>, vector<16xf32>,
        tpu.vector_store %arg10[%parallel_loop3A_928, %parallel_loop3A_929], %parallel_loop3A_924 {strides = array<i32>} : memref<16x2048xf32, #tpu.memory_space<vmem>>, vector<16xf32>,
      } {sc.loop_unroll_factor = 8 : i64, sc.parallel_access}
      %broadcast_in_dim3A_847 = arith.constant 7 : i32
      %broadcast_in_dim3A_848 = vector.broadcast %broadcast_in_dim3A_847 : i32 to vector<16xi32>
      %gather3A_849 = tpu.vector_load_idx %arg9[%broadcast_in_dim3A_848] : memref<16xi32, #tpu.memory_space<vmem>>[vector<16xi32>], vector<16xi32>,
      %gather3A_850 = tpu.vector_load_idx %arg6[%gather3A_849] : memref<512xf32, #tpu.memory_space<vmem>>[vector<16xi32>], vector<16xf32>,
      %parallel_loop3A_851 = arith.constant 0 : i32
      %parallel_loop3A_852 = arith.constant 128 : i32
      %parallel_loop3A_853 = arith.constant 1 : i32
      scf.for %parallel_loop3A_917 = %parallel_loop3A_851 to %parallel_loop3A_852 step %parallel_loop3A_853  : i32 {
        %parallel_loop3A_918 = arith.constant 16 : i32
        %parallel_loop3A_919 = arith.muli %parallel_loop3A_917, %parallel_loop3A_918 : i32
        %parallel_loop3A_920 = arith.constant 7 : i32
        %parallel_loop3A_921 = arith.index_cast %parallel_loop3A_920 : i32 to index
        %parallel_loop3A_922 = arith.index_cast %parallel_loop3A_919 : i32 to index
        %parallel_loop3A_923 = tpu.vector_load %arg10[%parallel_loop3A_921, %parallel_loop3A_922] {strides = array<i32>} : memref<16x2048xf32, #tpu.memory_space<vmem>>, vector<16xf32>,
        %parallel_loop3A_924 = arith.mulf %parallel_loop3A_923, %gather3A_850 : vector<16xf32>
        %parallel_loop3A_925 = arith.constant 16 : i32
        %parallel_loop3A_926 = arith.muli %parallel_loop3A_917, %parallel_loop3A_925 : i32
        %parallel_loop3A_927 = arith.constant 7 : i32
        %parallel_loop3A_928 = arith.index_cast %parallel_loop3A_927 : i32 to index
        %parallel_loop3A_929 = arith.index_cast %parallel_loop3A_926 : i32 to index
        %parallel_loop3A_930 = tpu.vector_load %arg10[%parallel_loop3A_928, %parallel_loop3A_929] {strides = array<i32>} : memref<16x2048xf32, #tpu.memory_space<vmem>>, vector<16xf32>,
        tpu.vector_store %arg10[%parallel_loop3A_928, %parallel_loop3A_929], %parallel_loop3A_924 {strides = array<i32>} : memref<16x2048xf32, #tpu.memory_space<vmem>>, vector<16xf32>,
      } {sc.loop_unroll_factor = 8 : i64, sc.parallel_access}
      %broadcast_in_dim3A_854 = arith.constant 8 : i32
      %broadcast_in_dim3A_855 = vector.broadcast %broadcast_in_dim3A_854 : i32 to vector<16xi32>
      %gather3A_856 = tpu.vector_load_idx %arg9[%broadcast_in_dim3A_855] : memref<16xi32, #tpu.memory_space<vmem>>[vector<16xi32>], vector<16xi32>,
      %gather3A_857 = tpu.vector_load_idx %arg6[%gather3A_856] : memref<512xf32, #tpu.memory_space<vmem>>[vector<16xi32>], vector<16xf32>,
      %parallel_loop3A_858 = arith.constant 0 : i32
      %parallel_loop3A_859 = arith.constant 128 : i32
      %parallel_loop3A_860 = arith.constant 1 : i32
      scf.for %parallel_loop3A_917 = %parallel_loop3A_858 to %parallel_loop3A_859 step %parallel_loop3A_860  : i32 {
        %parallel_loop3A_918 = arith.constant 16 : i32
        %parallel_loop3A_919 = arith.muli %parallel_loop3A_917, %parallel_loop3A_918 : i32
        %parallel_loop3A_920 = arith.constant 8 : i32
        %parallel_loop3A_921 = arith.index_cast %parallel_loop3A_920 : i32 to index
        %parallel_loop3A_922 = arith.index_cast %parallel_loop3A_919 : i32 to index
        %parallel_loop3A_923 = tpu.vector_load %arg10[%parallel_loop3A_921, %parallel_loop3A_922] {strides = array<i32>} : memref<16x2048xf32, #tpu.memory_space<vmem>>, vector<16xf32>,
        %parallel_loop3A_924 = arith.mulf %parallel_loop3A_923, %gather3A_857 : vector<16xf32>
        %parallel_loop3A_925 = arith.constant 16 : i32
        %parallel_loop3A_926 = arith.muli %parallel_loop3A_917, %parallel_loop3A_925 : i32
        %parallel_loop3A_927 = arith.constant 8 : i32
        %parallel_loop3A_928 = arith.index_cast %parallel_loop3A_927 : i32 to index
        %parallel_loop3A_929 = arith.index_cast %parallel_loop3A_926 : i32 to index
        %parallel_loop3A_930 = tpu.vector_load %arg10[%parallel_loop3A_928, %parallel_loop3A_929] {strides = array<i32>} : memref<16x2048xf32, #tpu.memory_space<vmem>>, vector<16xf32>,
        tpu.vector_store %arg10[%parallel_loop3A_928, %parallel_loop3A_929], %parallel_loop3A_924 {strides = array<i32>} : memref<16x2048xf32, #tpu.memory_space<vmem>>, vector<16xf32>,
      } {sc.loop_unroll_factor = 8 : i64, sc.parallel_access}
      %broadcast_in_dim3A_861 = arith.constant 9 : i32
      %broadcast_in_dim3A_862 = vector.broadcast %broadcast_in_dim3A_861 : i32 to vector<16xi32>
      %gather3A_863 = tpu.vector_load_idx %arg9[%broadcast_in_dim3A_862] : memref<16xi32, #tpu.memory_space<vmem>>[vector<16xi32>], vector<16xi32>,
      %gather3A_864 = tpu.vector_load_idx %arg6[%gather3A_863] : memref<512xf32, #tpu.memory_space<vmem>>[vector<16xi32>], vector<16xf32>,
      %parallel_loop3A_865 = arith.constant 0 : i32
      %parallel_loop3A_866 = arith.constant 128 : i32
      %parallel_loop3A_867 = arith.constant 1 : i32
      scf.for %parallel_loop3A_917 = %parallel_loop3A_865 to %parallel_loop3A_866 step %parallel_loop3A_867  : i32 {
        %parallel_loop3A_918 = arith.constant 16 : i32
        %parallel_loop3A_919 = arith.muli %parallel_loop3A_917, %parallel_loop3A_918 : i32
        %parallel_loop3A_920 = arith.constant 9 : i32
        %parallel_loop3A_921 = arith.index_cast %parallel_loop3A_920 : i32 to index
        %parallel_loop3A_922 = arith.index_cast %parallel_loop3A_919 : i32 to index
        %parallel_loop3A_923 = tpu.vector_load %arg10[%parallel_loop3A_921, %parallel_loop3A_922] {strides = array<i32>} : memref<16x2048xf32, #tpu.memory_space<vmem>>, vector<16xf32>,
        %parallel_loop3A_924 = arith.mulf %parallel_loop3A_923, %gather3A_864 : vector<16xf32>
        %parallel_loop3A_925 = arith.constant 16 : i32
        %parallel_loop3A_926 = arith.muli %parallel_loop3A_917, %parallel_loop3A_925 : i32
        %parallel_loop3A_927 = arith.constant 9 : i32
        %parallel_loop3A_928 = arith.index_cast %parallel_loop3A_927 : i32 to index
        %parallel_loop3A_929 = arith.index_cast %parallel_loop3A_926 : i32 to index
        %parallel_loop3A_930 = tpu.vector_load %arg10[%parallel_loop3A_928, %parallel_loop3A_929] {strides = array<i32>} : memref<16x2048xf32, #tpu.memory_space<vmem>>, vector<16xf32>,
        tpu.vector_store %arg10[%parallel_loop3A_928, %parallel_loop3A_929], %parallel_loop3A_924 {strides = array<i32>} : memref<16x2048xf32, #tpu.memory_space<vmem>>, vector<16xf32>,
      } {sc.loop_unroll_factor = 8 : i64, sc.parallel_access}
      %broadcast_in_dim3A_868 = arith.constant 10 : i32
      %broadcast_in_dim3A_869 = vector.broadcast %broadcast_in_dim3A_868 : i32 to vector<16xi32>
      %gather3A_870 = tpu.vector_load_idx %arg9[%broadcast_in_dim3A_869] : memref<16xi32, #tpu.memory_space<vmem>>[vector<16xi32>], vector<16xi32>,
      %gather3A_871 = tpu.vector_load_idx %arg6[%gather3A_870] : memref<512xf32, #tpu.memory_space<vmem>>[vector<16xi32>], vector<16xf32>,
      %parallel_loop3A_872 = arith.constant 0 : i32
      %parallel_loop3A_873 = arith.constant 128 : i32
      %parallel_loop3A_874 = arith.constant 1 : i32
      scf.for %parallel_loop3A_917 = %parallel_loop3A_872 to %parallel_loop3A_873 step %parallel_loop3A_874  : i32 {
        %parallel_loop3A_918 = arith.constant 16 : i32
        %parallel_loop3A_919 = arith.muli %parallel_loop3A_917, %parallel_loop3A_918 : i32
        %parallel_loop3A_920 = arith.constant 10 : i32
        %parallel_loop3A_921 = arith.index_cast %parallel_loop3A_920 : i32 to index
        %parallel_loop3A_922 = arith.index_cast %parallel_loop3A_919 : i32 to index
        %parallel_loop3A_923 = tpu.vector_load %arg10[%parallel_loop3A_921, %parallel_loop3A_922] {strides = array<i32>} : memref<16x2048xf32, #tpu.memory_space<vmem>>, vector<16xf32>,
        %parallel_loop3A_924 = arith.mulf %parallel_loop3A_923, %gather3A_871 : vector<16xf32>
        %parallel_loop3A_925 = arith.constant 16 : i32
        %parallel_loop3A_926 = arith.muli %parallel_loop3A_917, %parallel_loop3A_925 : i32
        %parallel_loop3A_927 = arith.constant 10 : i32
        %parallel_loop3A_928 = arith.index_cast %parallel_loop3A_927 : i32 to index
        %parallel_loop3A_929 = arith.index_cast %parallel_loop3A_926 : i32 to index
        %parallel_loop3A_930 = tpu.vector_load %arg10[%parallel_loop3A_928, %parallel_loop3A_929] {strides = array<i32>} : memref<16x2048xf32, #tpu.memory_space<vmem>>, vector<16xf32>,
        tpu.vector_store %arg10[%parallel_loop3A_928, %parallel_loop3A_929], %parallel_loop3A_924 {strides = array<i32>} : memref<16x2048xf32, #tpu.memory_space<vmem>>, vector<16xf32>,
      } {sc.loop_unroll_factor = 8 : i64, sc.parallel_access}
      %broadcast_in_dim3A_875 = arith.constant 11 : i32
      %broadcast_in_dim3A_876 = vector.broadcast %broadcast_in_dim3A_875 : i32 to vector<16xi32>
      %gather3A_877 = tpu.vector_load_idx %arg9[%broadcast_in_dim3A_876] : memref<16xi32, #tpu.memory_space<vmem>>[vector<16xi32>], vector<16xi32>,
      %gather3A_878 = tpu.vector_load_idx %arg6[%gather3A_877] : memref<512xf32, #tpu.memory_space<vmem>>[vector<16xi32>], vector<16xf32>,
      %parallel_loop3A_879 = arith.constant 0 : i32
      %parallel_loop3A_880 = arith.constant 128 : i32
      %parallel_loop3A_881 = arith.constant 1 : i32
      scf.for %parallel_loop3A_917 = %parallel_loop3A_879 to %parallel_loop3A_880 step %parallel_loop3A_881  : i32 {
        %parallel_loop3A_918 = arith.constant 16 : i32
        %parallel_loop3A_919 = arith.muli %parallel_loop3A_917, %parallel_loop3A_918 : i32
        %parallel_loop3A_920 = arith.constant 11 : i32
        %parallel_loop3A_921 = arith.index_cast %parallel_loop3A_920 : i32 to index
        %parallel_loop3A_922 = arith.index_cast %parallel_loop3A_919 : i32 to index
        %parallel_loop3A_923 = tpu.vector_load %arg10[%parallel_loop3A_921, %parallel_loop3A_922] {strides = array<i32>} : memref<16x2048xf32, #tpu.memory_space<vmem>>, vector<16xf32>,
        %parallel_loop3A_924 = arith.mulf %parallel_loop3A_923, %gather3A_878 : vector<16xf32>
        %parallel_loop3A_925 = arith.constant 16 : i32
        %parallel_loop3A_926 = arith.muli %parallel_loop3A_917, %parallel_loop3A_925 : i32
        %parallel_loop3A_927 = arith.constant 11 : i32
        %parallel_loop3A_928 = arith.index_cast %parallel_loop3A_927 : i32 to index
        %parallel_loop3A_929 = arith.index_cast %parallel_loop3A_926 : i32 to index
        %parallel_loop3A_930 = tpu.vector_load %arg10[%parallel_loop3A_928, %parallel_loop3A_929] {strides = array<i32>} : memref<16x2048xf32, #tpu.memory_space<vmem>>, vector<16xf32>,
        tpu.vector_store %arg10[%parallel_loop3A_928, %parallel_loop3A_929], %parallel_loop3A_924 {strides = array<i32>} : memref<16x2048xf32, #tpu.memory_space<vmem>>, vector<16xf32>,
      } {sc.loop_unroll_factor = 8 : i64, sc.parallel_access}
      %broadcast_in_dim3A_882 = arith.constant 12 : i32
      %broadcast_in_dim3A_883 = vector.broadcast %broadcast_in_dim3A_882 : i32 to vector<16xi32>
      %gather3A_884 = tpu.vector_load_idx %arg9[%broadcast_in_dim3A_883] : memref<16xi32, #tpu.memory_space<vmem>>[vector<16xi32>], vector<16xi32>,
      %gather3A_885 = tpu.vector_load_idx %arg6[%gather3A_884] : memref<512xf32, #tpu.memory_space<vmem>>[vector<16xi32>], vector<16xf32>,
      %parallel_loop3A_886 = arith.constant 0 : i32
      %parallel_loop3A_887 = arith.constant 128 : i32
      %parallel_loop3A_888 = arith.constant 1 : i32
      scf.for %parallel_loop3A_917 = %parallel_loop3A_886 to %parallel_loop3A_887 step %parallel_loop3A_888  : i32 {
        %parallel_loop3A_918 = arith.constant 16 : i32
        %parallel_loop3A_919 = arith.muli %parallel_loop3A_917, %parallel_loop3A_918 : i32
        %parallel_loop3A_920 = arith.constant 12 : i32
        %parallel_loop3A_921 = arith.index_cast %parallel_loop3A_920 : i32 to index
        %parallel_loop3A_922 = arith.index_cast %parallel_loop3A_919 : i32 to index
        %parallel_loop3A_923 = tpu.vector_load %arg10[%parallel_loop3A_921, %parallel_loop3A_922] {strides = array<i32>} : memref<16x2048xf32, #tpu.memory_space<vmem>>, vector<16xf32>,
        %parallel_loop3A_924 = arith.mulf %parallel_loop3A_923, %gather3A_885 : vector<16xf32>
        %parallel_loop3A_925 = arith.constant 16 : i32
        %parallel_loop3A_926 = arith.muli %parallel_loop3A_917, %parallel_loop3A_925 : i32
        %parallel_loop3A_927 = arith.constant 12 : i32
        %parallel_loop3A_928 = arith.index_cast %parallel_loop3A_927 : i32 to index
        %parallel_loop3A_929 = arith.index_cast %parallel_loop3A_926 : i32 to index
        %parallel_loop3A_930 = tpu.vector_load %arg10[%parallel_loop3A_928, %parallel_loop3A_929] {strides = array<i32>} : memref<16x2048xf32, #tpu.memory_space<vmem>>, vector<16xf32>,
        tpu.vector_store %arg10[%parallel_loop3A_928, %parallel_loop3A_929], %parallel_loop3A_924 {strides = array<i32>} : memref<16x2048xf32, #tpu.memory_space<vmem>>, vector<16xf32>,
      } {sc.loop_unroll_factor = 8 : i64, sc.parallel_access}
      %broadcast_in_dim3A_889 = arith.constant 13 : i32
      %broadcast_in_dim3A_890 = vector.broadcast %broadcast_in_dim3A_889 : i32 to vector<16xi32>
      %gather3A_891 = tpu.vector_load_idx %arg9[%broadcast_in_dim3A_890] : memref<16xi32, #tpu.memory_space<vmem>>[vector<16xi32>], vector<16xi32>,
      %gather3A_892 = tpu.vector_load_idx %arg6[%gather3A_891] : memref<512xf32, #tpu.memory_space<vmem>>[vector<16xi32>], vector<16xf32>,
      %parallel_loop3A_893 = arith.constant 0 : i32
      %parallel_loop3A_894 = arith.constant 128 : i32
      %parallel_loop3A_895 = arith.constant 1 : i32
      scf.for %parallel_loop3A_917 = %parallel_loop3A_893 to %parallel_loop3A_894 step %parallel_loop3A_895  : i32 {
        %parallel_loop3A_918 = arith.constant 16 : i32
        %parallel_loop3A_919 = arith.muli %parallel_loop3A_917, %parallel_loop3A_918 : i32
        %parallel_loop3A_920 = arith.constant 13 : i32
        %parallel_loop3A_921 = arith.index_cast %parallel_loop3A_920 : i32 to index
        %parallel_loop3A_922 = arith.index_cast %parallel_loop3A_919 : i32 to index
        %parallel_loop3A_923 = tpu.vector_load %arg10[%parallel_loop3A_921, %parallel_loop3A_922] {strides = array<i32>} : memref<16x2048xf32, #tpu.memory_space<vmem>>, vector<16xf32>,
        %parallel_loop3A_924 = arith.mulf %parallel_loop3A_923, %gather3A_892 : vector<16xf32>
        %parallel_loop3A_925 = arith.constant 16 : i32
        %parallel_loop3A_926 = arith.muli %parallel_loop3A_917, %parallel_loop3A_925 : i32
        %parallel_loop3A_927 = arith.constant 13 : i32
        %parallel_loop3A_928 = arith.index_cast %parallel_loop3A_927 : i32 to index
        %parallel_loop3A_929 = arith.index_cast %parallel_loop3A_926 : i32 to index
        %parallel_loop3A_930 = tpu.vector_load %arg10[%parallel_loop3A_928, %parallel_loop3A_929] {strides = array<i32>} : memref<16x2048xf32, #tpu.memory_space<vmem>>, vector<16xf32>,
        tpu.vector_store %arg10[%parallel_loop3A_928, %parallel_loop3A_929], %parallel_loop3A_924 {strides = array<i32>} : memref<16x2048xf32, #tpu.memory_space<vmem>>, vector<16xf32>,
      } {sc.loop_unroll_factor = 8 : i64, sc.parallel_access}
      %broadcast_in_dim3A_896 = arith.constant 14 : i32
      %broadcast_in_dim3A_897 = vector.broadcast %broadcast_in_dim3A_896 : i32 to vector<16xi32>
      %gather3A_898 = tpu.vector_load_idx %arg9[%broadcast_in_dim3A_897] : memref<16xi32, #tpu.memory_space<vmem>>[vector<16xi32>], vector<16xi32>,
      %gather3A_899 = tpu.vector_load_idx %arg6[%gather3A_898] : memref<512xf32, #tpu.memory_space<vmem>>[vector<16xi32>], vector<16xf32>,
      %parallel_loop3A_900 = arith.constant 0 : i32
      %parallel_loop3A_901 = arith.constant 128 : i32
      %parallel_loop3A_902 = arith.constant 1 : i32
      scf.for %parallel_loop3A_917 = %parallel_loop3A_900 to %parallel_loop3A_901 step %parallel_loop3A_902  : i32 {
        %parallel_loop3A_918 = arith.constant 16 : i32
        %parallel_loop3A_919 = arith.muli %parallel_loop3A_917, %parallel_loop3A_918 : i32
        %parallel_loop3A_920 = arith.constant 14 : i32
        %parallel_loop3A_921 = arith.index_cast %parallel_loop3A_920 : i32 to index
        %parallel_loop3A_922 = arith.index_cast %parallel_loop3A_919 : i32 to index
        %parallel_loop3A_923 = tpu.vector_load %arg10[%parallel_loop3A_921, %parallel_loop3A_922] {strides = array<i32>} : memref<16x2048xf32, #tpu.memory_space<vmem>>, vector<16xf32>,
        %parallel_loop3A_924 = arith.mulf %parallel_loop3A_923, %gather3A_899 : vector<16xf32>
        %parallel_loop3A_925 = arith.constant 16 : i32
        %parallel_loop3A_926 = arith.muli %parallel_loop3A_917, %parallel_loop3A_925 : i32
        %parallel_loop3A_927 = arith.constant 14 : i32
        %parallel_loop3A_928 = arith.index_cast %parallel_loop3A_927 : i32 to index
        %parallel_loop3A_929 = arith.index_cast %parallel_loop3A_926 : i32 to index
        %parallel_loop3A_930 = tpu.vector_load %arg10[%parallel_loop3A_928, %parallel_loop3A_929] {strides = array<i32>} : memref<16x2048xf32, #tpu.memory_space<vmem>>, vector<16xf32>,
        tpu.vector_store %arg10[%parallel_loop3A_928, %parallel_loop3A_929], %parallel_loop3A_924 {strides = array<i32>} : memref<16x2048xf32, #tpu.memory_space<vmem>>, vector<16xf32>,
      } {sc.loop_unroll_factor = 8 : i64, sc.parallel_access}
      %broadcast_in_dim3A_903 = arith.constant 15 : i32
      %broadcast_in_dim3A_904 = vector.broadcast %broadcast_in_dim3A_903 : i32 to vector<16xi32>
      %gather3A_905 = tpu.vector_load_idx %arg9[%broadcast_in_dim3A_904] : memref<16xi32, #tpu.memory_space<vmem>>[vector<16xi32>], vector<16xi32>,
      %gather3A_906 = tpu.vector_load_idx %arg6[%gather3A_905] : memref<512xf32, #tpu.memory_space<vmem>>[vector<16xi32>], vector<16xf32>,
      %parallel_loop3A_907 = arith.constant 0 : i32
      %parallel_loop3A_908 = arith.constant 128 : i32
      %parallel_loop3A_909 = arith.constant 1 : i32
      scf.for %parallel_loop3A_917 = %parallel_loop3A_907 to %parallel_loop3A_908 step %parallel_loop3A_909  : i32 {
        %parallel_loop3A_918 = arith.constant 16 : i32
        %parallel_loop3A_919 = arith.muli %parallel_loop3A_917, %parallel_loop3A_918 : i32
        %parallel_loop3A_920 = arith.constant 15 : i32
        %parallel_loop3A_921 = arith.index_cast %parallel_loop3A_920 : i32 to index
        %parallel_loop3A_922 = arith.index_cast %parallel_loop3A_919 : i32 to index
        %parallel_loop3A_923 = tpu.vector_load %arg10[%parallel_loop3A_921, %parallel_loop3A_922] {strides = array<i32>} : memref<16x2048xf32, #tpu.memory_space<vmem>>, vector<16xf32>,
        %parallel_loop3A_924 = arith.mulf %parallel_loop3A_923, %gather3A_906 : vector<16xf32>
        %parallel_loop3A_925 = arith.constant 16 : i32
        %parallel_loop3A_926 = arith.muli %parallel_loop3A_917, %parallel_loop3A_925 : i32
        %parallel_loop3A_927 = arith.constant 15 : i32
        %parallel_loop3A_928 = arith.index_cast %parallel_loop3A_927 : i32 to index
        %parallel_loop3A_929 = arith.index_cast %parallel_loop3A_926 : i32 to index
        %parallel_loop3A_930 = tpu.vector_load %arg10[%parallel_loop3A_928, %parallel_loop3A_929] {strides = array<i32>} : memref<16x2048xf32, #tpu.memory_space<vmem>>, vector<16xf32>,
        tpu.vector_store %arg10[%parallel_loop3A_928, %parallel_loop3A_929], %parallel_loop3A_924 {strides = array<i32>} : memref<16x2048xf32, #tpu.memory_space<vmem>>, vector<16xf32>,
      } {sc.loop_unroll_factor = 8 : i64, sc.parallel_access}
      %dma_start3A_910 = arith.constant 0 : i32
      %dma_start3A_911 = arith.constant 0 : i32
      %dma_start3A_912 = tpu.memref_slice %arg4[%dma_start3A_910, %dma_start3A_911] : memref<16384x2048xf32, #tpu.memory_space<hbm>> -> memref<16384x2048xf32, #tpu.memory_space<hbm>>
      tpu.enqueue_indirect_dma source(%arg10 : memref<16x2048xf32, #tpu.memory_space<vmem>>) target(%dma_start3A_912 : memref<16384x2048xf32, #tpu.memory_space<hbm>>) offsets(%arg8 : memref<16xi32, #tpu.memory_space<vmem>>) semaphore(%arg11 : memref<!tpu.dma_semaphore, #tpu.memory_space<semaphore_mem>>)
      %dma_wait3A_913 = arith.constant 0 : i32
      %dma_wait3A_914 = arith.constant 0 : i32
      %dma_wait3A_915 = tpu.memref_slice %arg4[%dma_wait3A_913, %dma_wait3A_914] : memref<16384x2048xf32, #tpu.memory_space<hbm>> -> memref<16384x2048xf32, #tpu.memory_space<hbm>>
      tpu.wait_indirect_dma semaphore(%arg11 : memref<!tpu.dma_semaphore, #tpu.memory_space<semaphore_mem>>) src(%arg10 : memref<16x2048xf32, #tpu.memory_space<vmem>>) dst(%dma_wait3A_915 : memref<16384x2048xf32, #tpu.memory_space<hbm>>)
      %while3A_916 = arith.constant 0 : i32
      scf.yield %while3A_916 : i32
    }
    return
  }
}

module attributes {stable_mosaic.version = 14 : i64} {
  func.func @_pass1_body(%arg0: i32, %arg1: memref<1024x2048xf32, #tpu.memory_space<vmem>>, %arg2: memref<16x1x1024xi32, #tpu.memory_space<vmem>>, %arg3: memref<1024x2048xf32, #tpu.memory_space<vmem>>, %arg4: memref<16x1x1024xf32, #tpu.memory_space<vmem>>) attributes {dimension_semantics = [#tpu.dimension_semantics<arbitrary>], iteration_bounds = array<i64: 16>, scalar_prefetch = 0 : i64, scratch_operands = 0 : i64, tpu.core_type = #tpu.core_type<tc>, window_params = [{transform_indices = @transform_0, window_bounds = array<i64: 1024, 2048>}, {pipeline_mode = #tpu.pipeline_mode<synchronous>, transform_indices = @transform_1, window_bounds = array<i64: 16, 1, 1024>}, {transform_indices = @transform_2, window_bounds = array<i64: 1024, 2048>}, {pipeline_mode = #tpu.pipeline_mode<synchronous>, transform_indices = @transform_3, window_bounds = array<i64: 16, 1, 1024>}]} {
    %get3A = arith.constant 0 : index
    %get3A_0 = arith.constant 0 : index
    %get3A_1 = vector.load %arg1[%get3A, %get3A_0] : memref<1024x2048xf32, #tpu.memory_space<vmem>>, vector<1024x2048xf32>
    %swap3A = arith.constant 0 : index
    %swap3A_2 = arith.constant 0 : index
    %swap3A_3 = vector.load %arg3[%swap3A, %swap3A_2] : memref<1024x2048xf32, #tpu.memory_space<vmem>>, vector<1024x2048xf32>
    tpu.vector_store %arg3[%swap3A, %swap3A_2], %get3A_1 {strides = array<i32>} : memref<1024x2048xf32, #tpu.memory_space<vmem>>, vector<1024x2048xf32>,
    %mul3A = arith.mulf %get3A_1, %get3A_1 : vector<1024x2048xf32>
    %reduce_sum3A = arith.constant dense<0.000000e+00> : vector<1024xf32>
    %reduce_sum3A_4 = vector.multi_reduction <add>, %mul3A, %reduce_sum3A [1] : vector<1024x2048xf32> to vector<1024xf32>
    %swap3A_5 = arith.index_cast %arg0 : i32 to index
    %swap3A_6 = arith.constant 0 : index
    %swap3A_7 = arith.constant 0 : index
    %swap3A_8 = vector.load %arg4[%swap3A_5, %swap3A_6, %swap3A_7] : memref<16x1x1024xf32, #tpu.memory_space<vmem>>, vector<1x1x1024xf32>
    %swap3A_9 = vector.shape_cast %swap3A_8 : vector<1x1x1024xf32> to vector<1024xf32>
    %swap3A_10 = vector.shape_cast %reduce_sum3A_4 : vector<1024xf32> to vector<1x1x1024xf32>
    tpu.vector_store %arg4[%swap3A_5, %swap3A_6, %swap3A_7], %swap3A_10 {strides = array<i32>} : memref<16x1x1024xf32, #tpu.memory_space<vmem>>, vector<1x1x1024xf32>,
    %eq3A = arith.constant 15 : i32
    %eq3A_11 = arith.cmpi eq, %arg0, %eq3A : i32
    %convert_element_type3A = arith.extui %eq3A_11 : i1 to i32
    %cond3A = arith.constant 0 : i32
    %cond3A_12 = arith.cmpi ne, %convert_element_type3A, %cond3A : i32
    scf.if %cond3A_12 {
      %get3A_13 = arith.constant 0 : index
      %get3A_14 = arith.constant 0 : index
      %get3A_15 = arith.constant 0 : index
      %get3A_16 = vector.load %arg4[%get3A_13, %get3A_14, %get3A_15] : memref<16x1x1024xf32, #tpu.memory_space<vmem>>, vector<16x1x1024xf32>
      %sqrt3A = math.sqrt %get3A_16 : vector<16x1x1024xf32>
      %reduce_sum3A_17 = vector.shape_cast %sqrt3A : vector<16x1x1024xf32> to vector<1x16x1x1024xf32>
      %reduce_sum3A_18 = arith.constant dense<0.000000e+00> : vector<1xf32>
      %reduce_sum3A_19 = vector.multi_reduction <add>, %reduce_sum3A_17, %reduce_sum3A_18 [1, 2, 3] : vector<1x16x1x1024xf32> to vector<1xf32>
      %reduce_sum3A_20 = vector.shape_cast %reduce_sum3A_19 : vector<1xf32> to vector<1x1x1x1xf32>
      %reduce_sum3A_21 = vector.extract %reduce_sum3A_20[0, 0, 0, 0] : f32 from vector<1x1x1x1xf32>
      %div3A = arith.constant 1.638400e+04 : f32
      %div3A_22 = arith.divf %reduce_sum3A_21, %div3A : f32
      %sub3A = vector.broadcast %div3A_22 : f32 to vector<16x1x1024xf32>
      %sub3A_23 = arith.subf %sqrt3A, %sub3A : vector<16x1x1024xf32>
      %mul3A_24 = arith.mulf %sub3A_23, %sub3A_23 : vector<16x1x1024xf32>
      %reduce_sum3A_25 = vector.shape_cast %mul3A_24 : vector<16x1x1024xf32> to vector<1x16x1x1024xf32>
      %reduce_sum3A_26 = arith.constant dense<0.000000e+00> : vector<1xf32>
      %reduce_sum3A_27 = vector.multi_reduction <add>, %reduce_sum3A_25, %reduce_sum3A_26 [1, 2, 3] : vector<1x16x1x1024xf32> to vector<1xf32>
      %reduce_sum3A_28 = vector.shape_cast %reduce_sum3A_27 : vector<1xf32> to vector<1x1x1x1xf32>
      %reduce_sum3A_29 = vector.extract %reduce_sum3A_28[0, 0, 0, 0] : f32 from vector<1x1x1x1xf32>
      %div3A_30 = arith.constant 1.638300e+04 : f32
      %div3A_31 = arith.divf %reduce_sum3A_29, %div3A_30 : f32
      %sqrt3A_32 = math.sqrt %div3A_31 : f32
      %mul3A_33 = arith.constant 2.000000e+00 : f32
      %mul3A_34 = arith.mulf %mul3A_33, %sqrt3A_32 : f32
      %add3A = arith.addf %div3A_22, %mul3A_34 : f32
      %get3A_35 = arith.constant 0 : index
      %get3A_36 = arith.constant 0 : index
      %get3A_37 = arith.constant 0 : index
      %get3A_38 = vector.load %arg2[%get3A_35, %get3A_36, %get3A_37] : memref<16x1x1024xi32, #tpu.memory_space<vmem>>, vector<16x1x1024xi32>
      %le3A = arith.constant 60 : i32
      %le3A_39 = vector.broadcast %le3A : i32 to vector<16x1x1024xi32>
      %le3A_40 = arith.cmpi sle, %get3A_38, %le3A_39 : vector<16x1x1024xi32>
      %gt3A = vector.broadcast %add3A : f32 to vector<16x1x1024xf32>
      %gt3A_41 = arith.cmpf ogt, %sqrt3A, %gt3A : vector<16x1x1024xf32>
      %and3A = arith.andi %le3A_40, %gt3A_41 : vector<16x1x1024xi1>
      %le3A_42 = arith.constant 40 : i32
      %le3A_43 = vector.broadcast %le3A_42 : i32 to vector<16x1x1024xi32>
      %le3A_44 = arith.cmpi sle, %get3A_38, %le3A_43 : vector<16x1x1024xi32>
      %and3A_45 = arith.andi %and3A, %le3A_44 : vector<16x1x1024xi1>
      %jit3A = arith.constant 5.000000e-01 : f32
      %jit3A_46 = arith.constant 1.000000e+00 : f32
      %broadcast_in_dim3A = vector.broadcast %jit3A : f32 to vector<16x1x1024xf32>
      %broadcast_in_dim3A_47 = vector.broadcast %jit3A_46 : f32 to vector<16x1x1024xf32>
      %select_n3A = arith.select %and3A, %broadcast_in_dim3A, %broadcast_in_dim3A_47 : vector<16x1x1024xi1>, vector<16x1x1024xf32>
      %jit3A_48 = arith.constant 1.000000e-01 : f32
      %broadcast_in_dim3A_49 = vector.broadcast %jit3A_48 : f32 to vector<16x1x1024xf32>
      %select_n3A_50 = arith.select %and3A_45, %broadcast_in_dim3A_49, %select_n3A : vector<16x1x1024xi1>, vector<16x1x1024xf32>
      %swap3A_51 = arith.constant 0 : index
      %swap3A_52 = arith.constant 0 : index
      %swap3A_53 = arith.constant 0 : index
      %swap3A_54 = vector.load %arg4[%swap3A_51, %swap3A_52, %swap3A_53] : memref<16x1x1024xf32, #tpu.memory_space<vmem>>, vector<16x1x1024xf32>
      tpu.vector_store %arg4[%swap3A_51, %swap3A_52, %swap3A_53], %select_n3A_50 {strides = array<i32>} : memref<16x1x1024xf32, #tpu.memory_space<vmem>>, vector<16x1x1024xf32>,
    } else {
    }
    return
  }
  func.func @transform_0(%arg0: i32) -> (i32, i32) {
    %c0_i32 = arith.constant 0 : i32
    %c0_i32_0 = arith.constant 0 : i32
    return %arg0, %c0_i32 : i32, i32
  }
  func.func @transform_1(%arg0: i32) -> (i32, i32, i32) {
    %c0_i32 = arith.constant 0 : i32
    %c0_i32_0 = arith.constant 0 : i32
    %c0_i32_1 = arith.constant 0 : i32
    %c0_i32_2 = arith.constant 0 : i32
    return %c0_i32, %c0_i32_0, %c0_i32_1 : i32, i32, i32
  }
  func.func @transform_2(%arg0: i32) -> (i32, i32) {
    %c0_i32 = arith.constant 0 : i32
    %c0_i32_0 = arith.constant 0 : i32
    return %arg0, %c0_i32 : i32, i32
  }
  func.func @transform_3(%arg0: i32) -> (i32, i32, i32) {
    %c0_i32 = arith.constant 0 : i32
    %c0_i32_0 = arith.constant 0 : i32
    %c0_i32_1 = arith.constant 0 : i32
    %c0_i32_2 = arith.constant 0 : i32
    return %c0_i32, %c0_i32_0, %c0_i32_1 : i32, i32, i32
  }
}

</mosaic_0001>

<sc_bundles>
// kernel: kernel.4.cloned.1.call-start
scs
__scs_entry_jumppad:
0x0: {  	(pc) =	sbr.rel $0x88, $3  }
0x1: {  	(tag) =	ssettag $0x0;
	lr =	simm.s32 $0x1  }
0x2: {  	[smem:$0x3F9F] =	sst lr;
	_ =	strace $0xD0000000  }
0x3: {  	_ = 	snop  }
0x4: {  	_ = 	snop  }
0x5: {  	_ = 	snop  }
0x6: {  	_ = 	snop  }
0x7: {  	_ = 	snop  }
__scs_overlays_trampoline_lowered:
0x8: {  	[smem:$0x3FAE] =	sst s0  }
0x9: {  	[smem:$0x3FAF] =	sst s1  }
0xa: {  	[smem:$0x3FB0] =	sst s2  }
0xb: {  	[smem:$0x3FB1] =	sst s3  }
0xc: {  	[smem:$0x3FB2] =	sst s4  }
0xd: {  	[smem:$0x3FB3] =	sst s5  }
0xe: {  	[smem:$0x3FB4] =	sst s6  }
0xf: {  	[smem:$0x3FB5] =	sst s7  }
0x10: {  	[smem:$0x3FB6] =	sst s8  }
0x11: {  	[smem:$0x3FB7] =	sst s9;
	s0 =	simm.s32 @!p0 $0x0  }
0x12: {  	s1 =	sld [smem:$0x3F9D];
	s0 =	simm.s32 @p0 $0x1  }
0x13: {  	[smem:$0x3FB8] =	sst s0;
	s0 =	simm.s32 @!p1 $0x0  }
0x14: {  	s2 =	sld [smem:$0x3F9C];
	s0 =	simm.s32 @p1 $0x1  }
0x15: {  	[smem:$0x3FB9] =	sst s0;
	s0 =	simm.s32 @!p2 $0x0  }
0x16: {  	s3 =	sld [smem:$0x3FDB];
	s0 =	simm.s32 @p2 $0x1  }
0x17: {  	s4 =	simm.s32 $0x1BF5;
	[smem:$0x3FBB] =	sst s0  }
0x18: {  	s0 =	sld [smem:$0x3F9E];
	_ =	swait.ge [sflag:s4], $0x0  }
0x19: {  	s7 =	sld [smem:$0x3F9F]  }
0x1a: {  	s8 =	sadd.s32 $0xFFFFE003, lr  }
0x1b: {  	s9 =	sadd.s32 $0xFFFFFEF7, lr;
	s5 =	simm.s32 $0xFFFFFFFF;
	p2 =	slt.u32 s8, $0xFFFFF086  }
0x1c: {  	p1 =	slt.u32 s9, $0xF7A;
	s5 =	simm.s32 @!p2 $0x0  }
0x1d: {  	s5 =	simm.s32 @p1 $0x1;
	p0 =	seq.s32 s7, s2  }
0x1e: {  	s7 =	smul.u32 @!p0 $0xF7A, s2;
	p2 =	seq.s32 @!p0 s5, $0x0  }
0x1f: {  	s9 =	smul.u32 $0xF7A, s1;
	s8 =	simm.s32 @!p0 $0x1BF5;
	p2 =	por !p2, p0  }
0x20: {  	[sflag:s8] =	ssyncset.s32 @!p0 $0xFFFFF086;
	s6 =	sadd.s32 @!p0 s3, s7;
	s7 =	simm.s32 @!p0 $0x108  }
0x21: {  	s3 =	sadd.s32 s3, s9;
	s6 =	sadd.s32 @!p0 $0x88, s6;
	s7 =	simm.s32 @p2 $0x1082  }
0x22: {  	[simem:s7], [sflag:s8] =	dma.local @!p0 [hbm:s6], $0xF7A  }
0x23: {  	s9 =	sor.u32 $0xD0000000, s2;
	s6 =	simm.s32 $0x108;
	_ =	swait.ge @!p0 [sflag:s8], $0x0  }
0x24: {  	s3 =	sadd.s32 $0x88, s3;
	s6 =	simm.s32 @!p1 $0x1082;
	[sflag:s4] =	ssyncset.s32 $0xFFFFF086  }
0x25: {  	[simem:s6], [sflag:s4] =	dma.local [hbm:s3], $0xF7A  }
0x26: {  	[smem:$0x3F9F] =	sst s1;
	(tag) =	ssettag s2;
	_ =	strace s9  }
0x27: {  	s1 =	sld [smem:$0x3FAF]  }
0x28: {  	s2 =	sld [smem:$0x3FB0]  }
0x29: {  	s4 =	sld [smem:$0x3FB2]  }
0x2a: {  	p0 =	seq.s32 s5, $0x0;
	s5 =	sld [smem:$0x3FB3]  }
0x2b: {  	s6 =	sld [smem:$0x3FB4]  }
0x2c: {  	s7 =	sld [smem:$0x3FB5]  }
0x2d: {  	s3 =	simm.s32 $0x108;
	s8 =	sld [smem:$0x3FB6]  }
0x2e: {  	s3 =	simm.s32 @!p0 $0x1082;
	s9 =	sld [smem:$0x3FB7]  }
0x2f: {  	lr =	sadd.s32 s0, s3;
	s0 =	sld [smem:$0x3FAE]  }
0x30: {  	s3 =	sld [smem:$0x3FB1]  }
0x31: {  	[smem:$0x3FBA] =	sst s10  }
0x32: {  	s10 =	sld [smem:$0x3FB8];
	_ =	sdelay $0x3  }
0x33: {  	p0 =	seq.s32 s10, $0x1;
	s10 =	sld [smem:$0x3FBA];
	_ =	sdelay $0x3  }
0x34: {  	[smem:$0x3FBA] =	sst s10  }
0x35: {  	s10 =	sld [smem:$0x3FB9];
	_ =	sdelay $0x3  }
0x36: {  	p1 =	seq.s32 s10, $0x1;
	s10 =	sld [smem:$0x3FBA];
	_ =	sdelay $0x3  }
0x37: {  	[smem:$0x3FBA] =	sst s10  }
0x38: {  	s10 =	sld [smem:$0x3FBB]  }
0x39: {  	_ = 	snop;
	(pc) =	sbr.ind lr, $3  }
0x3a: {  	_ = 	snop  }
0x3b: {  	_ = 	snop  }
0x3c: {  	p2 =	seq.s32 s10, $0x1;
	s10 =	sld [smem:$0x3FBA]  }
0x3d: {  	_ =	shalt  }
0x3e: {  	_ =	shalt  }
0x3f: {  	_ =	shalt  }
0x40: {  	_ =	shalt  }
0x41: {  	_ =	shalt  }
0x42: {  	_ =	shalt  }
0x43: {  	_ =	shalt  }
0x44: {  	_ =	shalt  }
0x45: {  	_ =	shalt  }
0x46: {  	_ =	shalt  }
0x47: {  	_ =	shalt  }
0x48: {  	_ =	shalt  }
0x49: {  	_ =	shalt  }
0x4a: {  	_ =	shalt  }
0x4b: {  	_ =	shalt  }
0x4c: {  	_ =	shalt  }
0x4d: {  	_ =	shalt  }
0x4e: {  	_ =	shalt  }
0x4f: {  	_ =	shalt  }
0x50: {  	_ =	shalt  }
0x51: {  	_ =	shalt  }
0x52: {  	_ =	shalt  }
0x53: {  	_ =	shalt  }
0x54: {  	_ =	shalt  }
0x55: {  	_ =	shalt  }
0x56: {  	_ =	shalt  }
0x57: {  	_ =	shalt  }
0x58: {  	_ =	shalt  }
0x59: {  	_ =	shalt  }
0x5a: {  	_ =	shalt  }
0x5b: {  	_ =	shalt  }
0x5c: {  	_ =	shalt  }
0x5d: {  	_ =	shalt  }
0x5e: {  	_ =	shalt  }
0x5f: {  	_ =	shalt  }
0x60: {  	_ =	shalt  }
0x61: {  	_ =	shalt  }
0x62: {  	_ =	shalt  }
0x63: {  	_ =	shalt  }
0x64: {  	_ =	shalt  }
0x65: {  	_ =	shalt  }
0x66: {  	_ =	shalt  }
0x67: {  	_ =	shalt  }
0x68: {  	_ =	shalt  }
0x69: {  	_ =	shalt  }
0x6a: {  	_ =	shalt  }
0x6b: {  	_ =	shalt  }
0x6c: {  	_ =	shalt  }
0x6d: {  	_ =	shalt  }
0x6e: {  	_ =	shalt  }
0x6f: {  	_ =	shalt  }
0x70: {  	_ =	shalt  }
0x71: {  	_ =	shalt  }
0x72: {  	_ =	shalt  }
0x73: {  	_ =	shalt  }
0x74: {  	_ =	shalt  }
0x75: {  	_ =	shalt  }
0x76: {  	_ =	shalt  }
0x77: {  	_ =	shalt  }
0x78: {  	_ =	shalt  }
0x79: {  	_ =	shalt  }
0x7a: {  	_ =	shalt  }
0x7b: {  	_ =	shalt  }
0x7c: {  	_ =	shalt  }
0x7d: {  	_ =	shalt  }
0x7e: {  	_ =	shalt  }
0x7f: {  	_ =	shalt  }
0x80: {  	_ =	shalt  }
0x81: {  	_ =	shalt  }
0x82: {  	_ =	shalt  }
0x83: {  	_ =	shalt  }
0x84: {  	_ =	shalt  }
0x85: {  	_ =	shalt  }
0x86: {  	_ =	shalt  }
0x87: {  	_ =	shalt  }
.Lfunc_end0:
.L_simem_size_0:
called_computation_lowered:
.L_overlay_start_0:
0x88: {  	s2 =	sld [smem:$0x3FD9]  }
0x89: {  	s3 =	sld [smem:$0x3FFE];
	_ =	sdelay $0x1  }
0x8a: {  	s1 =	srdreg.scid  }
0x8b: {  	s0 =	sand.u32 $0x1, s1  }
0x8c: {  	s17 =	sshll.u32 s0, $0xA;
	s2 =	sadd.s32 s3, s2  }
0x8d: {  	s2 =	sadd.s32 s2, s17  }
0x8e: {  	[smem:$0x3FC6] =	sst s2  }
0x8f: {  	_ = 	snop  }
0x90: {  	s2 =	sld [smem:$0x3FC9]  }
0x91: {  	s18 =	sld [smem:$0x3FD0];
	(tm) =	ssettm $0x1  }
0x92: {  	s4 =	sld [smem:$0x3FFB];
	_ =	sdelay $0x3  }
0x93: {  	_ =	strace s4  }
0x94: {  	s4 =	sld [smem:$0x3FFC];
	_ =	sdelay $0x3  }
0x95: {  	_ =	strace s4  }
0x96: {  	s4 =	sld [smem:$0x3FFD];
	_ =	sdelay $0x3  }
0x97: {  	_ =	strace s4  }
0x98: {  	_ =	strace $0x8FFFFFFF  }
0x99: {  	s19 =	sld [smem:$0x3FDB];
	_ =	sdelay $0x1  }
0x9a: {  	s5 =	simm.s32 $_scs_section_size  }
0x9b: {  	s6 =	simm.s32 $_size__tile_overlayer_lowered;
	s7 =	simm.s32 $_tile_overlayer_lowered  }
0x9c: {  	s22 =	simm.s32 $0x1BFF;
	s21 =	sshll.u32 s7, $0x1;
	s4 =	sadd.s32 s5, s19  }
0x9d: {  	s8 =	simm.s32 $0x0;
	s20 =	sshll.u32 s6, $0x1;
	s6 =	sadd.s32 s21, s4  }
0x9e: {  	[timem:s8], [sflag:s22] =	dma.local [hbm:s6], s20  }
0x9f: {  	_ =	swait.ge [sflag:s22], s20  }
0xa0: {  	s5 =	ssub.s32 $0x0, s20;
	[sflag:s22] =	ssyncset.done $0x0  }
0xa1: {  	[sflag:s22] =	ssyncadd.s32 s5;
	_ =	sdelay $0x1  }
0xa2: {  	s23 =	simm.s32 $0x1B8B  }
0xa3: {  	_ =	swait.ge [sflag:s23], $0x1  }
0xa4: {  	[sflag:s23] =	ssyncset.done $0x0  }
0xa5: {  	s25 =	simm.s32 $0x1B8E;
	s24 =	sld [smem:$0x3FFE];
	[sflag:s23] =	ssyncadd.s32 $0xFFFFFFFF  }
0xa6: {  	s26 =	simm.s32 $execute0_lowered;
	[smem:$0x3FD2] =	sst s25  }
0xa7: {  	s6 =	sshll.u32 s26, $0x1;
	_ =	strace $0x80000046;
	[dreg:$0x1] =	wrdreg $0xFFFFFFFF  }
0xa8: {  	s28 =	simm.s32 $_size_execute0_lowered;
	s4 =	sadd.s32 s4, s6;
	[dreg:$0x0] =	wrdreg $0x0  }
0xa9: {  	s6 =	sshll.u32 s28, $0x1;
	[dreg:$0x2] =	wrdreg s4  }
0xaa: {  	[dreg:$0x3] =	wrdreg s6  }
0xab: {  	[dreg:$0x4] =	wrdreg $0xC0  }
0xac: {  	_ =	task [dreg:s8], $0x5FFFF  }
0xad: {  	[dreg:$0x1] =	wrdreg $0xFFFFFFFF  }
0xae: {  	[dreg:$0x0] =	wrdreg $0x60  }
0xaf: {  	[dreg:$0x2] =	wrdreg s24  }
0xb0: {  	[dreg:$0x3] =	wrdreg s2  }
0xb1: {  	[dreg:$0x4] =	wrdreg s18  }
0xb2: {  	[dreg:$0x5] =	wrdreg $0x9  }
0xb3: {  	_ =	task.clear_ibuf [dreg:s8], $0x6FFFF;
	_ =	strace $0x90000046  }
0xb4: {  	s29 =	simm.s32 $0x9;
	_ =	strace $0x80000048  }
0xb5: {  	_ =	swait.ge [sflag:s29], $0x1  }
0xb6: {  	[sflag:s29] =	ssyncadd.s32 $0xFFFFFFFF  }
0xb7: {  	_ =	strace $0x90000048  }
0xb8: {  	_ =	sfence  }
0xb9: {  	s30 =	sld [smem:$0x0];
	_ =	sdelay $0x2  }
0xba: {  	s31 =	sshll.u32 s1, $0xD;
	s1 =	sshrl.u32 s1, $0x2  }
0xbb: {  	s3 =	sand.u32 $0x4000, s31;
	s1 =	sadd.s32 s1, s30  }
0xbc: {  	s0 =	sor.u32 s3, s0;
	s1 =	sshll.u32 s1, $0x11  }
0xbd: {  	s0 =	sor.u32 s1, s0  }
0xbe: {  	s0 =	sadd.s32 $0x8F2B, s0  }
0xbf: {  	[sflag:s0] =	ssyncadd.remote.s32 $0x1  }
0xc0: {  	_ =	sfence.sel $0xFFFF  }
0xc1: {  	[dreg:$0x0] =	wrdreg $0xFFFFFFFF;
	(pc) =	sbr.abs _section_cstart, $3  }
0xc2: {  	[dreg:$0x1] =	wrdreg $0xFFFFFFFF  }
0xc3: {  	_ =	task.clear_ibuf [dreg:s8], $0x2FFFF;
	_ =	strace $0x9FFFFFFF  }
0xc4: {  	(tm) =	ssettm $0x7FFFFFFF  }
0xc5: {  	_ =	shalt  }
tec
execute0_lowered:
.L_overlay_start_1:
0x0: {  	(tag) =	ssettag $0x1  }
0x1: {  	s0 =	rddreg [dreg:$0x0];
	s1 =	srdreg.scid  }
0x2: {  	s31 =	rddreg [dreg:$0x1];
	s2 =	stileid.u32  }
0x3: {  	s19 =	rddreg [dreg:$0x2];
	s4 =	simm.s32 $0x0;
	s1 =	sand.u32 $0x1, s1  }
0x4: {  	s2 =	sshll.u32 s2, $0xA;
	[smem:$0x7FF] =	sst s4;
	s3 =	sshll.u32 s1, $0x9  }
0x5: {  	s1 =	ssub.s32 $0x2, s1;
	_ =	strace $0x80000047;
	s2 =	sor.u32 s3, s2  }
0x6: {  	s25 =	sshrl.u32 s1, $0x1;
	s3 =	sshrl.u32 s2, $0x3;
	s28 =	sor.u32 $0x10, s2  }
0x7: {  	s29 =	sor.u32 $0x20, s2;
	s5 =	sor.u32 $0x30, s2;
	s6 =	sor.u32 $0x40, s2  }
0x8: {  	s7 =	sor.u32 $0x50, s2;
	s8 =	sor.u32 $0x60, s2;
	s9 =	sor.u32 $0x70, s2  }
0x9: {  	s10 =	sor.u32 $0x80, s2;
	s11 =	sor.u32 $0x90, s2;
	s12 =	sor.u32 $0xA0, s2  }
0xa: {  	s13 =	sor.u32 $0xB0, s2;
	s14 =	sor.u32 $0xC0, s2;
	s15 =	sor.u32 $0xD0, s2  }
0xb: {  	v0 =	vlaneseq.u32;
	v34 =	vimm.s32 $0x0;
	s16 =	sor.u32 $0xE0, s2;
	s17 =	sor.u32 $0xF0, s2;
	s18 =	sor.u32 $0x100, s2  }
0xc: {  	v35 =	vimm.s32 $0x1;
	v36 =	vimm.s32 $0x2;
	v37 =	vimm.s32 $0x3;
	s20 =	sor.u32 $0x130, s2;
	s21 =	sor.u32 $0x160, s2;
	s22 =	sor.u32 $0x170, s2  }
0xd: {  	v38 =	vimm.s32 $0x4;
	v39 =	vimm.s32 $0x5;
	v40 =	vimm.s32 $0x6;
	s23 =	sor.u32 $0x180, s2;
	s24 =	sor.u32 $0x190, s2;
	s30 =	sor.u32 $0x1E0, s2  }
0xe: {  	v41 =	vimm.s32 $0x7;
	v42 =	vimm.s32 $0x8;
	v43 =	vimm.s32 $0x9;
	s3 =	sadd.s32 s3, s0;
	s0 =	ssub.s32 s1, s25;
	s1 =	sor.u32 $0x110, s2  }
0xf: {  	v44 =	vimm.s32 $0xA;
	v1 =	vor.u32 s28, v0;
	v3 =	vor.u32 s5, v0;
	s5 =	sor.u32 $0x150, s2;
	s25 =	sor.u32 $0x1A0, s2;
	s28 =	sor.u32 $0x1C0, s2  }
0x10: {  	v2 =	vor.u32 s29, v0;
	s29 =	sor.u32 $0x1D0, s2;
	v14 =	vor.u32 s14, v0;
	v15 =	vor.u32 s15, v0;
	s14 =	sadd.s32 $0x100, s31;
	s15 =	sadd.s32 $0x200, s31  }
0x11: {  	v45 =	vimm.s32 $0xB;
	v16 =	vor.u32 s16, v0;
	s16 =	sadd.s32 $0x300, s31;
	v17 =	vor.u32 s17, v0;
	s17 =	sadd.s32 $0x400, s31;
	[dreg:$0xe] =	wrdreg s0  }
0x12: {  	v46 =	vimm.s32 $0xC;
	v9 =	vor.u32 s11, v0;
	v18 =	vor.u32 s18, v0;
	s18 =	sadd.s32 $0x500, s31;
	s11 =	sadd.s32 $0x600, s31;
	[dreg:$0x6] =	wrdreg s14  }
0x13: {  	v47 =	vimm.s32 $0xD;
	v10 =	vor.u32 s12, v0;
	v13 =	vor.u32 s13, v0;
	s12 =	sadd.s32 $0x700, s31;
	s13 =	sadd.s32 $0x100, s19;
	[dreg:$0x7] =	wrdreg s15  }
0x14: {  	v48 =	vimm.s32 $0xE;
	v49 =	vimm.s32 $0xF;
	s31 =	simm.s32 $0x580;
	v32 =	vor.u32 s30, v0;
	s30 =	simm.s32 $0xD80;
	[dreg:$0x8] =	wrdreg s16  }
0x15: {  	v11 =	vmov s2;
	v12 =	vor.u32 s2, v0;
	v27 =	vor.u32 s24, v0;
	s24 =	simm.s32 $0x1;
	s26 =	sadd.s32 $0x800, s3;
	[dreg:$0x9] =	wrdreg s17  }
0x16: {  	v4 =	vor.u32 s6, v0;
	v5 =	vor.u32 s7, v0;
	v6 =	vor.u32 s8, v0;
	s0 =	sor.u32 $0x120, s2;
	s3 =	sor.u32 $0x140, s2;
	[dreg:$0xc] =	wrdreg s18  }
.Ltmp0:
0x17: {  	v7 =	vor.u32 s9, v0;
	v8 =	vor.u32 s10, v0;
	v21 =	vor.u32 s20, v0;
	s14 =	sadd.s32 $0x200, s19;
	s15 =	sadd.s32 $0x300, s19;
	(pc) =	sbr.rel .LBB2_1-.Ltmp0, $4  }
0x18: {  	v24 =	vor.u32 s21, v0;
	v25 =	vor.u32 s22, v0;
	v26 =	vor.u32 s23, v0;
	s16 =	sadd.s32 $0x400, s19;
	s17 =	sadd.s32 $0x500, s19;
	[dreg:$0x4] =	wrdreg s26  }
0x19: {  	v19 =	vor.u32 s1, v0;
	v23 =	vor.u32 s5, v0;
	v28 =	vor.u32 s25, v0;
	s18 =	sadd.s32 $0x600, s19;
	s19 =	sadd.s32 $0x700, s19;
	s25 =	rddreg [dreg:$0xe]  }
0x1a: {  	v30 =	vor.u32 s28, v0;
	v31 =	vor.u32 s29, v0;
	s26 =	sor.u32 $0x1B0, s2;
	s2 =	sor.u32 $0x1F0, s2;
	v20 =	vor.u32 s0, v0;
	s0 =	smax.u32 s25, $0x1  }
0x1b: {  	v22 =	vor.u32 s3, v0;
	v29 =	vor.u32 s26, v0;
	v33 =	vor.u32 s2, v0;
	s25 =	simm.s32 $0x500;
	[dreg:$0x5] =	wrdreg s0;
	s0 =	simm.s32 $0x0  }
.LBB2_36:
0x1c: {  	s0 =	rddreg [dreg:$0xa]  }
0x1d: {  	s1 =	rddreg [dreg:$0x5];
	s0 =	sadd.s32 $0x1, s0  }
0x1e: {  	p0 =	sne.s32 s0, s1  }
.Ltmp1:
0x1f: {  	_ = 	snop;
	(pc) =	sbr.rel @!p0 .LBB2_37-.Ltmp1, $1  }
0x20: {  	_ =	sdelay $0x3  }
.LBB2_1:
0x21: {  	[dreg:$0xa] =	wrdreg s0  }
0x22: {  	s1 =	rddreg [dreg:$0x4];
	s22 =	simm.s32 $0x2  }
0x23: {  	[tilespmem:s4], [sflag:$0x2] =	stream.linear.gather [hbm4b:s1+s4], $0x200, $0x38;
	[tilespmem:$0x8580] =	vst v63  }
0x24: {  	_ =	swait.ge [sflag:s22], $0x200  }
0x25: {  	[sflag:s22] =	ssyncset.done $0x0  }
0x26: {  	[sflag:s22] =	ssyncadd.s32 $0xFFFFFE00  }
0x27: {  	v50 =	vld [tilespmem:$0x0];
	_ =	sdelay $0x4  }
0x28: {  	vm0 =	vlt.f32 v50, $1.000000000e+00  }
0x29: {  	v50 =	vsel vm0, $0x1, v34  }
0x2a: {  	(xrf0) =	vadd.scan.msk.s32 $0xffff, v50;
	_ =	sdelay $0x5  }
0x2b: {  	v50, _, _ =	vpop (xrf0)  }
0x2c: {  	v51 =	vadd.s32 $0xFFFFFFFF, v50;
	_ =	sdelay $0x3  }
0x2d: {  	s0 =	simm.s32 $0x200  }
0x2e: {  	[tilespmem:v51+s0+$0x0] =	vst.idx.msk vm0, v12  }
0x2f: {  	v52 =	vld [tilespmem:$0x10];
	_ =	sdelay $0x4  }
0x30: {  	vm9 =	vlt.f32 v52, $1.000000000e+00  }
0x31: {  	v52 =	vsel vm9, $0x1, v34  }
0x32: {  	(xrf0) =	vadd.scan.msk.s32 $0xffff, v52;
	_ =	sdelay $0x5  }
0x33: {  	(v2sf) =	vpush v50, $0xF;
	v51 =	vbroadcast v51, $0xF;
	v55, _, _ =	vpop (xrf0)  }
0x34: {  	(v2sf) =	vpush v55, $0xF  }
0x35: {  	v50 =	vadd.s32 v55, v51;
	_ =	sdelay $0x4  }
0x36: {  	[tilespmem:v50+s0+$0x0] =	vst.idx.msk vm9, v1  }
0x37: {  	v50 =	vld [tilespmem:$0x20];
	_ =	sdelay $0x4  }
0x38: {  	vm10 =	vlt.f32 v50, $1.000000000e+00  }
0x39: {  	v50 =	vsel vm10, $0x1, v34  }
0x3a: {  	s23 =	spop (v2sf);
	(xrf0) =	vadd.scan.msk.s32 $0xffff, v50  }
0x3b: {  	s26 =	spop (v2sf)  }
0x3c: {  	s1 =	sadd.s32 s23, s26  }
0x3d: {  	v56 =	vmov s1  }
0x3e: {  	v50 =	vadd.s32 $0xFFFFFFFF, v56  }
0x3f: {  	v50 =	vbroadcast v50, $0x0  }
0x40: {  	v57, _, _ =	vpop (xrf0)  }
0x41: {  	(v2sf) =	vpush v57, $0xF;
	v50 =	vadd.s32 v57, v50;
	_ =	sdelay $0x4  }
0x42: {  	[tilespmem:v50+s0+$0x0] =	vst.idx.msk vm10, v2  }
0x43: {  	v50 =	vld [tilespmem:$0x30];
	_ =	sdelay $0x4  }
0x44: {  	vm11 =	vlt.f32 v50, $1.000000000e+00  }
0x45: {  	v50 =	vsel vm11, $0x1, v34  }
0x46: {  	(xrf0) =	vadd.scan.msk.s32 $0xffff, v50;
	_ =	sdelay $0x1  }
0x47: {  	s28 =	spop (v2sf)  }
0x48: {  	s1 =	sadd.s32 s1, s28  }
0x49: {  	v58 =	vmov s1  }
0x4a: {  	v50 =	vadd.s32 $0xFFFFFFFF, v58  }
0x4b: {  	v50 =	vbroadcast v50, $0x0;
	v59, _, _ =	vpop (xrf0)  }
0x4c: {  	(v2sf) =	vpush v59, $0xF  }
0x4d: {  	v50 =	vadd.s32 v59, v50;
	_ =	sdelay $0x4  }
0x4e: {  	[tilespmem:v50+s0+$0x0] =	vst.idx.msk vm11, v3  }
0x4f: {  	v50 =	vld [tilespmem:$0x40];
	_ =	sdelay $0x4  }
0x50: {  	vm12 =	vlt.f32 v50, $1.000000000e+00  }
0x51: {  	v50 =	vsel vm12, $0x1, v34  }
0x52: {  	(xrf0) =	vadd.scan.msk.s32 $0xffff, v50  }
0x53: {  	s29 =	spop (v2sf)  }
0x54: {  	s1 =	sadd.s32 s1, s29  }
0x55: {  	v60 =	vmov s1  }
0x56: {  	v50 =	vadd.s32 $0xFFFFFFFF, v60  }
0x57: {  	v50 =	vbroadcast v50, $0x0  }
0x58: {  	v61, _, _ =	vpop (xrf0)  }
0x59: {  	(v2sf) =	vpush v61, $0xF;
	v50 =	vadd.s32 v61, v50;
	_ =	sdelay $0x4  }
0x5a: {  	[tilespmem:v50+s0+$0x0] =	vst.idx.msk vm12, v4  }
0x5b: {  	v50 =	vld [tilespmem:$0x50];
	_ =	sdelay $0x4  }
0x5c: {  	vm13 =	vlt.f32 v50, $1.000000000e+00  }
0x5d: {  	v50 =	vsel vm13, $0x1, v34  }
0x5e: {  	(xrf0) =	vadd.scan.msk.s32 $0xffff, v50;
	_ =	sdelay $0x1  }
0x5f: {  	s2 =	spop (v2sf)  }
0x60: {  	s1 =	sadd.s32 s1, s2  }
0x61: {  	v62 =	vmov s1  }
0x62: {  	v50 =	vadd.s32 $0xFFFFFFFF, v62  }
0x63: {  	v50 =	vbroadcast v50, $0x0;
	v63, _, _ =	vpop (xrf0)  }
0x64: {  	(v2sf) =	vpush v63, $0xF  }
0x65: {  	v50 =	vadd.s32 v63, v50;
	_ =	sdelay $0x4  }
0x66: {  	[tilespmem:v50+s0+$0x0] =	vst.idx.msk vm13, v5  }
0x67: {  	v50 =	vld [tilespmem:$0x60];
	_ =	sdelay $0x4  }
0x68: {  	vm14 =	vlt.f32 v50, $1.000000000e+00  }
0x69: {  	v50 =	vsel vm14, $0x1, v34  }
0x6a: {  	(xrf0) =	vadd.scan.msk.s32 $0xffff, v50  }
0x6b: {  	s3 =	spop (v2sf)  }
0x6c: {  	s1 =	sadd.s32 s1, s3  }
0x6d: {  	v54 =	vmov s1  }
0x6e: {  	v50 =	vadd.s32 $0xFFFFFFFF, v54  }
0x6f: {  	v50 =	vbroadcast v50, $0x0  }
0x70: {  	v55, _, _ =	vpop (xrf0)  }
0x71: {  	(v2sf) =	vpush v55, $0xF;
	v50 =	vadd.s32 v55, v50;
	_ =	sdelay $0x4  }
0x72: {  	[tilespmem:v50+s0+$0x0] =	vst.idx.msk vm14, v6  }
0x73: {  	v50 =	vld [tilespmem:$0x70];
	_ =	sdelay $0x4  }
0x74: {  	vm15 =	vlt.f32 v50, $1.000000000e+00  }
0x75: {  	v50 =	vsel vm15, $0x1, v34  }
0x76: {  	(xrf0) =	vadd.scan.msk.s32 $0xffff, v50;
	_ =	sdelay $0x1  }
0x77: {  	s5 =	spop (v2sf)  }
0x78: {  	s1 =	sadd.s32 s1, s5  }
0x79: {  	v56 =	vmov s1  }
0x7a: {  	v50 =	vadd.s32 $0xFFFFFFFF, v56  }
0x7b: {  	v50 =	vbroadcast v50, $0x0;
	v57, _, _ =	vpop (xrf0)  }
0x7c: {  	(v2sf) =	vpush v57, $0xF  }
0x7d: {  	v50 =	vadd.s32 v57, v50;
	_ =	sdelay $0x4  }
0x7e: {  	[tilespmem:v50+s0+$0x0] =	vst.idx.msk vm15, v7  }
0x7f: {  	v50 =	vld [tilespmem:$0x80];
	_ =	sdelay $0x4  }
0x80: {  	vm4 =	vlt.f32 v50, $1.000000000e+00  }
0x81: {  	v50 =	vsel vm4, $0x1, v34  }
0x82: {  	(xrf0) =	vadd.scan.msk.s32 $0xffff, v50  }
0x83: {  	s6 =	spop (v2sf)  }
0x84: {  	s1 =	sadd.s32 s1, s6  }
0x85: {  	v58 =	vmov s1  }
0x86: {  	v50 =	vadd.s32 $0xFFFFFFFF, v58  }
0x87: {  	v50 =	vbroadcast v50, $0x0  }
0x88: {  	v59, _, _ =	vpop (xrf0)  }
0x89: {  	(v2sf) =	vpush v59, $0xF;
	v50 =	vadd.s32 v59, v50;
	_ =	sdelay $0x4  }
0x8a: {  	[tilespmem:v50+s0+$0x0] =	vst.idx.msk vm4, v8  }
0x8b: {  	v50 =	vld [tilespmem:$0x90];
	_ =	sdelay $0x4  }
0x8c: {  	vm5 =	vlt.f32 v50, $1.000000000e+00  }
0x8d: {  	v50 =	vsel vm5, $0x1, v34  }
0x8e: {  	(xrf0) =	vadd.scan.msk.s32 $0xffff, v50;
	_ =	sdelay $0x1  }
0x8f: {  	s7 =	spop (v2sf)  }
0x90: {  	s1 =	sadd.s32 s1, s7  }
0x91: {  	v60 =	vmov s1  }
0x92: {  	v50 =	vadd.s32 $0xFFFFFFFF, v60  }
0x93: {  	v50 =	vbroadcast v50, $0x0;
	v61, _, _ =	vpop (xrf0)  }
0x94: {  	(v2sf) =	vpush v61, $0xF  }
0x95: {  	v50 =	vadd.s32 v61, v50;
	_ =	sdelay $0x4  }
0x96: {  	[tilespmem:v50+s0+$0x0] =	vst.idx.msk vm5, v9  }
0x97: {  	v50 =	vld [tilespmem:$0xA0];
	_ =	sdelay $0x4  }
0x98: {  	vm6 =	vlt.f32 v50, $1.000000000e+00  }
0x99: {  	v50 =	vsel vm6, $0x1, v34  }
0x9a: {  	(xrf0) =	vadd.scan.msk.s32 $0xffff, v50  }
0x9b: {  	s8 =	spop (v2sf)  }
0x9c: {  	s1 =	sadd.s32 s1, s8  }
0x9d: {  	v62 =	vmov s1  }
0x9e: {  	v50 =	vadd.s32 $0xFFFFFFFF, v62  }
0x9f: {  	v50 =	vbroadcast v50, $0x0  }
0xa0: {  	v63, _, _ =	vpop (xrf0)  }
0xa1: {  	(v2sf) =	vpush v63, $0xF;
	v50 =	vadd.s32 v63, v50;
	_ =	sdelay $0x4  }
0xa2: {  	[tilespmem:v50+s0+$0x0] =	vst.idx.msk vm6, v10  }
0xa3: {  	v50 =	vld [tilespmem:$0xB0];
	_ =	sdelay $0x4  }
0xa4: {  	vm7 =	vlt.f32 v50, $1.000000000e+00  }
0xa5: {  	v50 =	vsel vm7, $0x1, v34  }
0xa6: {  	(xrf0) =	vadd.scan.msk.s32 $0xffff, v50;
	_ =	sdelay $0x1  }
0xa7: {  	s9 =	spop (v2sf)  }
0xa8: {  	s1 =	sadd.s32 s1, s9  }
0xa9: {  	v54 =	vmov s1  }
0xaa: {  	v50 =	vadd.s32 $0xFFFFFFFF, v54  }
0xab: {  	v50 =	vbroadcast v50, $0x0;
	v55, _, _ =	vpop (xrf0)  }
0xac: {  	(v2sf) =	vpush v55, $0xF  }
0xad: {  	v50 =	vadd.s32 v55, v50;
	_ =	sdelay $0x4  }
0xae: {  	[tilespmem:v50+s0+$0x0] =	vst.idx.msk vm7, v13  }
0xaf: {  	v50 =	vld [tilespmem:$0xC0];
	_ =	sdelay $0x4  }
0xb0: {  	vm8 =	vlt.f32 v50, $1.000000000e+00  }
0xb1: {  	v50 =	vsel vm8, $0x1, v34  }
0xb2: {  	(xrf0) =	vadd.scan.msk.s32 $0xffff, v50  }
0xb3: {  	s10 =	spop (v2sf)  }
0xb4: {  	s1 =	sadd.s32 s1, s10  }
0xb5: {  	v56 =	vmov s1  }
0xb6: {  	v50 =	vadd.s32 $0xFFFFFFFF, v56  }
0xb7: {  	v50 =	vbroadcast v50, $0x0  }
0xb8: {  	v57, _, _ =	vpop (xrf0)  }
0xb9: {  	(v2sf) =	vpush v57, $0xF;
	v50 =	vadd.s32 v57, v50;
	_ =	sdelay $0x4  }
0xba: {  	[tilespmem:v50+s0+$0x0] =	vst.idx.msk vm8, v14  }
0xbb: {  	v50 =	vld [tilespmem:$0xD0];
	_ =	sdelay $0x4  }
0xbc: {  	vm9 =	vlt.f32 v50, $1.000000000e+00  }
0xbd: {  	v50 =	vsel vm9, $0x1, v34  }
0xbe: {  	(xrf0) =	vadd.scan.msk.s32 $0xffff, v50;
	_ =	sdelay $0x1  }
0xbf: {  	s20 =	spop (v2sf)  }
0xc0: {  	s1 =	sadd.s32 s1, s20  }
0xc1: {  	v58 =	vmov s1  }
0xc2: {  	v50 =	vadd.s32 $0xFFFFFFFF, v58  }
0xc3: {  	v50 =	vbroadcast v50, $0x0;
	v59, _, _ =	vpop (xrf0)  }
0xc4: {  	(v2sf) =	vpush v59, $0xF  }
0xc5: {  	v50 =	vadd.s32 v59, v50;
	_ =	sdelay $0x4  }
0xc6: {  	[tilespmem:v50+s0+$0x0] =	vst.idx.msk vm9, v15  }
0xc7: {  	v50 =	vld [tilespmem:$0xE0];
	_ =	sdelay $0x4  }
0xc8: {  	vm10 =	vlt.f32 v50, $1.000000000e+00  }
0xc9: {  	v50 =	vsel vm10, $0x1, v34  }
0xca: {  	(xrf0) =	vadd.scan.msk.s32 $0xffff, v50  }
0xcb: {  	s21 =	spop (v2sf)  }
0xcc: {  	s1 =	sadd.s32 s1, s21  }
0xcd: {  	v60 =	vmov s1  }
0xce: {  	v50 =	vadd.s32 $0xFFFFFFFF, v60  }
0xcf: {  	v50 =	vbroadcast v50, $0x0  }
0xd0: {  	v61, _, _ =	vpop (xrf0)  }
0xd1: {  	(v2sf) =	vpush v61, $0xF;
	v50 =	vadd.s32 v61, v50;
	_ =	sdelay $0x4  }
0xd2: {  	[tilespmem:v50+s0+$0x0] =	vst.idx.msk vm10, v16  }
0xd3: {  	v50 =	vld [tilespmem:$0xF0];
	_ =	sdelay $0x4  }
0xd4: {  	vm11 =	vlt.f32 v50, $1.000000000e+00  }
0xd5: {  	v50 =	vsel vm11, $0x1, v34  }
0xd6: {  	(xrf0) =	vadd.scan.msk.s32 $0xffff, v50;
	_ =	sdelay $0x1  }
0xd7: {  	s22 =	spop (v2sf)  }
0xd8: {  	s1 =	sadd.s32 s1, s22  }
0xd9: {  	v62 =	vmov s1  }
0xda: {  	v50 =	vadd.s32 $0xFFFFFFFF, v62  }
0xdb: {  	v50 =	vbroadcast v50, $0x0;
	v63, _, _ =	vpop (xrf0)  }
0xdc: {  	(v2sf) =	vpush v63, $0xF  }
0xdd: {  	v50 =	vadd.s32 v63, v50;
	_ =	sdelay $0x4  }
0xde: {  	[tilespmem:v50+s0+$0x0] =	vst.idx.msk vm11, v17  }
0xdf: {  	v50 =	vld [tilespmem:$0x100];
	_ =	sdelay $0x4  }
0xe0: {  	vm12 =	vlt.f32 v50, $1.000000000e+00  }
0xe1: {  	v50 =	vsel vm12, $0x1, v34  }
0xe2: {  	(xrf0) =	vadd.scan.msk.s32 $0xffff, v50  }
0xe3: {  	s23 =	spop (v2sf)  }
0xe4: {  	s1 =	sadd.s32 s1, s23  }
0xe5: {  	v54 =	vmov s1  }
0xe6: {  	v50 =	vadd.s32 $0xFFFFFFFF, v54  }
0xe7: {  	v50 =	vbroadcast v50, $0x0  }
0xe8: {  	v55, _, _ =	vpop (xrf0)  }
0xe9: {  	(v2sf) =	vpush v55, $0xF;
	v50 =	vadd.s32 v55, v50;
	_ =	sdelay $0x4  }
0xea: {  	[tilespmem:v50+s0+$0x0] =	vst.idx.msk vm12, v18  }
0xeb: {  	v50 =	vld [tilespmem:$0x110];
	_ =	sdelay $0x4  }
0xec: {  	vm13 =	vlt.f32 v50, $1.000000000e+00  }
0xed: {  	v50 =	vsel vm13, $0x1, v34  }
0xee: {  	(xrf0) =	vadd.scan.msk.s32 $0xffff, v50;
	_ =	sdelay $0x1  }
0xef: {  	s28 =	spop (v2sf)  }
0xf0: {  	s1 =	sadd.s32 s1, s28  }
0xf1: {  	v56 =	vmov s1  }
0xf2: {  	v50 =	vadd.s32 $0xFFFFFFFF, v56  }
0xf3: {  	v50 =	vbroadcast v50, $0x0;
	v57, _, _ =	vpop (xrf0)  }
0xf4: {  	(v2sf) =	vpush v57, $0xF  }
0xf5: {  	v50 =	vadd.s32 v57, v50;
	_ =	sdelay $0x4  }
0xf6: {  	[tilespmem:v50+s0+$0x0] =	vst.idx.msk vm13, v19  }
0xf7: {  	v50 =	vld [tilespmem:$0x120];
	_ =	sdelay $0x4  }
0xf8: {  	vm14 =	vlt.f32 v50, $1.000000000e+00  }
0xf9: {  	v50 =	vsel vm14, $0x1, v34  }
0xfa: {  	(xrf0) =	vadd.scan.msk.s32 $0xffff, v50  }
0xfb: {  	s29 =	spop (v2sf)  }
0xfc: {  	s1 =	sadd.s32 s1, s29  }
0xfd: {  	v58 =	vmov s1  }
0xfe: {  	v50 =	vadd.s32 $0xFFFFFFFF, v58  }
0xff: {  	v50 =	vbroadcast v50, $0x0  }
0x100: {  	v59, _, _ =	vpop (xrf0)  }
0x101: {  	(v2sf) =	vpush v59, $0xF;
	v50 =	vadd.s32 v59, v50;
	_ =	sdelay $0x4  }
0x102: {  	[tilespmem:v50+s0+$0x0] =	vst.idx.msk vm14, v20  }
0x103: {  	v50 =	vld [tilespmem:$0x130];
	_ =	sdelay $0x4  }
0x104: {  	vm15 =	vlt.f32 v50, $1.000000000e+00  }
0x105: {  	v50 =	vsel vm15, $0x1, v34  }
0x106: {  	(xrf0) =	vadd.scan.msk.s32 $0xffff, v50;
	_ =	sdelay $0x1  }
0x107: {  	s2 =	spop (v2sf)  }
0x108: {  	s1 =	sadd.s32 s1, s2  }
0x109: {  	v60 =	vmov s1  }
0x10a: {  	v50 =	vadd.s32 $0xFFFFFFFF, v60  }
0x10b: {  	v50 =	vbroadcast v50, $0x0;
	v61, _, _ =	vpop (xrf0)  }
0x10c: {  	(v2sf) =	vpush v61, $0xF  }
0x10d: {  	v50 =	vadd.s32 v61, v50;
	_ =	sdelay $0x4  }
0x10e: {  	[tilespmem:v50+s0+$0x0] =	vst.idx.msk vm15, v21  }
0x10f: {  	v50 =	vld [tilespmem:$0x140];
	_ =	sdelay $0x4  }
0x110: {  	vm4 =	vlt.f32 v50, $1.000000000e+00  }
0x111: {  	v50 =	vsel vm4, $0x1, v34  }
0x112: {  	(xrf0) =	vadd.scan.msk.s32 $0xffff, v50  }
0x113: {  	s3 =	spop (v2sf)  }
0x114: {  	s1 =	sadd.s32 s1, s3  }
0x115: {  	v62 =	vmov s1  }
0x116: {  	v50 =	vadd.s32 $0xFFFFFFFF, v62  }
0x117: {  	v50 =	vbroadcast v50, $0x0  }
0x118: {  	v63, _, _ =	vpop (xrf0)  }
0x119: {  	(v2sf) =	vpush v63, $0xF;
	v50 =	vadd.s32 v63, v50;
	_ =	sdelay $0x4  }
0x11a: {  	[tilespmem:v50+s0+$0x0] =	vst.idx.msk vm4, v22  }
0x11b: {  	v50 =	vld [tilespmem:$0x150];
	_ =	sdelay $0x4  }
0x11c: {  	vm5 =	vlt.f32 v50, $1.000000000e+00  }
0x11d: {  	v50 =	vsel vm5, $0x1, v34  }
0x11e: {  	(xrf0) =	vadd.scan.msk.s32 $0xffff, v50;
	_ =	sdelay $0x1  }
0x11f: {  	s5 =	spop (v2sf)  }
0x120: {  	s1 =	sadd.s32 s1, s5  }
0x121: {  	v54 =	vmov s1  }
0x122: {  	v50 =	vadd.s32 $0xFFFFFFFF, v54  }
0x123: {  	v50 =	vbroadcast v50, $0x0;
	v55, _, _ =	vpop (xrf0)  }
0x124: {  	(v2sf) =	vpush v55, $0xF  }
0x125: {  	v50 =	vadd.s32 v55, v50;
	_ =	sdelay $0x4  }
0x126: {  	[tilespmem:v50+s0+$0x0] =	vst.idx.msk vm5, v23  }
0x127: {  	v50 =	vld [tilespmem:$0x160];
	_ =	sdelay $0x4  }
0x128: {  	vm6 =	vlt.f32 v50, $1.000000000e+00  }
0x129: {  	v50 =	vsel vm6, $0x1, v34  }
0x12a: {  	(xrf0) =	vadd.scan.msk.s32 $0xffff, v50  }
0x12b: {  	s6 =	spop (v2sf)  }
0x12c: {  	s1 =	sadd.s32 s1, s6  }
0x12d: {  	v56 =	vmov s1  }
0x12e: {  	v50 =	vadd.s32 $0xFFFFFFFF, v56  }
0x12f: {  	v50 =	vbroadcast v50, $0x0  }
0x130: {  	v57, _, _ =	vpop (xrf0)  }
0x131: {  	(v2sf) =	vpush v57, $0xF;
	v50 =	vadd.s32 v57, v50;
	_ =	sdelay $0x4  }
0x132: {  	[tilespmem:v50+s0+$0x0] =	vst.idx.msk vm6, v24  }
0x133: {  	v50 =	vld [tilespmem:$0x170];
	_ =	sdelay $0x4  }
0x134: {  	vm7 =	vlt.f32 v50, $1.000000000e+00  }
0x135: {  	v50 =	vsel vm7, $0x1, v34  }
0x136: {  	(xrf0) =	vadd.scan.msk.s32 $0xffff, v50;
	_ =	sdelay $0x1  }
0x137: {  	s7 =	spop (v2sf)  }
0x138: {  	s1 =	sadd.s32 s1, s7  }
0x139: {  	v58 =	vmov s1  }
0x13a: {  	v50 =	vadd.s32 $0xFFFFFFFF, v58  }
0x13b: {  	v50 =	vbroadcast v50, $0x0;
	v59, _, _ =	vpop (xrf0)  }
0x13c: {  	(v2sf) =	vpush v59, $0xF  }
0x13d: {  	v50 =	vadd.s32 v59, v50;
	_ =	sdelay $0x4  }
0x13e: {  	[tilespmem:v50+s0+$0x0] =	vst.idx.msk vm7, v25  }
0x13f: {  	v50 =	vld [tilespmem:$0x180];
	_ =	sdelay $0x4  }
0x140: {  	vm8 =	vlt.f32 v50, $1.000000000e+00  }
0x141: {  	v50 =	vsel vm8, $0x1, v34  }
0x142: {  	(xrf0) =	vadd.scan.msk.s32 $0xffff, v50  }
0x143: {  	s8 =	spop (v2sf)  }
0x144: {  	s1 =	sadd.s32 s1, s8  }
0x145: {  	v60 =	vmov s1  }
0x146: {  	v50 =	vadd.s32 $0xFFFFFFFF, v60  }
0x147: {  	v50 =	vbroadcast v50, $0x0  }
0x148: {  	v61, _, _ =	vpop (xrf0)  }
0x149: {  	(v2sf) =	vpush v61, $0xF;
	v50 =	vadd.s32 v61, v50;
	_ =	sdelay $0x4  }
0x14a: {  	[tilespmem:v50+s0+$0x0] =	vst.idx.msk vm8, v26  }
0x14b: {  	v50 =	vld [tilespmem:$0x190];
	_ =	sdelay $0x4  }
0x14c: {  	vm9 =	vlt.f32 v50, $1.000000000e+00  }
0x14d: {  	v50 =	vsel vm9, $0x1, v34  }
0x14e: {  	(xrf0) =	vadd.scan.msk.s32 $0xffff, v50;
	_ =	sdelay $0x1  }
0x14f: {  	s9 =	spop (v2sf)  }
0x150: {  	s1 =	sadd.s32 s1, s9  }
0x151: {  	v62 =	vmov s1  }
0x152: {  	v50 =	vadd.s32 $0xFFFFFFFF, v62  }
0x153: {  	v50 =	vbroadcast v50, $0x0;
	v63, _, _ =	vpop (xrf0)  }
0x154: {  	(v2sf) =	vpush v63, $0xF  }
0x155: {  	v50 =	vadd.s32 v63, v50;
	_ =	sdelay $0x4  }
0x156: {  	[tilespmem:v50+s0+$0x0] =	vst.idx.msk vm9, v27  }
0x157: {  	v50 =	vld [tilespmem:$0x1A0];
	_ =	sdelay $0x4  }
0x158: {  	vm10 =	vlt.f32 v50, $1.000000000e+00  }
0x159: {  	v50 =	vsel vm10, $0x1, v34  }
0x15a: {  	(xrf0) =	vadd.scan.msk.s32 $0xffff, v50  }
0x15b: {  	s10 =	spop (v2sf)  }
0x15c: {  	s1 =	sadd.s32 s1, s10  }
0x15d: {  	v53 =	vmov s1  }
0x15e: {  	v50 =	vadd.s32 $0xFFFFFFFF, v53  }
0x15f: {  	v50 =	vbroadcast v50, $0x0  }
0x160: {  	v54, _, _ =	vpop (xrf0)  }
0x161: {  	(v2sf) =	vpush v54, $0xF;
	v50 =	vadd.s32 v54, v50;
	_ =	sdelay $0x4  }
0x162: {  	[tilespmem:v50+s0+$0x0] =	vst.idx.msk vm10, v28  }
0x163: {  	v50 =	vld [tilespmem:$0x1B0];
	_ =	sdelay $0x4  }
0x164: {  	vm11 =	vlt.f32 v50, $1.000000000e+00  }
0x165: {  	v50 =	vsel vm11, $0x1, v34  }
0x166: {  	(xrf0) =	vadd.scan.msk.s32 $0xffff, v50;
	_ =	sdelay $0x1  }
0x167: {  	s20 =	spop (v2sf)  }
0x168: {  	s1 =	sadd.s32 s1, s20  }
0x169: {  	v55 =	vmov s1  }
0x16a: {  	v50 =	vadd.s32 $0xFFFFFFFF, v55  }
0x16b: {  	v50 =	vbroadcast v50, $0x0;
	v56, _, _ =	vpop (xrf0)  }
0x16c: {  	(v2sf) =	vpush v56, $0xF  }
0x16d: {  	v50 =	vadd.s32 v56, v50;
	_ =	sdelay $0x4  }
0x16e: {  	[tilespmem:v50+s0+$0x0] =	vst.idx.msk vm11, v29  }
0x16f: {  	v50 =	vld [tilespmem:$0x1C0];
	_ =	sdelay $0x4  }
0x170: {  	vm12 =	vlt.f32 v50, $1.000000000e+00  }
0x171: {  	v50 =	vsel vm12, $0x1, v34  }
0x172: {  	(xrf0) =	vadd.scan.msk.s32 $0xffff, v50  }
0x173: {  	s21 =	spop (v2sf)  }
0x174: {  	s1 =	sadd.s32 s1, s21  }
0x175: {  	v57 =	vmov s1  }
0x176: {  	v50 =	vadd.s32 $0xFFFFFFFF, v57  }
0x177: {  	v50 =	vbroadcast v50, $0x0  }
0x178: {  	v58, _, _ =	vpop (xrf0)  }
0x179: {  	(v2sf) =	vpush v58, $0xF;
	v50 =	vadd.s32 v58, v50;
	_ =	sdelay $0x4  }
0x17a: {  	[tilespmem:v50+s0+$0x0] =	vst.idx.msk vm12, v30  }
0x17b: {  	v50 =	vld [tilespmem:$0x1D0];
	_ =	sdelay $0x4  }
0x17c: {  	vm13 =	vlt.f32 v50, $1.000000000e+00  }
0x17d: {  	v50 =	vsel vm13, $0x1, v34  }
0x17e: {  	(xrf0) =	vadd.scan.msk.s32 $0xffff, v50;
	_ =	sdelay $0x1  }
0x17f: {  	s22 =	spop (v2sf)  }
0x180: {  	s1 =	sadd.s32 s1, s22  }
0x181: {  	v59 =	vmov s1  }
0x182: {  	v50 =	vadd.s32 $0xFFFFFFFF, v59  }
0x183: {  	v50 =	vbroadcast v50, $0x0;
	v60, _, _ =	vpop (xrf0)  }
0x184: {  	(v2sf) =	vpush v60, $0xF  }
0x185: {  	v50 =	vadd.s32 v60, v50;
	_ =	sdelay $0x4  }
0x186: {  	[tilespmem:v50+s0+$0x0] =	vst.idx.msk vm13, v31  }
0x187: {  	v50 =	vld [tilespmem:$0x1E0];
	_ =	sdelay $0x4  }
0x188: {  	vm14 =	vlt.f32 v50, $1.000000000e+00  }
0x189: {  	v50 =	vsel vm14, $0x1, v34  }
0x18a: {  	(xrf0) =	vadd.scan.msk.s32 $0xffff, v50  }
0x18b: {  	s23 =	spop (v2sf)  }
0x18c: {  	s1 =	sadd.s32 s1, s23  }
0x18d: {  	v61 =	vmov s1  }
0x18e: {  	v50 =	vadd.s32 $0xFFFFFFFF, v61  }
0x18f: {  	v50 =	vbroadcast v50, $0x0  }
0x190: {  	v62, _, _ =	vpop (xrf0)  }
0x191: {  	v50 =	vadd.s32 v62, v50;
	_ =	sdelay $0x4  }
0x192: {  	[tilespmem:v50+s0+$0x0] =	vst.idx.msk vm14, v32  }
0x193: {  	v50 =	vld [tilespmem:$0x1F0];
	_ =	sdelay $0x4  }
0x194: {  	vm15 =	vlt.f32 v50, $1.000000000e+00  }
0x195: {  	v50 =	vsel vm15, $0x1, v34  }
0x196: {  	(xrf0) =	vadd.scan.msk.s32 $0xffff, v50;
	_ =	sdelay $0x3  }
0x197: {  	(v2sf) =	vpush v62, $0xF;
	_ =	sdelay $0x1  }
0x198: {  	v50, _, _ =	vpop (xrf0)  }
0x199: {  	(v2sf) =	vpush v50, $0xF;
	_ =	sdelay $0xb  }
0x19a: {  	s28 =	spop (v2sf)  }
0x19b: {  	s1 =	sadd.s32 s1, s28  }
0x19c: {  	v63 =	vmov s1  }
0x19d: {  	v51 =	vadd.s32 $0xFFFFFFFF, v63;
	s29 =	spop (v2sf)  }
0x19e: {  	v51 =	vbroadcast v51, $0x0;
	s1 =	sadd.s32 s1, s29  }
0x19f: {  	[dreg:$0xb] =	wrdreg s1;
	s1 =	sadd.s32 $0xF, s1  }
0x1a0: {  	v50 =	vadd.s32 v50, v51;
	p0 =	slt.s32 s1, $0x10  }
.Ltmp2:
0x1a1: {  	s26 =	simm.s32 $0x5D80;
	(pc) =	sbr.rel @p0 .LBB2_36-.Ltmp2, $4  }
0x1a2: {  	s2 =	simm.s32 $0x3580;
	s3 =	simm.s32 $0x3D80;
	s5 =	simm.s32 $0x1D80  }
0x1a3: {  	s6 =	simm.s32 $0x6580;
	s7 =	simm.s32 $0x6D80;
	s8 =	simm.s32 $0x7580  }
0x1a4: {  	s9 =	simm.s32 $0x7D80;
	s20 =	simm.s32 $0x2580;
	s21 =	simm.s32 $0x2D80  }
0x1a5: {  	s22 =	simm.s32 $0x4D80;
	s23 =	simm.s32 $0x4580;
	[tilespmem:v50+s0+$0x0] =	vst.idx.msk vm15, v33;
	s0 =	simm.s32 $0x1580  }
0x1a6: {  	s28 =	sshra.s32 s1, $0x1F  }
0x1a7: {  	s28 =	sshrl.u32 s28, $0x1C  }
0x1a8: {  	s28 =	sadd.s32 s28, s1  }
0x1a9: {  	s1 =	sshra.s32 s28, $0x4  }
0x1aa: {  	s29 =	simm.s32 $0x0;
	[dreg:$0xd] =	wrdreg s1  }
.LBB2_3:
0x1ab: {  	s1 =	sshll.u32 s29, $0x4  }
0x1ac: {  	v50 =	vmov s1  }
0x1ad: {  	v50 =	vbroadcast v50, $0x0;
	_ =	sdelay $0x4  }
0x1ae: {  	s28 =	simm.s32 $0x200;
	v51 =	vld [tilespmem:s1+$0x200]  }
0x1af: {  	v50 =	vld.idx.msk [tilespmem:v50+s28+$0x0], $0xffff  }
0x1b0: {  	s10 =	rddreg [dreg:$0xb]  }
0x1b1: {  	s1 =	ssub.s32 s10, s1  }
0x1b2: {  	v52 =	vmov s1  }
0x1b3: {  	vm0 =	vgt.s32 v52, v0  }
0x1b4: {  	v52 =	vsel vm0, v51, v50  }
0x1b5: {  	[tilespmem:$0x480] =	vst v52  }
0x1b6: {  	v60 =	vld [tilespmem:$0x480];
	_ =	sdelay $0x4  }
0x1b7: {  	v61 =	vshll.u32 v60, $0x4  }
0x1b8: {  	v50 =	vand.u32 $0x7, v60;
	v51 =	vand.u32 $0xFFFFFF80, v61  }
0x1b9: {  	v62 =	vshrl.u32 v0, $0x3;
	v53 =	vor.u32 v50, v51;
	v51 =	vand.u32 $0x7, v0  }
0x1ba: {  	v50 =	vmul.u32 $0x8, v62;
	v54 =	vperm.xlane v53, v51;
	_ =	sdelay $0x1  }
0x1bb: {  	v54 =	vadd.s32 v50, v54;
	_ =	sdelay $0x2  }
0x1bc: {  	v52 =	vsub.s32 v52, v11  }
0x1bd: {  	s1 =	rddreg [dreg:$0x1];
	vm0 =	vmmov $0xffff;
	[tilespmem:$0x500] =	vst v52  }
0x1be: {  	[tilespmem:s31], [sflag:$0x1] =	stream.indirect_vreg.gather [hbm4b:s1+s4], $0x80, v54, vm0, $0xb8;
	[tilespmem:$0x8580] =	vst v63  }
0x1bf: {  	s31 =	rddreg [dreg:$0x6]  }
0x1c0: {  	[tilespmem:s30], [sflag:$0x1] =	stream.indirect_vreg.gather [hbm4b:s31+s4], $0x80, v54, vm0, $0xb8;
	[tilespmem:$0x8580] =	vst v63  }
0x1c1: {  	s30 =	rddreg [dreg:$0x7]  }
0x1c2: {  	[tilespmem:s0], [sflag:$0x1] =	stream.indirect_vreg.gather [hbm4b:s30+s4], $0x80, v54, vm0, $0xb8;
	[tilespmem:$0x8580] =	vst v63  }
0x1c3: {  	s0 =	rddreg [dreg:$0x8]  }
0x1c4: {  	[tilespmem:s5], [sflag:$0x1] =	stream.indirect_vreg.gather [hbm4b:s0+s4], $0x80, v54, vm0, $0xb8;
	[tilespmem:$0x8580] =	vst v63  }
0x1c5: {  	s10 =	rddreg [dreg:$0x9]  }
0x1c6: {  	v52 =	vor.u32 $0x8, v0;
	[tilespmem:s20], [sflag:$0x1] =	stream.indirect_vreg.gather [hbm4b:s10+s4], $0x80, v54, vm0, $0xb8;
	[tilespmem:$0x8580] =	vst v63  }
0x1c7: {  	v53 =	vperm.xlane v53, v52;
	s20 =	rddreg [dreg:$0xc]  }
0x1c8: {  	[tilespmem:s21], [sflag:$0x1] =	stream.indirect_vreg.gather [hbm4b:s20+s4], $0x80, v54, vm0, $0xb8;
	[tilespmem:$0x8580] =	vst v63  }
0x1c9: {  	v53 =	vadd.s32 v50, v53  }
0x1ca: {  	[tilespmem:s2], [sflag:$0x1] =	stream.indirect_vreg.gather [hbm4b:s11+s4], $0x80, v54, vm0, $0xb8;
	[tilespmem:$0x8580] =	vst v63  }
0x1cb: {  	_ = 	snop  }
0x1cc: {  	[tilespmem:s3], [sflag:$0x1] =	stream.indirect_vreg.gather [hbm4b:s12+s4], $0x80, v54, vm0, $0xb8;
	[tilespmem:$0x8580] =	vst v63  }
0x1cd: {  	_ = 	snop  }
0x1ce: {  	[tilespmem:s23], [sflag:$0x1] =	stream.indirect_vreg.gather [hbm4b:s1+s4], $0x80, v53, vm0, $0xb8;
	[tilespmem:$0x8580] =	vst v63  }
0x1cf: {  	_ = 	snop  }
0x1d0: {  	[tilespmem:s22], [sflag:$0x1] =	stream.indirect_vreg.gather [hbm4b:s31+s4], $0x80, v53, vm0, $0xb8;
	[tilespmem:$0x8580] =	vst v63  }
0x1d1: {  	s28 =	simm.s32 $0x5580  }
0x1d2: {  	[tilespmem:s28], [sflag:$0x1] =	stream.indirect_vreg.gather [hbm4b:s30+s4], $0x80, v53, vm0, $0xb8;
	[tilespmem:$0x8580] =	vst v63  }
0x1d3: {  	_ = 	snop  }
0x1d4: {  	[tilespmem:s26], [sflag:$0x1] =	stream.indirect_vreg.gather [hbm4b:s0+s4], $0x80, v53, vm0, $0xb8;
	[tilespmem:$0x8580] =	vst v63  }
0x1d5: {  	_ = 	snop  }
0x1d6: {  	[tilespmem:s6], [sflag:$0x1] =	stream.indirect_vreg.gather [hbm4b:s10+s4], $0x80, v53, vm0, $0xb8;
	[tilespmem:$0x8580] =	vst v63  }
0x1d7: {  	_ = 	snop  }
0x1d8: {  	[tilespmem:s7], [sflag:$0x1] =	stream.indirect_vreg.gather [hbm4b:s20+s4], $0x80, v53, vm0, $0xb8;
	[tilespmem:$0x8580] =	vst v63  }
0x1d9: {  	_ = 	snop  }
0x1da: {  	[tilespmem:s8], [sflag:$0x1] =	stream.indirect_vreg.gather [hbm4b:s11+s4], $0x80, v53, vm0, $0xb8;
	[tilespmem:$0x8580] =	vst v63  }
0x1db: {  	_ = 	snop  }
0x1dc: {  	[tilespmem:s9], [sflag:$0x1] =	stream.indirect_vreg.gather [hbm4b:s12+s4], $0x80, v53, vm0, $0xb8;
	[tilespmem:$0x8580] =	vst v63  }
0x1dd: {  	_ =	swait.ge [sflag:s24], $0x8000  }
0x1de: {  	[sflag:s24] =	ssyncset.done $0x0  }
0x1df: {  	[sflag:s24] =	ssyncadd.s32 $0xFFFF8000  }
0x1e0: {  	v63 =	vld.msk [tilespmem:s25+$0x0], $0xffff;
	_ =	sdelay $0x5  }
0x1e1: {  	s30 =	simm.s32 $0x5C0  }
0x1e2: {  	v56 =	vld [tilespmem:s30+$0x30]  }
0x1e3: {  	v53 =	vld.idx.msk [tilespmem:v63+s4+$0x0], $0xffff  }
0x1e4: {  	v58 =	vld [tilespmem:s30+$0xFFFFFFD0]  }
0x1e5: {  	v60 =	vld [tilespmem:s30+$0xFFFFFFE0]  }
0x1e6: {  	v57 =	vld [tilespmem:s30+$0xFFFFFFF0]  }
0x1e7: {  	v55 =	vld [tilespmem:s30+$0x0]  }
0x1e8: {  	v54 =	vld [tilespmem:s30+$0x10];
	v61 =	vmul.f32 v56, v53  }
0x1e9: {  	v56 =	vld [tilespmem:s30+$0x20];
	v59 =	vmul.f32 v58, v53  }
0x1ea: {  	s1 =	simm.s32 $0x9C0;
	s31 =	simm.s32 $0x0;
	v58 =	vld [tilespmem:s30+$0xFFFFFFC0];
	v60 =	vmul.f32 v60, v53;
	[tilespmem:s30+$0x30] =	vst v61  }
.LBB2_4:
0x1eb: {  	v61 =	vld [tilespmem:s1+$0x30];
	s31 =	sadd.s32 $0x8, s31;
	[tilespmem:s30+$0xFFFFFFD0] =	vst v59;
	v57 =	vmul.f32 v57, v53  }
0x1ec: {  	v59 =	vld [tilespmem:s1+$0xFFFFFFD0];
	p0 =	slt.u32 s31, $0x78;
	[tilespmem:s30+$0xFFFFFFE0] =	vst v60;
	v55 =	vmul.f32 v55, v53  }
0x1ed: {  	v60 =	vld [tilespmem:s1+$0xFFFFFFE0];
	[tilespmem:s30+$0xFFFFFFF0] =	vst v57;
	v54 =	vmul.f32 v54, v53  }
.Ltmp3:
0x1ee: {  	v57 =	vld [tilespmem:s1+$0xFFFFFFF0];
	[tilespmem:s30+$0x0] =	vst v55;
	v56 =	vmul.f32 v56, v53;
	(pc) =	sbr.rel @p0 .LBB2_4-.Ltmp3, $4  }
0x1ef: {  	v55 =	vld [tilespmem:s1+$0x0];
	v58 =	vmul.f32 v58, v53;
	[tilespmem:s30+$0x10] =	vst v54  }
0x1f0: {  	v54 =	vld [tilespmem:s1+$0x10];
	v61 =	vmul.f32 v61, v53;
	[tilespmem:s30+$0x20] =	vst v56  }
0x1f1: {  	v59 =	vmul.f32 v59, v53;
	v56 =	vld [tilespmem:s1+$0x20];
	[tilespmem:s30+$0xFFFFFFC0] =	vst v58;
	s30 =	smov.u32 s1  }
0x1f2: {  	s1 =	sadd.s32 $0x400, s1;
	v58 =	vld [tilespmem:s30+$0xFFFFFFC0];
	v60 =	vmul.f32 v60, v53;
	[tilespmem:s30+$0x30] =	vst v61  }
0x1f3: {  	[tilespmem:s30+$0xFFFFFFD0] =	vst v59;
	v57 =	vmul.f32 v57, v53  }
0x1f4: {  	[tilespmem:s30+$0xFFFFFFE0] =	vst v60;
	v55 =	vmul.f32 v55, v53  }
0x1f5: {  	[tilespmem:s30+$0xFFFFFFF0] =	vst v57;
	v54 =	vmul.f32 v54, v53  }
0x1f6: {  	[tilespmem:s30+$0x0] =	vst v55;
	v62 =	vmul.f32 v56, v53  }
0x1f7: {  	v63 =	vmul.f32 v58, v53;
	[tilespmem:s30+$0x10] =	vst v54  }
0x1f8: {  	[tilespmem:s30+$0x20] =	vst v62  }
0x1f9: {  	[tilespmem:s30+$0xFFFFFFC0] =	vst v63  }
0x1fa: {  	v53 =	vld.idx.msk [tilespmem:v35+s25+$0x0], $0xffff;
	_ =	sdelay $0x5  }
0x1fb: {  	s30 =	simm.s32 $0x670  }
0x1fc: {  	v56 =	vld [tilespmem:s30+$0x0]  }
0x1fd: {  	v53 =	vld.idx.msk [tilespmem:v53+s4+$0x0], $0xffff  }
0x1fe: {  	v58 =	vld [tilespmem:s30+$0xFFFFFFA0]  }
0x1ff: {  	v60 =	vld [tilespmem:s30+$0xFFFFFFB0]  }
0x200: {  	v57 =	vld [tilespmem:s30+$0xFFFFFFC0]  }
0x201: {  	v55 =	vld [tilespmem:s30+$0xFFFFFFD0]  }
0x202: {  	v54 =	vld [tilespmem:s30+$0xFFFFFFE0];
	v61 =	vmul.f32 v56, v53  }
0x203: {  	v56 =	vld [tilespmem:s30+$0xFFFFFFF0];
	v59 =	vmul.f32 v58, v53  }
0x204: {  	s31 =	simm.s32 $0x0;
	s1 =	simm.s32 $0xA70;
	v58 =	vld [tilespmem:s30+$0xFFFFFF90];
	v60 =	vmul.f32 v60, v53;
	[tilespmem:s30+$0x0] =	vst v61  }
.LBB2_6:
0x205: {  	v61 =	vld [tilespmem:s1+$0x0];
	s31 =	sadd.s32 $0x8, s31;
	[tilespmem:s30+$0xFFFFFFA0] =	vst v59;
	v57 =	vmul.f32 v57, v53  }
0x206: {  	v59 =	vld [tilespmem:s1+$0xFFFFFFA0];
	p0 =	slt.u32 s31, $0x78;
	[tilespmem:s30+$0xFFFFFFB0] =	vst v60;
	v55 =	vmul.f32 v55, v53  }
0x207: {  	v60 =	vld [tilespmem:s1+$0xFFFFFFB0];
	[tilespmem:s30+$0xFFFFFFC0] =	vst v57;
	v54 =	vmul.f32 v54, v53  }
.Ltmp4:
0x208: {  	v57 =	vld [tilespmem:s1+$0xFFFFFFC0];
	[tilespmem:s30+$0xFFFFFFD0] =	vst v55;
	v56 =	vmul.f32 v56, v53;
	(pc) =	sbr.rel @p0 .LBB2_6-.Ltmp4, $4  }
0x209: {  	v55 =	vld [tilespmem:s1+$0xFFFFFFD0];
	v58 =	vmul.f32 v58, v53;
	[tilespmem:s30+$0xFFFFFFE0] =	vst v54  }
0x20a: {  	v54 =	vld [tilespmem:s1+$0xFFFFFFE0];
	v61 =	vmul.f32 v61, v53;
	[tilespmem:s30+$0xFFFFFFF0] =	vst v56  }
0x20b: {  	v59 =	vmul.f32 v59, v53;
	v56 =	vld [tilespmem:s1+$0xFFFFFFF0];
	[tilespmem:s30+$0xFFFFFF90] =	vst v58;
	s30 =	smov.u32 s1  }
0x20c: {  	s1 =	sadd.s32 $0x400, s1;
	v58 =	vld [tilespmem:s30+$0xFFFFFF90];
	v60 =	vmul.f32 v60, v53;
	[tilespmem:s30+$0x0] =	vst v61  }
0x20d: {  	[tilespmem:s30+$0xFFFFFFA0] =	vst v59;
	v57 =	vmul.f32 v57, v53  }
0x20e: {  	[tilespmem:s30+$0xFFFFFFB0] =	vst v60;
	v55 =	vmul.f32 v55, v53  }
0x20f: {  	[tilespmem:s30+$0xFFFFFFC0] =	vst v57;
	v54 =	vmul.f32 v54, v53  }
0x210: {  	[tilespmem:s30+$0xFFFFFFD0] =	vst v55;
	v62 =	vmul.f32 v56, v53  }
0x211: {  	v63 =	vmul.f32 v58, v53;
	[tilespmem:s30+$0xFFFFFFE0] =	vst v54  }
0x212: {  	[tilespmem:s30+$0xFFFFFFF0] =	vst v62  }
0x213: {  	[tilespmem:s30+$0xFFFFFF90] =	vst v63  }
0x214: {  	v53 =	vld.idx.msk [tilespmem:v36+s25+$0x0], $0xffff;
	_ =	sdelay $0x5  }
0x215: {  	s30 =	simm.s32 $0x6F0  }
0x216: {  	v56 =	vld [tilespmem:s30+$0x0]  }
0x217: {  	v53 =	vld.idx.msk [tilespmem:v53+s4+$0x0], $0xffff  }
0x218: {  	v58 =	vld [tilespmem:s30+$0xFFFFFFA0]  }
0x219: {  	v60 =	vld [tilespmem:s30+$0xFFFFFFB0]  }
0x21a: {  	v57 =	vld [tilespmem:s30+$0xFFFFFFC0]  }
0x21b: {  	v55 =	vld [tilespmem:s30+$0xFFFFFFD0]  }
0x21c: {  	v54 =	vld [tilespmem:s30+$0xFFFFFFE0];
	v61 =	vmul.f32 v56, v53  }
0x21d: {  	v56 =	vld [tilespmem:s30+$0xFFFFFFF0];
	v59 =	vmul.f32 v58, v53  }
0x21e: {  	s31 =	simm.s32 $0x0;
	s1 =	simm.s32 $0xAF0;
	v58 =	vld [tilespmem:s30+$0xFFFFFF90];
	v60 =	vmul.f32 v60, v53;
	[tilespmem:s30+$0x0] =	vst v61  }
.LBB2_8:
0x21f: {  	v61 =	vld [tilespmem:s1+$0x0];
	s31 =	sadd.s32 $0x8, s31;
	[tilespmem:s30+$0xFFFFFFA0] =	vst v59;
	v57 =	vmul.f32 v57, v53  }
0x220: {  	v59 =	vld [tilespmem:s1+$0xFFFFFFA0];
	p0 =	slt.u32 s31, $0x78;
	[tilespmem:s30+$0xFFFFFFB0] =	vst v60;
	v55 =	vmul.f32 v55, v53  }
0x221: {  	v60 =	vld [tilespmem:s1+$0xFFFFFFB0];
	[tilespmem:s30+$0xFFFFFFC0] =	vst v57;
	v54 =	vmul.f32 v54, v53  }
.Ltmp5:
0x222: {  	v57 =	vld [tilespmem:s1+$0xFFFFFFC0];
	[tilespmem:s30+$0xFFFFFFD0] =	vst v55;
	v56 =	vmul.f32 v56, v53;
	(pc) =	sbr.rel @p0 .LBB2_8-.Ltmp5, $4  }
0x223: {  	v55 =	vld [tilespmem:s1+$0xFFFFFFD0];
	v58 =	vmul.f32 v58, v53;
	[tilespmem:s30+$0xFFFFFFE0] =	vst v54  }
0x224: {  	v54 =	vld [tilespmem:s1+$0xFFFFFFE0];
	v61 =	vmul.f32 v61, v53;
	[tilespmem:s30+$0xFFFFFFF0] =	vst v56  }
0x225: {  	v59 =	vmul.f32 v59, v53;
	v56 =	vld [tilespmem:s1+$0xFFFFFFF0];
	[tilespmem:s30+$0xFFFFFF90] =	vst v58;
	s30 =	smov.u32 s1  }
0x226: {  	s1 =	sadd.s32 $0x400, s1;
	v58 =	vld [tilespmem:s30+$0xFFFFFF90];
	v60 =	vmul.f32 v60, v53;
	[tilespmem:s30+$0x0] =	vst v61  }
0x227: {  	[tilespmem:s30+$0xFFFFFFA0] =	vst v59;
	v57 =	vmul.f32 v57, v53  }
0x228: {  	[tilespmem:s30+$0xFFFFFFB0] =	vst v60;
	v55 =	vmul.f32 v55, v53  }
0x229: {  	[tilespmem:s30+$0xFFFFFFC0] =	vst v57;
	v54 =	vmul.f32 v54, v53  }
0x22a: {  	[tilespmem:s30+$0xFFFFFFD0] =	vst v55;
	v62 =	vmul.f32 v56, v53  }
0x22b: {  	v63 =	vmul.f32 v58, v53;
	[tilespmem:s30+$0xFFFFFFE0] =	vst v54  }
0x22c: {  	[tilespmem:s30+$0xFFFFFFF0] =	vst v62  }
0x22d: {  	[tilespmem:s30+$0xFFFFFF90] =	vst v63  }
0x22e: {  	v53 =	vld.idx.msk [tilespmem:v37+s25+$0x0], $0xffff;
	_ =	sdelay $0x5  }
0x22f: {  	s30 =	simm.s32 $0x770  }
0x230: {  	v56 =	vld [tilespmem:s30+$0x0]  }
0x231: {  	v53 =	vld.idx.msk [tilespmem:v53+s4+$0x0], $0xffff  }
0x232: {  	v58 =	vld [tilespmem:s30+$0xFFFFFFA0]  }
0x233: {  	v60 =	vld [tilespmem:s30+$0xFFFFFFB0]  }
0x234: {  	v57 =	vld [tilespmem:s30+$0xFFFFFFC0]  }
0x235: {  	v55 =	vld [tilespmem:s30+$0xFFFFFFD0]  }
0x236: {  	v54 =	vld [tilespmem:s30+$0xFFFFFFE0];
	v61 =	vmul.f32 v56, v53  }
0x237: {  	v56 =	vld [tilespmem:s30+$0xFFFFFFF0];
	v59 =	vmul.f32 v58, v53  }
0x238: {  	s31 =	simm.s32 $0x0;
	s1 =	simm.s32 $0xB70;
	v58 =	vld [tilespmem:s30+$0xFFFFFF90];
	v60 =	vmul.f32 v60, v53;
	[tilespmem:s30+$0x0] =	vst v61  }
.LBB2_10:
0x239: {  	v61 =	vld [tilespmem:s1+$0x0];
	s31 =	sadd.s32 $0x8, s31;
	[tilespmem:s30+$0xFFFFFFA0] =	vst v59;
	v57 =	vmul.f32 v57, v53  }
0x23a: {  	v59 =	vld [tilespmem:s1+$0xFFFFFFA0];
	p0 =	slt.u32 s31, $0x78;
	[tilespmem:s30+$0xFFFFFFB0] =	vst v60;
	v55 =	vmul.f32 v55, v53  }
0x23b: {  	v60 =	vld [tilespmem:s1+$0xFFFFFFB0];
	[tilespmem:s30+$0xFFFFFFC0] =	vst v57;
	v54 =	vmul.f32 v54, v53  }
.Ltmp6:
0x23c: {  	v57 =	vld [tilespmem:s1+$0xFFFFFFC0];
	[tilespmem:s30+$0xFFFFFFD0] =	vst v55;
	v56 =	vmul.f32 v56, v53;
	(pc) =	sbr.rel @p0 .LBB2_10-.Ltmp6, $4  }
0x23d: {  	v55 =	vld [tilespmem:s1+$0xFFFFFFD0];
	v58 =	vmul.f32 v58, v53;
	[tilespmem:s30+$0xFFFFFFE0] =	vst v54  }
0x23e: {  	v54 =	vld [tilespmem:s1+$0xFFFFFFE0];
	v61 =	vmul.f32 v61, v53;
	[tilespmem:s30+$0xFFFFFFF0] =	vst v56  }
0x23f: {  	v59 =	vmul.f32 v59, v53;
	v56 =	vld [tilespmem:s1+$0xFFFFFFF0];
	[tilespmem:s30+$0xFFFFFF90] =	vst v58;
	s30 =	smov.u32 s1  }
0x240: {  	s1 =	sadd.s32 $0x400, s1;
	v58 =	vld [tilespmem:s30+$0xFFFFFF90];
	v60 =	vmul.f32 v60, v53;
	[tilespmem:s30+$0x0] =	vst v61  }
0x241: {  	[tilespmem:s30+$0xFFFFFFA0] =	vst v59;
	v57 =	vmul.f32 v57, v53  }
0x242: {  	[tilespmem:s30+$0xFFFFFFB0] =	vst v60;
	v55 =	vmul.f32 v55, v53  }
0x243: {  	[tilespmem:s30+$0xFFFFFFC0] =	vst v57;
	v54 =	vmul.f32 v54, v53  }
0x244: {  	[tilespmem:s30+$0xFFFFFFD0] =	vst v55;
	v62 =	vmul.f32 v56, v53  }
0x245: {  	v63 =	vmul.f32 v58, v53;
	[tilespmem:s30+$0xFFFFFFE0] =	vst v54  }
0x246: {  	[tilespmem:s30+$0xFFFFFFF0] =	vst v62  }
0x247: {  	[tilespmem:s30+$0xFFFFFF90] =	vst v63  }
0x248: {  	v53 =	vld.idx.msk [tilespmem:v38+s25+$0x0], $0xffff;
	_ =	sdelay $0x5  }
0x249: {  	s30 =	simm.s32 $0x7F0  }
0x24a: {  	v56 =	vld [tilespmem:s30+$0x0]  }
0x24b: {  	v53 =	vld.idx.msk [tilespmem:v53+s4+$0x0], $0xffff  }
0x24c: {  	v58 =	vld [tilespmem:s30+$0xFFFFFFA0]  }
0x24d: {  	v60 =	vld [tilespmem:s30+$0xFFFFFFB0]  }
0x24e: {  	v57 =	vld [tilespmem:s30+$0xFFFFFFC0]  }
0x24f: {  	v55 =	vld [tilespmem:s30+$0xFFFFFFD0]  }
0x250: {  	v54 =	vld [tilespmem:s30+$0xFFFFFFE0];
	v61 =	vmul.f32 v56, v53  }
0x251: {  	v56 =	vld [tilespmem:s30+$0xFFFFFFF0];
	v59 =	vmul.f32 v58, v53  }
0x252: {  	s31 =	simm.s32 $0x0;
	s1 =	simm.s32 $0xBF0;
	v58 =	vld [tilespmem:s30+$0xFFFFFF90];
	v60 =	vmul.f32 v60, v53;
	[tilespmem:s30+$0x0] =	vst v61  }
.LBB2_12:
0x253: {  	v61 =	vld [tilespmem:s1+$0x0];
	s31 =	sadd.s32 $0x8, s31;
	[tilespmem:s30+$0xFFFFFFA0] =	vst v59;
	v57 =	vmul.f32 v57, v53  }
0x254: {  	v59 =	vld [tilespmem:s1+$0xFFFFFFA0];
	p0 =	slt.u32 s31, $0x78;
	[tilespmem:s30+$0xFFFFFFB0] =	vst v60;
	v55 =	vmul.f32 v55, v53  }
0x255: {  	v60 =	vld [tilespmem:s1+$0xFFFFFFB0];
	[tilespmem:s30+$0xFFFFFFC0] =	vst v57;
	v54 =	vmul.f32 v54, v53  }
.Ltmp7:
0x256: {  	v57 =	vld [tilespmem:s1+$0xFFFFFFC0];
	[tilespmem:s30+$0xFFFFFFD0] =	vst v55;
	v56 =	vmul.f32 v56, v53;
	(pc) =	sbr.rel @p0 .LBB2_12-.Ltmp7, $4  }
0x257: {  	v55 =	vld [tilespmem:s1+$0xFFFFFFD0];
	v58 =	vmul.f32 v58, v53;
	[tilespmem:s30+$0xFFFFFFE0] =	vst v54  }
0x258: {  	v54 =	vld [tilespmem:s1+$0xFFFFFFE0];
	v61 =	vmul.f32 v61, v53;
	[tilespmem:s30+$0xFFFFFFF0] =	vst v56  }
0x259: {  	v59 =	vmul.f32 v59, v53;
	v56 =	vld [tilespmem:s1+$0xFFFFFFF0];
	[tilespmem:s30+$0xFFFFFF90] =	vst v58;
	s30 =	smov.u32 s1  }
0x25a: {  	s1 =	sadd.s32 $0x400, s1;
	v58 =	vld [tilespmem:s30+$0xFFFFFF90];
	v60 =	vmul.f32 v60, v53;
	[tilespmem:s30+$0x0] =	vst v61  }
0x25b: {  	[tilespmem:s30+$0xFFFFFFA0] =	vst v59;
	v57 =	vmul.f32 v57, v53  }
0x25c: {  	[tilespmem:s30+$0xFFFFFFB0] =	vst v60;
	v55 =	vmul.f32 v55, v53  }
0x25d: {  	[tilespmem:s30+$0xFFFFFFC0] =	vst v57;
	v54 =	vmul.f32 v54, v53  }
0x25e: {  	[tilespmem:s30+$0xFFFFFFD0] =	vst v55;
	v62 =	vmul.f32 v56, v53  }
0x25f: {  	v63 =	vmul.f32 v58, v53;
	[tilespmem:s30+$0xFFFFFFE0] =	vst v54  }
0x260: {  	[tilespmem:s30+$0xFFFFFFF0] =	vst v62  }
0x261: {  	[tilespmem:s30+$0xFFFFFF90] =	vst v63  }
0x262: {  	v53 =	vld.idx.msk [tilespmem:v39+s25+$0x0], $0xffff;
	_ =	sdelay $0x5  }
0x263: {  	s30 =	simm.s32 $0x870  }
0x264: {  	v56 =	vld [tilespmem:s30+$0x0]  }
0x265: {  	v53 =	vld.idx.msk [tilespmem:v53+s4+$0x0], $0xffff  }
0x266: {  	v58 =	vld [tilespmem:s30+$0xFFFFFFA0]  }
0x267: {  	v60 =	vld [tilespmem:s30+$0xFFFFFFB0]  }
0x268: {  	v57 =	vld [tilespmem:s30+$0xFFFFFFC0]  }
0x269: {  	v55 =	vld [tilespmem:s30+$0xFFFFFFD0]  }
0x26a: {  	v54 =	vld [tilespmem:s30+$0xFFFFFFE0];
	v61 =	vmul.f32 v56, v53  }
0x26b: {  	v56 =	vld [tilespmem:s30+$0xFFFFFFF0];
	v59 =	vmul.f32 v58, v53  }
0x26c: {  	s31 =	simm.s32 $0x0;
	s1 =	simm.s32 $0xC70;
	v58 =	vld [tilespmem:s30+$0xFFFFFF90];
	v60 =	vmul.f32 v60, v53;
	[tilespmem:s30+$0x0] =	vst v61  }
.LBB2_14:
0x26d: {  	v61 =	vld [tilespmem:s1+$0x0];
	s31 =	sadd.s32 $0x8, s31;
	[tilespmem:s30+$0xFFFFFFA0] =	vst v59;
	v57 =	vmul.f32 v57, v53  }
0x26e: {  	v59 =	vld [tilespmem:s1+$0xFFFFFFA0];
	p0 =	slt.u32 s31, $0x78;
	[tilespmem:s30+$0xFFFFFFB0] =	vst v60;
	v55 =	vmul.f32 v55, v53  }
0x26f: {  	v60 =	vld [tilespmem:s1+$0xFFFFFFB0];
	[tilespmem:s30+$0xFFFFFFC0] =	vst v57;
	v54 =	vmul.f32 v54, v53  }
.Ltmp8:
0x270: {  	v57 =	vld [tilespmem:s1+$0xFFFFFFC0];
	[tilespmem:s30+$0xFFFFFFD0] =	vst v55;
	v56 =	vmul.f32 v56, v53;
	(pc) =	sbr.rel @p0 .LBB2_14-.Ltmp8, $4  }
0x271: {  	v55 =	vld [tilespmem:s1+$0xFFFFFFD0];
	v58 =	vmul.f32 v58, v53;
	[tilespmem:s30+$0xFFFFFFE0] =	vst v54  }
0x272: {  	v54 =	vld [tilespmem:s1+$0xFFFFFFE0];
	v61 =	vmul.f32 v61, v53;
	[tilespmem:s30+$0xFFFFFFF0] =	vst v56  }
0x273: {  	v59 =	vmul.f32 v59, v53;
	v56 =	vld [tilespmem:s1+$0xFFFFFFF0];
	[tilespmem:s30+$0xFFFFFF90] =	vst v58;
	s30 =	smov.u32 s1  }
0x274: {  	s1 =	sadd.s32 $0x400, s1;
	v58 =	vld [tilespmem:s30+$0xFFFFFF90];
	v60 =	vmul.f32 v60, v53;
	[tilespmem:s30+$0x0] =	vst v61  }
0x275: {  	[tilespmem:s30+$0xFFFFFFA0] =	vst v59;
	v57 =	vmul.f32 v57, v53  }
0x276: {  	[tilespmem:s30+$0xFFFFFFB0] =	vst v60;
	v55 =	vmul.f32 v55, v53  }
0x277: {  	[tilespmem:s30+$0xFFFFFFC0] =	vst v57;
	v54 =	vmul.f32 v54, v53  }
0x278: {  	[tilespmem:s30+$0xFFFFFFD0] =	vst v55;
	v62 =	vmul.f32 v56, v53  }
0x279: {  	v63 =	vmul.f32 v58, v53;
	[tilespmem:s30+$0xFFFFFFE0] =	vst v54  }
0x27a: {  	[tilespmem:s30+$0xFFFFFFF0] =	vst v62  }
0x27b: {  	[tilespmem:s30+$0xFFFFFF90] =	vst v63  }
0x27c: {  	v53 =	vld.idx.msk [tilespmem:v40+s25+$0x0], $0xffff;
	_ =	sdelay $0x5  }
0x27d: {  	s30 =	simm.s32 $0x8F0  }
0x27e: {  	v56 =	vld [tilespmem:s30+$0x0]  }
0x27f: {  	v53 =	vld.idx.msk [tilespmem:v53+s4+$0x0], $0xffff  }
0x280: {  	v58 =	vld [tilespmem:s30+$0xFFFFFFA0]  }
0x281: {  	v60 =	vld [tilespmem:s30+$0xFFFFFFB0]  }
0x282: {  	v57 =	vld [tilespmem:s30+$0xFFFFFFC0]  }
0x283: {  	v55 =	vld [tilespmem:s30+$0xFFFFFFD0]  }
0x284: {  	v54 =	vld [tilespmem:s30+$0xFFFFFFE0];
	v61 =	vmul.f32 v56, v53  }
0x285: {  	v56 =	vld [tilespmem:s30+$0xFFFFFFF0];
	v59 =	vmul.f32 v58, v53  }
0x286: {  	s31 =	simm.s32 $0x0;
	s1 =	simm.s32 $0xCF0;
	v58 =	vld [tilespmem:s30+$0xFFFFFF90];
	v60 =	vmul.f32 v60, v53;
	[tilespmem:s30+$0x0] =	vst v61  }
.LBB2_16:
0x287: {  	v61 =	vld [tilespmem:s1+$0x0];
	s31 =	sadd.s32 $0x8, s31;
	[tilespmem:s30+$0xFFFFFFA0] =	vst v59;
	v57 =	vmul.f32 v57, v53  }
0x288: {  	v59 =	vld [tilespmem:s1+$0xFFFFFFA0];
	p0 =	slt.u32 s31, $0x78;
	[tilespmem:s30+$0xFFFFFFB0] =	vst v60;
	v55 =	vmul.f32 v55, v53  }
0x289: {  	v60 =	vld [tilespmem:s1+$0xFFFFFFB0];
	[tilespmem:s30+$0xFFFFFFC0] =	vst v57;
	v54 =	vmul.f32 v54, v53  }
.Ltmp9:
0x28a: {  	v57 =	vld [tilespmem:s1+$0xFFFFFFC0];
	[tilespmem:s30+$0xFFFFFFD0] =	vst v55;
	v56 =	vmul.f32 v56, v53;
	(pc) =	sbr.rel @p0 .LBB2_16-.Ltmp9, $4  }
0x28b: {  	v55 =	vld [tilespmem:s1+$0xFFFFFFD0];
	v58 =	vmul.f32 v58, v53;
	[tilespmem:s30+$0xFFFFFFE0] =	vst v54  }
0x28c: {  	v54 =	vld [tilespmem:s1+$0xFFFFFFE0];
	v61 =	vmul.f32 v61, v53;
	[tilespmem:s30+$0xFFFFFFF0] =	vst v56  }
0x28d: {  	v59 =	vmul.f32 v59, v53;
	v56 =	vld [tilespmem:s1+$0xFFFFFFF0];
	[tilespmem:s30+$0xFFFFFF90] =	vst v58;
	s30 =	smov.u32 s1  }
0x28e: {  	s1 =	sadd.s32 $0x400, s1;
	v58 =	vld [tilespmem:s30+$0xFFFFFF90];
	v60 =	vmul.f32 v60, v53;
	[tilespmem:s30+$0x0] =	vst v61  }
0x28f: {  	[tilespmem:s30+$0xFFFFFFA0] =	vst v59;
	v57 =	vmul.f32 v57, v53  }
0x290: {  	[tilespmem:s30+$0xFFFFFFB0] =	vst v60;
	v55 =	vmul.f32 v55, v53  }
0x291: {  	[tilespmem:s30+$0xFFFFFFC0] =	vst v57;
	v54 =	vmul.f32 v54, v53  }
0x292: {  	[tilespmem:s30+$0xFFFFFFD0] =	vst v55;
	v62 =	vmul.f32 v56, v53  }
0x293: {  	v63 =	vmul.f32 v58, v53;
	[tilespmem:s30+$0xFFFFFFE0] =	vst v54  }
0x294: {  	[tilespmem:s30+$0xFFFFFFF0] =	vst v62  }
0x295: {  	[tilespmem:s30+$0xFFFFFF90] =	vst v63  }
0x296: {  	v53 =	vld.idx.msk [tilespmem:v41+s25+$0x0], $0xffff;
	_ =	sdelay $0x5  }
0x297: {  	s30 =	simm.s32 $0x970  }
0x298: {  	v56 =	vld [tilespmem:s30+$0x0]  }
0x299: {  	v53 =	vld.idx.msk [tilespmem:v53+s4+$0x0], $0xffff  }
0x29a: {  	v58 =	vld [tilespmem:s30+$0xFFFFFFA0]  }
0x29b: {  	v60 =	vld [tilespmem:s30+$0xFFFFFFB0]  }
0x29c: {  	v57 =	vld [tilespmem:s30+$0xFFFFFFC0]  }
0x29d: {  	v55 =	vld [tilespmem:s30+$0xFFFFFFD0]  }
0x29e: {  	v54 =	vld [tilespmem:s30+$0xFFFFFFE0];
	v61 =	vmul.f32 v56, v53  }
0x29f: {  	v56 =	vld [tilespmem:s30+$0xFFFFFFF0];
	v59 =	vmul.f32 v58, v53  }
0x2a0: {  	s31 =	simm.s32 $0x0;
	s1 =	simm.s32 $0xD70;
	v58 =	vld [tilespmem:s30+$0xFFFFFF90];
	v60 =	vmul.f32 v60, v53;
	[tilespmem:s30+$0x0] =	vst v61  }
.LBB2_18:
0x2a1: {  	v61 =	vld [tilespmem:s1+$0x0];
	s31 =	sadd.s32 $0x8, s31;
	[tilespmem:s30+$0xFFFFFFA0] =	vst v59;
	v57 =	vmul.f32 v57, v53  }
0x2a2: {  	v59 =	vld [tilespmem:s1+$0xFFFFFFA0];
	p0 =	slt.u32 s31, $0x78;
	[tilespmem:s30+$0xFFFFFFB0] =	vst v60;
	v55 =	vmul.f32 v55, v53  }
0x2a3: {  	v60 =	vld [tilespmem:s1+$0xFFFFFFB0];
	[tilespmem:s30+$0xFFFFFFC0] =	vst v57;
	v54 =	vmul.f32 v54, v53  }
.Ltmp10:
0x2a4: {  	v57 =	vld [tilespmem:s1+$0xFFFFFFC0];
	[tilespmem:s30+$0xFFFFFFD0] =	vst v55;
	v56 =	vmul.f32 v56, v53;
	(pc) =	sbr.rel @p0 .LBB2_18-.Ltmp10, $4  }
0x2a5: {  	v55 =	vld [tilespmem:s1+$0xFFFFFFD0];
	v58 =	vmul.f32 v58, v53;
	[tilespmem:s30+$0xFFFFFFE0] =	vst v54  }
0x2a6: {  	v54 =	vld [tilespmem:s1+$0xFFFFFFE0];
	v61 =	vmul.f32 v61, v53;
	[tilespmem:s30+$0xFFFFFFF0] =	vst v56  }
0x2a7: {  	v59 =	vmul.f32 v59, v53;
	v56 =	vld [tilespmem:s1+$0xFFFFFFF0];
	[tilespmem:s30+$0xFFFFFF90] =	vst v58;
	s30 =	smov.u32 s1  }
0x2a8: {  	s1 =	sadd.s32 $0x400, s1;
	v58 =	vld [tilespmem:s30+$0xFFFFFF90];
	v60 =	vmul.f32 v60, v53;
	[tilespmem:s30+$0x0] =	vst v61  }
0x2a9: {  	[tilespmem:s30+$0xFFFFFFA0] =	vst v59;
	v57 =	vmul.f32 v57, v53  }
0x2aa: {  	[tilespmem:s30+$0xFFFFFFB0] =	vst v60;
	v55 =	vmul.f32 v55, v53  }
0x2ab: {  	[tilespmem:s30+$0xFFFFFFC0] =	vst v57;
	v54 =	vmul.f32 v54, v53  }
0x2ac: {  	[tilespmem:s30+$0xFFFFFFD0] =	vst v55;
	v62 =	vmul.f32 v56, v53  }
0x2ad: {  	v63 =	vmul.f32 v58, v53;
	[tilespmem:s30+$0xFFFFFFE0] =	vst v54  }
0x2ae: {  	[tilespmem:s30+$0xFFFFFFF0] =	vst v62  }
0x2af: {  	[tilespmem:s30+$0xFFFFFF90] =	vst v63  }
0x2b0: {  	v53 =	vld.idx.msk [tilespmem:v42+s25+$0x0], $0xffff;
	_ =	sdelay $0x5  }
0x2b1: {  	s30 =	simm.s32 $0x45F0  }
0x2b2: {  	v56 =	vld [tilespmem:s30+$0x0]  }
0x2b3: {  	v53 =	vld.idx.msk [tilespmem:v53+s4+$0x0], $0xffff  }
0x2b4: {  	v58 =	vld [tilespmem:s30+$0xFFFFFFA0]  }
0x2b5: {  	v60 =	vld [tilespmem:s30+$0xFFFFFFB0]  }
0x2b6: {  	v57 =	vld [tilespmem:s30+$0xFFFFFFC0]  }
0x2b7: {  	v55 =	vld [tilespmem:s30+$0xFFFFFFD0]  }
0x2b8: {  	v54 =	vld [tilespmem:s30+$0xFFFFFFE0];
	v61 =	vmul.f32 v56, v53  }
0x2b9: {  	v56 =	vld [tilespmem:s30+$0xFFFFFFF0];
	v59 =	vmul.f32 v58, v53  }
0x2ba: {  	s31 =	simm.s32 $0x0;
	s1 =	simm.s32 $0x49F0;
	v58 =	vld [tilespmem:s30+$0xFFFFFF90];
	v60 =	vmul.f32 v60, v53;
	[tilespmem:s30+$0x0] =	vst v61  }
.LBB2_20:
0x2bb: {  	v61 =	vld [tilespmem:s1+$0x0];
	s31 =	sadd.s32 $0x8, s31;
	[tilespmem:s30+$0xFFFFFFA0] =	vst v59;
	v57 =	vmul.f32 v57, v53  }
0x2bc: {  	v59 =	vld [tilespmem:s1+$0xFFFFFFA0];
	p0 =	slt.u32 s31, $0x78;
	[tilespmem:s30+$0xFFFFFFB0] =	vst v60;
	v55 =	vmul.f32 v55, v53  }
0x2bd: {  	v60 =	vld [tilespmem:s1+$0xFFFFFFB0];
	[tilespmem:s30+$0xFFFFFFC0] =	vst v57;
	v54 =	vmul.f32 v54, v53  }
.Ltmp11:
0x2be: {  	v57 =	vld [tilespmem:s1+$0xFFFFFFC0];
	[tilespmem:s30+$0xFFFFFFD0] =	vst v55;
	v56 =	vmul.f32 v56, v53;
	(pc) =	sbr.rel @p0 .LBB2_20-.Ltmp11, $4  }
0x2bf: {  	v55 =	vld [tilespmem:s1+$0xFFFFFFD0];
	v58 =	vmul.f32 v58, v53;
	[tilespmem:s30+$0xFFFFFFE0] =	vst v54  }
0x2c0: {  	v54 =	vld [tilespmem:s1+$0xFFFFFFE0];
	v61 =	vmul.f32 v61, v53;
	[tilespmem:s30+$0xFFFFFFF0] =	vst v56  }
0x2c1: {  	v59 =	vmul.f32 v59, v53;
	v56 =	vld [tilespmem:s1+$0xFFFFFFF0];
	[tilespmem:s30+$0xFFFFFF90] =	vst v58;
	s30 =	smov.u32 s1  }
0x2c2: {  	s1 =	sadd.s32 $0x400, s1;
	v58 =	vld [tilespmem:s30+$0xFFFFFF90];
	v60 =	vmul.f32 v60, v53;
	[tilespmem:s30+$0x0] =	vst v61  }
0x2c3: {  	[tilespmem:s30+$0xFFFFFFA0] =	vst v59;
	v57 =	vmul.f32 v57, v53  }
0x2c4: {  	[tilespmem:s30+$0xFFFFFFB0] =	vst v60;
	v55 =	vmul.f32 v55, v53  }
0x2c5: {  	[tilespmem:s30+$0xFFFFFFC0] =	vst v57;
	v54 =	vmul.f32 v54, v53  }
0x2c6: {  	[tilespmem:s30+$0xFFFFFFD0] =	vst v55;
	v62 =	vmul.f32 v56, v53  }
0x2c7: {  	v63 =	vmul.f32 v58, v53;
	[tilespmem:s30+$0xFFFFFFE0] =	vst v54  }
0x2c8: {  	[tilespmem:s30+$0xFFFFFFF0] =	vst v62  }
0x2c9: {  	[tilespmem:s30+$0xFFFFFF90] =	vst v63  }
0x2ca: {  	v53 =	vld.idx.msk [tilespmem:v43+s25+$0x0], $0xffff;
	_ =	sdelay $0x5  }
0x2cb: {  	s30 =	simm.s32 $0x4670  }
0x2cc: {  	v56 =	vld [tilespmem:s30+$0x0]  }
0x2cd: {  	v53 =	vld.idx.msk [tilespmem:v53+s4+$0x0], $0xffff  }
0x2ce: {  	v58 =	vld [tilespmem:s30+$0xFFFFFFA0]  }
0x2cf: {  	v60 =	vld [tilespmem:s30+$0xFFFFFFB0]  }
0x2d0: {  	v57 =	vld [tilespmem:s30+$0xFFFFFFC0]  }
0x2d1: {  	v55 =	vld [tilespmem:s30+$0xFFFFFFD0]  }
0x2d2: {  	v54 =	vld [tilespmem:s30+$0xFFFFFFE0];
	v61 =	vmul.f32 v56, v53  }
0x2d3: {  	v56 =	vld [tilespmem:s30+$0xFFFFFFF0];
	v59 =	vmul.f32 v58, v53  }
0x2d4: {  	s31 =	simm.s32 $0x0;
	s1 =	simm.s32 $0x4A70;
	v58 =	vld [tilespmem:s30+$0xFFFFFF90];
	v60 =	vmul.f32 v60, v53;
	[tilespmem:s30+$0x0] =	vst v61  }
.LBB2_22:
0x2d5: {  	v61 =	vld [tilespmem:s1+$0x0];
	s31 =	sadd.s32 $0x8, s31;
	[tilespmem:s30+$0xFFFFFFA0] =	vst v59;
	v57 =	vmul.f32 v57, v53  }
0x2d6: {  	v59 =	vld [tilespmem:s1+$0xFFFFFFA0];
	p0 =	slt.u32 s31, $0x78;
	[tilespmem:s30+$0xFFFFFFB0] =	vst v60;
	v55 =	vmul.f32 v55, v53  }
0x2d7: {  	v60 =	vld [tilespmem:s1+$0xFFFFFFB0];
	[tilespmem:s30+$0xFFFFFFC0] =	vst v57;
	v54 =	vmul.f32 v54, v53  }
.Ltmp12:
0x2d8: {  	v57 =	vld [tilespmem:s1+$0xFFFFFFC0];
	[tilespmem:s30+$0xFFFFFFD0] =	vst v55;
	v56 =	vmul.f32 v56, v53;
	(pc) =	sbr.rel @p0 .LBB2_22-.Ltmp12, $4  }
0x2d9: {  	v55 =	vld [tilespmem:s1+$0xFFFFFFD0];
	v58 =	vmul.f32 v58, v53;
	[tilespmem:s30+$0xFFFFFFE0] =	vst v54  }
0x2da: {  	v54 =	vld [tilespmem:s1+$0xFFFFFFE0];
	v61 =	vmul.f32 v61, v53;
	[tilespmem:s30+$0xFFFFFFF0] =	vst v56  }
0x2db: {  	v59 =	vmul.f32 v59, v53;
	v56 =	vld [tilespmem:s1+$0xFFFFFFF0];
	[tilespmem:s30+$0xFFFFFF90] =	vst v58;
	s30 =	smov.u32 s1  }
0x2dc: {  	s1 =	sadd.s32 $0x400, s1;
	v58 =	vld [tilespmem:s30+$0xFFFFFF90];
	v60 =	vmul.f32 v60, v53;
	[tilespmem:s30+$0x0] =	vst v61  }
0x2dd: {  	[tilespmem:s30+$0xFFFFFFA0] =	vst v59;
	v57 =	vmul.f32 v57, v53  }
0x2de: {  	[tilespmem:s30+$0xFFFFFFB0] =	vst v60;
	v55 =	vmul.f32 v55, v53  }
0x2df: {  	[tilespmem:s30+$0xFFFFFFC0] =	vst v57;
	v54 =	vmul.f32 v54, v53  }
0x2e0: {  	[tilespmem:s30+$0xFFFFFFD0] =	vst v55;
	v62 =	vmul.f32 v56, v53  }
0x2e1: {  	v63 =	vmul.f32 v58, v53;
	[tilespmem:s30+$0xFFFFFFE0] =	vst v54  }
0x2e2: {  	[tilespmem:s30+$0xFFFFFFF0] =	vst v62  }
0x2e3: {  	[tilespmem:s30+$0xFFFFFF90] =	vst v63  }
0x2e4: {  	v53 =	vld.idx.msk [tilespmem:v44+s25+$0x0], $0xffff;
	_ =	sdelay $0x5  }
0x2e5: {  	s30 =	simm.s32 $0x46F0  }
0x2e6: {  	v56 =	vld [tilespmem:s30+$0x0]  }
0x2e7: {  	v53 =	vld.idx.msk [tilespmem:v53+s4+$0x0], $0xffff  }
0x2e8: {  	v58 =	vld [tilespmem:s30+$0xFFFFFFA0]  }
0x2e9: {  	v60 =	vld [tilespmem:s30+$0xFFFFFFB0]  }
0x2ea: {  	v57 =	vld [tilespmem:s30+$0xFFFFFFC0]  }
0x2eb: {  	v55 =	vld [tilespmem:s30+$0xFFFFFFD0]  }
0x2ec: {  	v54 =	vld [tilespmem:s30+$0xFFFFFFE0];
	v61 =	vmul.f32 v56, v53  }
0x2ed: {  	v56 =	vld [tilespmem:s30+$0xFFFFFFF0];
	v59 =	vmul.f32 v58, v53  }
0x2ee: {  	s31 =	simm.s32 $0x0;
	s1 =	simm.s32 $0x4AF0;
	v58 =	vld [tilespmem:s30+$0xFFFFFF90];
	v60 =	vmul.f32 v60, v53;
	[tilespmem:s30+$0x0] =	vst v61  }
.LBB2_24:
0x2ef: {  	v61 =	vld [tilespmem:s1+$0x0];
	s31 =	sadd.s32 $0x8, s31;
	[tilespmem:s30+$0xFFFFFFA0] =	vst v59;
	v57 =	vmul.f32 v57, v53  }
0x2f0: {  	v59 =	vld [tilespmem:s1+$0xFFFFFFA0];
	p0 =	slt.u32 s31, $0x78;
	[tilespmem:s30+$0xFFFFFFB0] =	vst v60;
	v55 =	vmul.f32 v55, v53  }
0x2f1: {  	v60 =	vld [tilespmem:s1+$0xFFFFFFB0];
	[tilespmem:s30+$0xFFFFFFC0] =	vst v57;
	v54 =	vmul.f32 v54, v53  }
.Ltmp13:
0x2f2: {  	v57 =	vld [tilespmem:s1+$0xFFFFFFC0];
	[tilespmem:s30+$0xFFFFFFD0] =	vst v55;
	v56 =	vmul.f32 v56, v53;
	(pc) =	sbr.rel @p0 .LBB2_24-.Ltmp13, $4  }
0x2f3: {  	v55 =	vld [tilespmem:s1+$0xFFFFFFD0];
	v58 =	vmul.f32 v58, v53;
	[tilespmem:s30+$0xFFFFFFE0] =	vst v54  }
0x2f4: {  	v54 =	vld [tilespmem:s1+$0xFFFFFFE0];
	v61 =	vmul.f32 v61, v53;
	[tilespmem:s30+$0xFFFFFFF0] =	vst v56  }
0x2f5: {  	v59 =	vmul.f32 v59, v53;
	v56 =	vld [tilespmem:s1+$0xFFFFFFF0];
	[tilespmem:s30+$0xFFFFFF90] =	vst v58;
	s30 =	smov.u32 s1  }
0x2f6: {  	s1 =	sadd.s32 $0x400, s1;
	v58 =	vld [tilespmem:s30+$0xFFFFFF90];
	v60 =	vmul.f32 v60, v53;
	[tilespmem:s30+$0x0] =	vst v61  }
0x2f7: {  	[tilespmem:s30+$0xFFFFFFA0] =	vst v59;
	v57 =	vmul.f32 v57, v53  }
0x2f8: {  	[tilespmem:s30+$0xFFFFFFB0] =	vst v60;
	v55 =	vmul.f32 v55, v53  }
0x2f9: {  	[tilespmem:s30+$0xFFFFFFC0] =	vst v57;
	v54 =	vmul.f32 v54, v53  }
0x2fa: {  	[tilespmem:s30+$0xFFFFFFD0] =	vst v55;
	v62 =	vmul.f32 v56, v53  }
0x2fb: {  	v63 =	vmul.f32 v58, v53;
	[tilespmem:s30+$0xFFFFFFE0] =	vst v54  }
0x2fc: {  	[tilespmem:s30+$0xFFFFFFF0] =	vst v62  }
0x2fd: {  	[tilespmem:s30+$0xFFFFFF90] =	vst v63  }
0x2fe: {  	v53 =	vld.idx.msk [tilespmem:v45+s25+$0x0], $0xffff;
	_ =	sdelay $0x5  }
0x2ff: {  	s30 =	simm.s32 $0x4770  }
0x300: {  	v56 =	vld [tilespmem:s30+$0x0]  }
0x301: {  	v53 =	vld.idx.msk [tilespmem:v53+s4+$0x0], $0xffff  }
0x302: {  	v58 =	vld [tilespmem:s30+$0xFFFFFFA0]  }
0x303: {  	v60 =	vld [tilespmem:s30+$0xFFFFFFB0]  }
0x304: {  	v57 =	vld [tilespmem:s30+$0xFFFFFFC0]  }
0x305: {  	v55 =	vld [tilespmem:s30+$0xFFFFFFD0]  }
0x306: {  	v54 =	vld [tilespmem:s30+$0xFFFFFFE0];
	v61 =	vmul.f32 v56, v53  }
0x307: {  	v56 =	vld [tilespmem:s30+$0xFFFFFFF0];
	v59 =	vmul.f32 v58, v53  }
0x308: {  	s31 =	simm.s32 $0x0;
	s1 =	simm.s32 $0x4B70;
	v58 =	vld [tilespmem:s30+$0xFFFFFF90];
	v60 =	vmul.f32 v60, v53;
	[tilespmem:s30+$0x0] =	vst v61  }
.LBB2_26:
0x309: {  	v61 =	vld [tilespmem:s1+$0x0];
	s31 =	sadd.s32 $0x8, s31;
	[tilespmem:s30+$0xFFFFFFA0] =	vst v59;
	v57 =	vmul.f32 v57, v53  }
0x30a: {  	v59 =	vld [tilespmem:s1+$0xFFFFFFA0];
	p0 =	slt.u32 s31, $0x78;
	[tilespmem:s30+$0xFFFFFFB0] =	vst v60;
	v55 =	vmul.f32 v55, v53  }
0x30b: {  	v60 =	vld [tilespmem:s1+$0xFFFFFFB0];
	[tilespmem:s30+$0xFFFFFFC0] =	vst v57;
	v54 =	vmul.f32 v54, v53  }
.Ltmp14:
0x30c: {  	v57 =	vld [tilespmem:s1+$0xFFFFFFC0];
	[tilespmem:s30+$0xFFFFFFD0] =	vst v55;
	v56 =	vmul.f32 v56, v53;
	(pc) =	sbr.rel @p0 .LBB2_26-.Ltmp14, $4  }
0x30d: {  	v55 =	vld [tilespmem:s1+$0xFFFFFFD0];
	v58 =	vmul.f32 v58, v53;
	[tilespmem:s30+$0xFFFFFFE0] =	vst v54  }
0x30e: {  	v54 =	vld [tilespmem:s1+$0xFFFFFFE0];
	v61 =	vmul.f32 v61, v53;
	[tilespmem:s30+$0xFFFFFFF0] =	vst v56  }
0x30f: {  	v59 =	vmul.f32 v59, v53;
	v56 =	vld [tilespmem:s1+$0xFFFFFFF0];
	[tilespmem:s30+$0xFFFFFF90] =	vst v58;
	s30 =	smov.u32 s1  }
0x310: {  	s1 =	sadd.s32 $0x400, s1;
	v58 =	vld [tilespmem:s30+$0xFFFFFF90];
	v60 =	vmul.f32 v60, v53;
	[tilespmem:s30+$0x0] =	vst v61  }
0x311: {  	[tilespmem:s30+$0xFFFFFFA0] =	vst v59;
	v57 =	vmul.f32 v57, v53  }
0x312: {  	[tilespmem:s30+$0xFFFFFFB0] =	vst v60;
	v55 =	vmul.f32 v55, v53  }
0x313: {  	[tilespmem:s30+$0xFFFFFFC0] =	vst v57;
	v54 =	vmul.f32 v54, v53  }
0x314: {  	[tilespmem:s30+$0xFFFFFFD0] =	vst v55;
	v62 =	vmul.f32 v56, v53  }
0x315: {  	v63 =	vmul.f32 v58, v53;
	[tilespmem:s30+$0xFFFFFFE0] =	vst v54  }
0x316: {  	[tilespmem:s30+$0xFFFFFFF0] =	vst v62  }
0x317: {  	[tilespmem:s30+$0xFFFFFF90] =	vst v63  }
0x318: {  	v53 =	vld.idx.msk [tilespmem:v46+s25+$0x0], $0xffff;
	_ =	sdelay $0x5  }
0x319: {  	s30 =	simm.s32 $0x47F0  }
0x31a: {  	v56 =	vld [tilespmem:s30+$0x0]  }
0x31b: {  	v53 =	vld.idx.msk [tilespmem:v53+s4+$0x0], $0xffff  }
0x31c: {  	v58 =	vld [tilespmem:s30+$0xFFFFFFA0]  }
0x31d: {  	v60 =	vld [tilespmem:s30+$0xFFFFFFB0]  }
0x31e: {  	v57 =	vld [tilespmem:s30+$0xFFFFFFC0]  }
0x31f: {  	v55 =	vld [tilespmem:s30+$0xFFFFFFD0]  }
0x320: {  	v54 =	vld [tilespmem:s30+$0xFFFFFFE0];
	v61 =	vmul.f32 v56, v53  }
0x321: {  	v56 =	vld [tilespmem:s30+$0xFFFFFFF0];
	v59 =	vmul.f32 v58, v53  }
0x322: {  	s31 =	simm.s32 $0x0;
	s1 =	simm.s32 $0x4BF0;
	v58 =	vld [tilespmem:s30+$0xFFFFFF90];
	v60 =	vmul.f32 v60, v53;
	[tilespmem:s30+$0x0] =	vst v61  }
.LBB2_28:
0x323: {  	v61 =	vld [tilespmem:s1+$0x0];
	s31 =	sadd.s32 $0x8, s31;
	[tilespmem:s30+$0xFFFFFFA0] =	vst v59;
	v57 =	vmul.f32 v57, v53  }
0x324: {  	v59 =	vld [tilespmem:s1+$0xFFFFFFA0];
	p0 =	slt.u32 s31, $0x78;
	[tilespmem:s30+$0xFFFFFFB0] =	vst v60;
	v55 =	vmul.f32 v55, v53  }
0x325: {  	v60 =	vld [tilespmem:s1+$0xFFFFFFB0];
	[tilespmem:s30+$0xFFFFFFC0] =	vst v57;
	v54 =	vmul.f32 v54, v53  }
.Ltmp15:
0x326: {  	v57 =	vld [tilespmem:s1+$0xFFFFFFC0];
	[tilespmem:s30+$0xFFFFFFD0] =	vst v55;
	v56 =	vmul.f32 v56, v53;
	(pc) =	sbr.rel @p0 .LBB2_28-.Ltmp15, $4  }
0x327: {  	v55 =	vld [tilespmem:s1+$0xFFFFFFD0];
	v58 =	vmul.f32 v58, v53;
	[tilespmem:s30+$0xFFFFFFE0] =	vst v54  }
0x328: {  	v54 =	vld [tilespmem:s1+$0xFFFFFFE0];
	v61 =	vmul.f32 v61, v53;
	[tilespmem:s30+$0xFFFFFFF0] =	vst v56  }
0x329: {  	v59 =	vmul.f32 v59, v53;
	v56 =	vld [tilespmem:s1+$0xFFFFFFF0];
	[tilespmem:s30+$0xFFFFFF90] =	vst v58;
	s30 =	smov.u32 s1  }
0x32a: {  	s1 =	sadd.s32 $0x400, s1;
	v58 =	vld [tilespmem:s30+$0xFFFFFF90];
	v60 =	vmul.f32 v60, v53;
	[tilespmem:s30+$0x0] =	vst v61  }
0x32b: {  	[tilespmem:s30+$0xFFFFFFA0] =	vst v59;
	v57 =	vmul.f32 v57, v53  }
0x32c: {  	[tilespmem:s30+$0xFFFFFFB0] =	vst v60;
	v55 =	vmul.f32 v55, v53  }
0x32d: {  	[tilespmem:s30+$0xFFFFFFC0] =	vst v57;
	v54 =	vmul.f32 v54, v53  }
0x32e: {  	[tilespmem:s30+$0xFFFFFFD0] =	vst v55;
	v62 =	vmul.f32 v56, v53  }
0x32f: {  	v63 =	vmul.f32 v58, v53;
	[tilespmem:s30+$0xFFFFFFE0] =	vst v54  }
0x330: {  	[tilespmem:s30+$0xFFFFFFF0] =	vst v62  }
0x331: {  	[tilespmem:s30+$0xFFFFFF90] =	vst v63  }
0x332: {  	v53 =	vld.idx.msk [tilespmem:v47+s25+$0x0], $0xffff;
	_ =	sdelay $0x5  }
0x333: {  	s30 =	simm.s32 $0x4870  }
0x334: {  	v56 =	vld [tilespmem:s30+$0x0]  }
0x335: {  	v53 =	vld.idx.msk [tilespmem:v53+s4+$0x0], $0xffff  }
0x336: {  	v58 =	vld [tilespmem:s30+$0xFFFFFFA0]  }
0x337: {  	v60 =	vld [tilespmem:s30+$0xFFFFFFB0]  }
0x338: {  	v57 =	vld [tilespmem:s30+$0xFFFFFFC0]  }
0x339: {  	v55 =	vld [tilespmem:s30+$0xFFFFFFD0]  }
0x33a: {  	v54 =	vld [tilespmem:s30+$0xFFFFFFE0];
	v61 =	vmul.f32 v56, v53  }
0x33b: {  	v56 =	vld [tilespmem:s30+$0xFFFFFFF0];
	v59 =	vmul.f32 v58, v53  }
0x33c: {  	s31 =	simm.s32 $0x0;
	s1 =	simm.s32 $0x4C70;
	v58 =	vld [tilespmem:s30+$0xFFFFFF90];
	v60 =	vmul.f32 v60, v53;
	[tilespmem:s30+$0x0] =	vst v61  }
.LBB2_30:
0x33d: {  	v61 =	vld [tilespmem:s1+$0x0];
	s31 =	sadd.s32 $0x8, s31;
	[tilespmem:s30+$0xFFFFFFA0] =	vst v59;
	v57 =	vmul.f32 v57, v53  }
0x33e: {  	v59 =	vld [tilespmem:s1+$0xFFFFFFA0];
	p0 =	slt.u32 s31, $0x78;
	[tilespmem:s30+$0xFFFFFFB0] =	vst v60;
	v55 =	vmul.f32 v55, v53  }
0x33f: {  	v60 =	vld [tilespmem:s1+$0xFFFFFFB0];
	[tilespmem:s30+$0xFFFFFFC0] =	vst v57;
	v54 =	vmul.f32 v54, v53  }
.Ltmp16:
0x340: {  	v57 =	vld [tilespmem:s1+$0xFFFFFFC0];
	[tilespmem:s30+$0xFFFFFFD0] =	vst v55;
	v56 =	vmul.f32 v56, v53;
	(pc) =	sbr.rel @p0 .LBB2_30-.Ltmp16, $4  }
0x341: {  	v55 =	vld [tilespmem:s1+$0xFFFFFFD0];
	v58 =	vmul.f32 v58, v53;
	[tilespmem:s30+$0xFFFFFFE0] =	vst v54  }
0x342: {  	v54 =	vld [tilespmem:s1+$0xFFFFFFE0];
	v61 =	vmul.f32 v61, v53;
	[tilespmem:s30+$0xFFFFFFF0] =	vst v56  }
0x343: {  	v59 =	vmul.f32 v59, v53;
	v56 =	vld [tilespmem:s1+$0xFFFFFFF0];
	[tilespmem:s30+$0xFFFFFF90] =	vst v58;
	s30 =	smov.u32 s1  }
0x344: {  	s1 =	sadd.s32 $0x400, s1;
	v58 =	vld [tilespmem:s30+$0xFFFFFF90];
	v60 =	vmul.f32 v60, v53;
	[tilespmem:s30+$0x0] =	vst v61  }
0x345: {  	[tilespmem:s30+$0xFFFFFFA0] =	vst v59;
	v57 =	vmul.f32 v57, v53  }
0x346: {  	[tilespmem:s30+$0xFFFFFFB0] =	vst v60;
	v55 =	vmul.f32 v55, v53  }
0x347: {  	[tilespmem:s30+$0xFFFFFFC0] =	vst v57;
	v54 =	vmul.f32 v54, v53  }
0x348: {  	[tilespmem:s30+$0xFFFFFFD0] =	vst v55;
	v62 =	vmul.f32 v56, v53  }
0x349: {  	v63 =	vmul.f32 v58, v53;
	[tilespmem:s30+$0xFFFFFFE0] =	vst v54  }
0x34a: {  	[tilespmem:s30+$0xFFFFFFF0] =	vst v62  }
0x34b: {  	[tilespmem:s30+$0xFFFFFF90] =	vst v63  }
0x34c: {  	v53 =	vld.idx.msk [tilespmem:v48+s25+$0x0], $0xffff;
	_ =	sdelay $0x5  }
0x34d: {  	s30 =	simm.s32 $0x48F0  }
0x34e: {  	v56 =	vld [tilespmem:s30+$0x0]  }
0x34f: {  	v53 =	vld.idx.msk [tilespmem:v53+s4+$0x0], $0xffff  }
0x350: {  	v58 =	vld [tilespmem:s30+$0xFFFFFFA0]  }
0x351: {  	v60 =	vld [tilespmem:s30+$0xFFFFFFB0]  }
0x352: {  	v57 =	vld [tilespmem:s30+$0xFFFFFFC0]  }
0x353: {  	v55 =	vld [tilespmem:s30+$0xFFFFFFD0]  }
0x354: {  	v54 =	vld [tilespmem:s30+$0xFFFFFFE0];
	v61 =	vmul.f32 v56, v53  }
0x355: {  	v56 =	vld [tilespmem:s30+$0xFFFFFFF0];
	v59 =	vmul.f32 v58, v53  }
0x356: {  	s31 =	simm.s32 $0x0;
	s1 =	simm.s32 $0x4CF0;
	v58 =	vld [tilespmem:s30+$0xFFFFFF90];
	v60 =	vmul.f32 v60, v53;
	[tilespmem:s30+$0x0] =	vst v61  }
.LBB2_32:
0x357: {  	v61 =	vld [tilespmem:s1+$0x0];
	s31 =	sadd.s32 $0x8, s31;
	[tilespmem:s30+$0xFFFFFFA0] =	vst v59;
	v57 =	vmul.f32 v57, v53  }
0x358: {  	v59 =	vld [tilespmem:s1+$0xFFFFFFA0];
	p0 =	slt.u32 s31, $0x78;
	[tilespmem:s30+$0xFFFFFFB0] =	vst v60;
	v55 =	vmul.f32 v55, v53  }
0x359: {  	v60 =	vld [tilespmem:s1+$0xFFFFFFB0];
	[tilespmem:s30+$0xFFFFFFC0] =	vst v57;
	v54 =	vmul.f32 v54, v53  }
.Ltmp17:
0x35a: {  	v57 =	vld [tilespmem:s1+$0xFFFFFFC0];
	[tilespmem:s30+$0xFFFFFFD0] =	vst v55;
	v56 =	vmul.f32 v56, v53;
	(pc) =	sbr.rel @p0 .LBB2_32-.Ltmp17, $4  }
0x35b: {  	v55 =	vld [tilespmem:s1+$0xFFFFFFD0];
	v58 =	vmul.f32 v58, v53;
	[tilespmem:s30+$0xFFFFFFE0] =	vst v54  }
0x35c: {  	v54 =	vld [tilespmem:s1+$0xFFFFFFE0];
	v61 =	vmul.f32 v61, v53;
	[tilespmem:s30+$0xFFFFFFF0] =	vst v56  }
0x35d: {  	v59 =	vmul.f32 v59, v53;
	v56 =	vld [tilespmem:s1+$0xFFFFFFF0];
	[tilespmem:s30+$0xFFFFFF90] =	vst v58;
	s30 =	smov.u32 s1  }
0x35e: {  	s1 =	sadd.s32 $0x400, s1;
	v58 =	vld [tilespmem:s30+$0xFFFFFF90];
	v60 =	vmul.f32 v60, v53;
	[tilespmem:s30+$0x0] =	vst v61  }
0x35f: {  	[tilespmem:s30+$0xFFFFFFA0] =	vst v59;
	v57 =	vmul.f32 v57, v53  }
0x360: {  	[tilespmem:s30+$0xFFFFFFB0] =	vst v60;
	v55 =	vmul.f32 v55, v53  }
0x361: {  	[tilespmem:s30+$0xFFFFFFC0] =	vst v57;
	v54 =	vmul.f32 v54, v53  }
0x362: {  	[tilespmem:s30+$0xFFFFFFD0] =	vst v55;
	v62 =	vmul.f32 v56, v53  }
0x363: {  	v63 =	vmul.f32 v58, v53;
	[tilespmem:s30+$0xFFFFFFE0] =	vst v54  }
0x364: {  	[tilespmem:s30+$0xFFFFFFF0] =	vst v62  }
0x365: {  	[tilespmem:s30+$0xFFFFFF90] =	vst v63  }
0x366: {  	v53 =	vld.idx.msk [tilespmem:v49+s25+$0x0], $0xffff;
	_ =	sdelay $0x5  }
0x367: {  	s30 =	simm.s32 $0x4970  }
0x368: {  	v56 =	vld [tilespmem:s30+$0x0]  }
0x369: {  	v53 =	vld.idx.msk [tilespmem:v53+s4+$0x0], $0xffff  }
0x36a: {  	v58 =	vld [tilespmem:s30+$0xFFFFFFA0]  }
0x36b: {  	v60 =	vld [tilespmem:s30+$0xFFFFFFB0]  }
0x36c: {  	v57 =	vld [tilespmem:s30+$0xFFFFFFC0]  }
0x36d: {  	v55 =	vld [tilespmem:s30+$0xFFFFFFD0]  }
0x36e: {  	v54 =	vld [tilespmem:s30+$0xFFFFFFE0];
	v61 =	vmul.f32 v56, v53  }
0x36f: {  	v56 =	vld [tilespmem:s30+$0xFFFFFFF0];
	v59 =	vmul.f32 v58, v53  }
0x370: {  	s31 =	simm.s32 $0x0;
	s1 =	simm.s32 $0x4D70;
	v58 =	vld [tilespmem:s30+$0xFFFFFF90];
	v60 =	vmul.f32 v60, v53;
	[tilespmem:s30+$0x0] =	vst v61  }
.LBB2_34:
0x371: {  	v61 =	vld [tilespmem:s1+$0x0];
	s31 =	sadd.s32 $0x8, s31;
	[tilespmem:s30+$0xFFFFFFA0] =	vst v59;
	v57 =	vmul.f32 v57, v53  }
0x372: {  	v59 =	vld [tilespmem:s1+$0xFFFFFFA0];
	p0 =	slt.u32 s31, $0x78;
	[tilespmem:s30+$0xFFFFFFB0] =	vst v60;
	v55 =	vmul.f32 v55, v53  }
0x373: {  	v60 =	vld [tilespmem:s1+$0xFFFFFFB0];
	[tilespmem:s30+$0xFFFFFFC0] =	vst v57;
	v54 =	vmul.f32 v54, v53  }
.Ltmp18:
0x374: {  	v57 =	vld [tilespmem:s1+$0xFFFFFFC0];
	[tilespmem:s30+$0xFFFFFFD0] =	vst v55;
	v56 =	vmul.f32 v56, v53;
	(pc) =	sbr.rel @p0 .LBB2_34-.Ltmp18, $4  }
0x375: {  	v55 =	vld [tilespmem:s1+$0xFFFFFFD0];
	v58 =	vmul.f32 v58, v53;
	[tilespmem:s30+$0xFFFFFFE0] =	vst v54  }
0x376: {  	v54 =	vld [tilespmem:s1+$0xFFFFFFE0];
	v61 =	vmul.f32 v61, v53;
	[tilespmem:s30+$0xFFFFFFF0] =	vst v56  }
0x377: {  	v59 =	vmul.f32 v59, v53;
	v56 =	vld [tilespmem:s1+$0xFFFFFFF0];
	[tilespmem:s30+$0xFFFFFF90] =	vst v58;
	s30 =	smov.u32 s1  }
0x378: {  	s1 =	sadd.s32 $0x400, s1;
	v58 =	vld [tilespmem:s30+$0xFFFFFF90];
	v60 =	vmul.f32 v60, v53;
	[tilespmem:s30+$0x0] =	vst v61  }
0x379: {  	[tilespmem:s30+$0xFFFFFFA0] =	vst v59;
	v57 =	vmul.f32 v57, v53  }
0x37a: {  	[tilespmem:s30+$0xFFFFFFB0] =	vst v60;
	v55 =	vmul.f32 v55, v53  }
0x37b: {  	[tilespmem:s30+$0xFFFFFFC0] =	vst v57;
	v54 =	vmul.f32 v54, v53  }
0x37c: {  	[tilespmem:s30+$0xFFFFFFD0] =	vst v55;
	v60 =	vmul.f32 v56, v53  }
0x37d: {  	v61 =	vmul.f32 v58, v53;
	[tilespmem:s30+$0xFFFFFFE0] =	vst v54  }
0x37e: {  	[tilespmem:s30+$0xFFFFFFF0] =	vst v60  }
0x37f: {  	[tilespmem:s30+$0xFFFFFF90] =	vst v61  }
0x380: {  	v53 =	vld [tilespmem:$0x480];
	_ =	sdelay $0x4  }
0x381: {  	v62 =	vshll.u32 v53, $0x4  }
0x382: {  	v53 =	vand.u32 $0x7, v53;
	v54 =	vand.u32 $0xFFFFFF80, v62  }
0x383: {  	v53 =	vor.u32 v53, v54  }
0x384: {  	v51 =	vperm.xlane v53, v51;
	_ =	sdelay $0x1  }
0x385: {  	v51 =	vadd.s32 v50, v51;
	_ =	sdelay $0x3  }
0x386: {  	s1 =	rddreg [dreg:$0x2];
	s31 =	simm.s32 $0x580  }
0x387: {  	[hbm4b:s1+s4] =	stream.indirect_vreg.scatter [tilespmem:s31], [sflag:$0x1], $0x80, v51, vm0, $0xb8;
	[tilespmem:$0x8580] =	vst v63  }
0x388: {  	s30 =	simm.s32 $0xD80  }
0x389: {  	[hbm4b:s13+s4] =	stream.indirect_vreg.scatter [tilespmem:s30], [sflag:$0x1], $0x80, v51, vm0, $0xb8;
	[tilespmem:$0x8580] =	vst v63  }
0x38a: {  	s0 =	simm.s32 $0x1580  }
0x38b: {  	[hbm4b:s14+s4] =	stream.indirect_vreg.scatter [tilespmem:s0], [sflag:$0x1], $0x80, v51, vm0, $0xb8;
	[tilespmem:$0x8580] =	vst v63  }
0x38c: {  	s5 =	simm.s32 $0x1D80  }
0x38d: {  	[hbm4b:s15+s4] =	stream.indirect_vreg.scatter [tilespmem:s5], [sflag:$0x1], $0x80, v51, vm0, $0xb8;
	[tilespmem:$0x8580] =	vst v63  }
0x38e: {  	s20 =	simm.s32 $0x2580  }
0x38f: {  	[hbm4b:s16+s4] =	stream.indirect_vreg.scatter [tilespmem:s20], [sflag:$0x1], $0x80, v51, vm0, $0xb8;
	[tilespmem:$0x8580] =	vst v63  }
0x390: {  	s21 =	simm.s32 $0x2D80;
	v52 =	vperm.xlane v53, v52  }
0x391: {  	[hbm4b:s17+s4] =	stream.indirect_vreg.scatter [tilespmem:s21], [sflag:$0x1], $0x80, v51, vm0, $0xb8;
	[tilespmem:$0x8580] =	vst v63  }
0x392: {  	s2 =	simm.s32 $0x3580;
	v63 =	vadd.s32 v50, v52  }
0x393: {  	[hbm4b:s18+s4] =	stream.indirect_vreg.scatter [tilespmem:s2], [sflag:$0x1], $0x80, v51, vm0, $0xb8;
	[tilespmem:$0x8580] =	vst v63  }
0x394: {  	s3 =	simm.s32 $0x3D80  }
0x395: {  	[hbm4b:s19+s4] =	stream.indirect_vreg.scatter [tilespmem:s3], [sflag:$0x1], $0x80, v51, vm0, $0xb8;
	[tilespmem:$0x8580] =	vst v63  }
0x396: {  	s23 =	simm.s32 $0x4580  }
0x397: {  	[hbm4b:s1+s4] =	stream.indirect_vreg.scatter [tilespmem:s23], [sflag:$0x1], $0x80, v63, vm0, $0xb8;
	[tilespmem:$0x8580] =	vst v63  }
0x398: {  	s22 =	simm.s32 $0x4D80  }
0x399: {  	[hbm4b:s13+s4] =	stream.indirect_vreg.scatter [tilespmem:s22], [sflag:$0x1], $0x80, v63, vm0, $0xb8;
	[tilespmem:$0x8580] =	vst v63  }
0x39a: {  	_ = 	snop  }
0x39b: {  	[hbm4b:s14+s4] =	stream.indirect_vreg.scatter [tilespmem:s28], [sflag:$0x1], $0x80, v63, vm0, $0xb8;
	[tilespmem:$0x8580] =	vst v63  }
0x39c: {  	s26 =	simm.s32 $0x5D80  }
0x39d: {  	[hbm4b:s15+s4] =	stream.indirect_vreg.scatter [tilespmem:s26], [sflag:$0x1], $0x80, v63, vm0, $0xb8;
	[tilespmem:$0x8580] =	vst v63  }
0x39e: {  	s6 =	simm.s32 $0x6580  }
0x39f: {  	[hbm4b:s16+s4] =	stream.indirect_vreg.scatter [tilespmem:s6], [sflag:$0x1], $0x80, v63, vm0, $0xb8;
	[tilespmem:$0x8580] =	vst v63  }
0x3a0: {  	s7 =	simm.s32 $0x6D80  }
0x3a1: {  	[hbm4b:s17+s4] =	stream.indirect_vreg.scatter [tilespmem:s7], [sflag:$0x1], $0x80, v63, vm0, $0xb8;
	[tilespmem:$0x8580] =	vst v63  }
0x3a2: {  	s8 =	simm.s32 $0x7580  }
0x3a3: {  	[hbm4b:s18+s4] =	stream.indirect_vreg.scatter [tilespmem:s8], [sflag:$0x1], $0x80, v63, vm0, $0xb8;
	[tilespmem:$0x8580] =	vst v63  }
0x3a4: {  	s9 =	simm.s32 $0x7D80  }
0x3a5: {  	[hbm4b:s19+s4] =	stream.indirect_vreg.scatter [tilespmem:s9], [sflag:$0x1], $0x80, v63, vm0, $0xb8;
	[tilespmem:$0x8580] =	vst v63  }
0x3a6: {  	_ =	swait.ge [sflag:s24], $0x8000  }
0x3a7: {  	s29 =	sadd.s32 $0x1, s29;
	s28 =	rddreg [dreg:$0xd]  }
0x3a8: {  	p0 =	sne.s32 s29, s28  }
.Ltmp19:
0x3a9: {  	_ = 	snop;
	(pc) =	sbr.rel @p0 .LBB2_3-.Ltmp19, $4  }
.Ltmp20:
0x3aa: {  	_ = 	snop;
	(pc) =	sbr.rel @!p0 .LBB2_36-.Ltmp20, $4  }
0x3ab: {  	_ = 	snop  }
0x3ac: {  	[sflag:s24] =	ssyncset.done $0x0  }
0x3ad: {  	[sflag:s24] =	ssyncadd.s32 $0xFFFF8000  }
0x3ae: {  	_ = 	snop  }
.LBB2_37:
0x3af: {  	_ =	sfence.sel $0x180000  }
0x3b0: {  	[bflag:$0x0] =	sbarrier.arrive $0xFFFF  }
0x3b1: {  	_ =	strace $0x90000047  }
0x3b2: {  	s0 =	stileid.u32;
	[bflag:$0x2] =	sbarrier.arrive $0xFFFF  }
0x3b3: {  	p0 =	sne.s32 s0, $0x0;
	s0 =	rddreg [dreg:$0x3]  }
0x3b4: {  	s0 =	sadd.s32 @!p0 $0x100000, s0  }
0x3b5: {  	[sflag:s0] =	ssyncadd.tile.s32 @!p0 $0x1;
	_ =	shalt  }
.Lfunc_end2:
_tile_overlayer_lowered:
.L_overlay_start_2:
0x3b6: {  	(tag) =	ssettag $0x2  }
0x3b7: {  	s0 =	rddreg [dreg:$0x0];
	s2 =	stileid.u32  }
0x3b8: {  	s1 =	rddreg [dreg:$0x1];
	p0 =	sne.s32 s2, $0x0  }
0x3b9: {  	s3 =	rddreg [dreg:$0x2];
	[bflag:$0x3] =	sbarrier.arrive $0xFFFF;
	s2 =	simm.s32 @!p0 $0x1C02  }
0x3ba: {  	[timem:s3], [sflag:s2] =	dma.local @!p0 [hbm:s0], s1  }
0x3bb: {  	s0 =	simm.s32 @!p0 $0x2  }
0x3bc: {  	_ =	swait.ge @!p0 [sflag:s0], s1  }
0x3bd: {  	s1 =	ssub.s32 @!p0 $0x0, s1;
	[sflag:s0] =	ssyncset.done @!p0 $0x0  }
0x3be: {  	[sflag:s0] =	ssyncadd.s32 @!p0 s1  }
0x3bf: {  	[bflag:$0x3] =	sbarrier.arrive $0xFFFF  }
0x3c0: {  	_ =	shalt  }

</sc_bundles>
